<compile_context>
chip_gen: v7x
topology: tpu7x:2x2x1
jax: 0.10.2.dev20260603
libtpu: 0.0.44.dev20260713+nightly
codegen_flags: <defaults>
</compile_context>

<pallas_src>
import functools

import jax
import jax.numpy as jnp
from jax import lax
from jax.experimental import pallas as pl
from jax.experimental.pallas import tpu as pltpu
from jax.experimental.pallas import tpu_sc as plsc

B = 4096
NNEG = 256
NCOL = 1 + NNEG
NW = 32
NS = 16
RPT = B // NW
NCHUNK = 4
RC = RPT // NCHUNK
NPC = RC * NNEG
SPC = RC * NCOL
NENT = 1000000
VPT = 62528
VPAD = NS * VPT
NSTAGE = 8
SCH = VPT // NSTAGE

_mesh = plsc.VectorSubcoreMesh(core_axis_name="c", subcore_axis_name="s")


def _bcast(vec16, lane):
    return lax.gather(
        vec16, jnp.full((16, 1), lane, jnp.int32),
        lax.GatherDimensionNumbers(
            offset_dims=(), collapsed_slice_dims=(0,), start_index_map=(0,)),
        (1,), mode=lax.GatherScatterMode.PROMISE_IN_BOUNDS)


@functools.partial(
    pl.kernel,
    mesh=_mesh,
    out_type=jax.ShapeDtypeStruct((B * NCOL,), jnp.float32),
    scratch_types=[
        pltpu.VMEM_SHARED((VPAD,), jnp.float32),
        pltpu.VMEM((RPT,), jnp.int32),
        pltpu.VMEM((RPT,), jnp.float32),
        pltpu.VMEM((RPT,), jnp.int32),
        pltpu.VMEM((RPT,), jnp.float32),
        pltpu.VMEM((RPT,), jnp.int32),
        pltpu.VMEM((RPT,), jnp.float32),
        pltpu.VMEM((NPC,), jnp.int32),
        pltpu.VMEM((NPC,), jnp.int32),
        pltpu.VMEM((NPC,), jnp.float32),
        pltpu.VMEM((NPC,), jnp.float32),
        pltpu.VMEM((SPC,), jnp.float32),
        pltpu.VMEM((SPC,), jnp.float32),
        pltpu.SemaphoreType.DMA,
        pltpu.SemaphoreType.DMA,
        pltpu.SemaphoreType.DMA,
        pltpu.SemaphoreType.DMA,
        pltpu.SemaphoreType.DMA,
    ],
)
def _ebias_kernel(ns_hbm, hidx_hbm, ptidx_hbm, stu_hbm, head_hbm, tail_hbm,
                  out_hbm, table_s, hidx_v, hb_v, pt_v, ptb_v, c0_v, s0_v,
                  nidx0_v, nidx1_v, g0_v, g1_v, sv0_v, sv1_v,
                  sem_g0, sem_g1, sem_h, sem_w0, sem_w1):
    nidx = (nidx0_v, nidx1_v)
    gbuf = (g0_v, g1_v)
    gsem = (sem_g0, sem_g1)
    svbuf = (sv0_v, sv1_v)
    wsem = (sem_w0, sem_w1)
    sid = lax.axis_index("s")
    wid = sid * 2 + lax.axis_index("c")
    r0 = wid * RPT

    def mkidx(g, carry):
        c0_v[pl.ds(g * 16, 16)] = (
            lax.iota(jnp.int32, 16) + (r0 + g * 16)) * NCOL
        return carry
    lax.fori_loop(0, RPT // 16, mkidx, 0)

    pltpu.sync_copy(hidx_hbm.at[pl.ds(r0, RPT)], hidx_v)
    pltpu.sync_copy(ptidx_hbm.at[pl.ds(r0, RPT)], pt_v)
    pltpu.async_copy(head_hbm.at[hidx_v], hb_v, sem_h)
    pltpu.async_copy(stu_hbm.at[c0_v], s0_v, sem_h)

    pltpu.sync_copy(tail_hbm.at[pl.ds(sid * VPT, SCH)],
                    gbuf[0].at[pl.ds(0, SCH)])
    for h in range(NSTAGE):
        b = h % 2
        if h + 1 < NSTAGE:
            off1 = sid * VPT + (h + 1) * SCH
            pltpu.async_copy(tail_hbm.at[pl.ds(off1, SCH)],
                             gbuf[1 - b].at[pl.ds(0, SCH)], gsem[1 - b])
        off = sid * VPT + h * SCH
        pltpu.sync_copy(gbuf[b].at[pl.ds(0, SCH)],
                        table_s.at[pl.ds(off, SCH)])
        if h + 1 < NSTAGE:
            pltpu.make_async_copy(tail_hbm.at[pl.ds(off1, SCH)],
                                  gbuf[1 - b].at[pl.ds(0, SCH)],
                                  gsem[1 - b]).wait()
    plsc.subcore_barrier()

    pltpu.make_async_copy(head_hbm.at[hidx_v], hb_v, sem_h).wait()
    pltpu.make_async_copy(stu_hbm.at[c0_v], s0_v, sem_h).wait()

    pltpu.async_copy(table_s.at[pt_v], ptb_v, sem_h)

    pltpu.sync_copy(ns_hbm.at[pl.ds(r0 * NNEG, NPC)], nidx[0])
    pltpu.async_copy(table_s.at[nidx[0]], gbuf[0], gsem[0])
    for k in range(NCHUNK):
        b = k % 2
        if k + 1 < NCHUNK:
            nb1 = (r0 + (k + 1) * RC) * NNEG
            pltpu.sync_copy(ns_hbm.at[pl.ds(nb1, NPC)], nidx[1 - b])
            pltpu.async_copy(table_s.at[nidx[1 - b]], gbuf[1 - b],
                             gsem[1 - b])
        sb = (r0 + k * RC) * NCOL
        sv_v = svbuf[b]
        if k >= 2:
            sbp = (r0 + (k - 2) * RC) * NCOL
            pltpu.make_async_copy(sv_v, out_hbm.at[pl.ds(sbp, SPC)],
                                  wsem[b]).wait()
        pltpu.sync_copy(stu_hbm.at[pl.ds(sb, SPC)], sv_v)
        pltpu.make_async_copy(table_s.at[nidx[b]], gbuf[b], gsem[b]).wait()
        g_v = gbuf[b]

        def row(rr, carry):
            gr = k * RC + rr
            hbb = _bcast(hb_v[pl.ds((gr // 16) * 16, 16)], gr % 16)
            gb = rr * NNEG
            ob = rr * NCOL + 1
            for c in range(NNEG // 16):
                sv_v[pl.ds(ob + c * 16, 16)] = (
                    sv_v[pl.ds(ob + c * 16, 16)]
                    + g_v[pl.ds(gb + c * 16, 16)] + hbb)
            return carry
        lax.fori_loop(0, RC, row, 0)

        pltpu.async_copy(sv_v, out_hbm.at[pl.ds(sb, SPC)], wsem[b])

    for k in (NCHUNK - 2, NCHUNK - 1):
        sbp = (r0 + k * RC) * NCOL
        pltpu.make_async_copy(svbuf[k % 2], out_hbm.at[pl.ds(sbp, SPC)],
                              wsem[k % 2]).wait()

    pltpu.make_async_copy(table_s.at[pt_v], ptb_v, sem_h).wait()

    def col0(g, carry):
        s = pl.ds(g * 16, 16)
        s0_v[s] = s0_v[s] + hb_v[s] + ptb_v[s]
        return carry
    lax.fori_loop(0, RPT // 16, col0, 0)
    pltpu.async_copy(s0_v, out_hbm.at[c0_v], sem_h)
    pltpu.make_async_copy(s0_v, out_hbm.at[c0_v], sem_h).wait()


def kernel(positive_sample, negative_sample, stu_dis, head_bias, tail_bias):
    ps = positive_sample.astype(jnp.int32)
    ns = negative_sample.astype(jnp.int32)
    out = _ebias_kernel(
        ns.reshape(-1),
        ps[:, 0],
        ps[:, 2],
        stu_dis.reshape(-1),
        head_bias,
        tail_bias,
    )
    return out.reshape(B, NCOL)

# --- scband reference (transcript-rebuilt; emitter-appended) ---
"""Pipeline reference for scband-entity-bias-1511828488549 (READ-ONLY COPY).

The authoritative reference and input builder live on the scoring server;
editing this copy changes nothing except your own understanding.
"""

import jax, jax.numpy as jnp
import numpy as np

NENTITY = 1000000
B = 4096
NNEG = 256


def setup_inputs(seed: int = 0) -> dict:
    key = jax.random.key(seed)
    k1, k2, k3, k4, k5 = jax.random.split(key, 5)
    positive_sample = jax.random.randint(k1, (B, 3), 0, NENTITY)
    negative_sample = jax.random.randint(k2, (B, NNEG), 0, NENTITY)
    stu_dis = jax.random.normal(k3, (B, 1 + NNEG), dtype=jnp.float32)
    head_bias = jax.random.normal(k4, (NENTITY,), dtype=jnp.float32) * 0.01
    tail_bias = jax.random.normal(k5, (NENTITY,), dtype=jnp.float32) * 0.01
    return {
        "positive_sample": positive_sample,
        "negative_sample": negative_sample,
        "stu_dis": stu_dis,
        "head_bias": head_bias,
        "tail_bias": tail_bias,
    }


def reference(positive_sample, negative_sample, stu_dis, head_bias, tail_bias):
    head_indices = positive_sample[:, 0]
    tail_indices = positive_sample[:, 2]
    hb = jnp.take(head_bias, head_indices, axis=0)            # [B]
    tb_pos = jnp.take(tail_bias, tail_indices, axis=0)        # [B]
    tb_neg = jnp.take(tail_bias, negative_sample, axis=0)     # [B, NNEG]
    tb = jnp.concatenate([tb_pos[:, None], tb_neg], axis=1)   # [B, 1+NNEG]
    out = hb[:, None] + stu_dis                                # broadcast head bias
    out = tb + out
    return out

if __name__ == "__main__":
    import jax
    _d = setup_inputs()
    print(jax.jit(kernel)(*tuple(_d.values())))

</pallas_src>

<mosaic_0001>
#map = affine_map<(d0, d1) -> (0)>
module attributes {stable_mosaic.version = 14 : i64} {
  func.func @_ebias_kernel(%arg0: i32, %arg1: i32, %arg2: memref<1048576xi32, #tpu.memory_space<hbm>>, %arg3: memref<4096xi32, #tpu.memory_space<hbm>>, %arg4: memref<4096xi32, #tpu.memory_space<hbm>>, %arg5: memref<1052672xf32, #tpu.memory_space<hbm>>, %arg6: memref<1000000xf32, #tpu.memory_space<hbm>>, %arg7: memref<1000000xf32, #tpu.memory_space<hbm>>, %arg8: memref<1052672xf32, #tpu.memory_space<hbm>>, %arg9: memref<1000448xf32, #tpu.memory_space<vmem_shared>>, %arg10: memref<128xi32, #tpu.memory_space<vmem>>, %arg11: memref<128xf32, #tpu.memory_space<vmem>>, %arg12: memref<128xi32, #tpu.memory_space<vmem>>, %arg13: memref<128xf32, #tpu.memory_space<vmem>>, %arg14: memref<128xi32, #tpu.memory_space<vmem>>, %arg15: memref<128xf32, #tpu.memory_space<vmem>>, %arg16: memref<8192xi32, #tpu.memory_space<vmem>>, %arg17: memref<8192xi32, #tpu.memory_space<vmem>>, %arg18: memref<8192xf32, #tpu.memory_space<vmem>>, %arg19: memref<8192xf32, #tpu.memory_space<vmem>>, %arg20: memref<8224xf32, #tpu.memory_space<vmem>>, %arg21: memref<8224xf32, #tpu.memory_space<vmem>>, %arg22: memref<!tpu.dma_semaphore, #tpu.memory_space<semaphore_mem>>, %arg23: memref<!tpu.dma_semaphore, #tpu.memory_space<semaphore_mem>>, %arg24: memref<!tpu.dma_semaphore, #tpu.memory_space<semaphore_mem>>, %arg25: memref<!tpu.dma_semaphore, #tpu.memory_space<semaphore_mem>>, %arg26: memref<!tpu.dma_semaphore, #tpu.memory_space<semaphore_mem>>) attributes {dimension_semantics = [#tpu.dimension_semantics<core_parallel>, #tpu.dimension_semantics<subcore_parallel>], iteration_bounds = array<i64: 2, 16>, scalar_prefetch = 0 : i64, scratch_operands = 18 : i64, tpu.core_type = #tpu.core_type<sc_vector_subcore>, window_params = [{transform_indices = #map}, {transform_indices = #map}, {transform_indices = #map}, {transform_indices = #map}, {transform_indices = #map}, {transform_indices = #map}, {transform_indices = #map}]} {
    %mul3A = arith.constant 2 : i32
    %mul3A_0 = arith.muli %arg1, %mul3A : i32
    %add3A = arith.addi %mul3A_0, %arg0 : i32
    %mul3A_1 = arith.constant 128 : i32
    %mul3A_2 = arith.muli %add3A, %mul3A_1 : i32
    %scan3A = arith.constant 0 : i32
    %scan3A_3 = arith.constant 0 : i32
    %scan3A_4 = arith.constant 8 : i32
    %scan3A_5 = arith.addi %scan3A_3, %scan3A_4 : i32
    %scan3A_6 = arith.constant 1 : i32
    scf.for %scan3A_276 = %scan3A_3 to %scan3A_5 step %scan3A_6  : i32 {
      %iota3A = tpu.iota {dimensions = array<i32: 0>} : vector<16xi32>
      %mul3A_277 = arith.constant 16 : i32
      %mul3A_278 = arith.muli %scan3A_276, %mul3A_277 : i32
      %add3A_279 = arith.addi %mul3A_2, %mul3A_278 : i32
      %add3A_280 = vector.broadcast %add3A_279 : i32 to vector<16xi32>
      %add3A_281 = arith.addi %iota3A, %add3A_280 : vector<16xi32>
      %mul3A_282 = arith.constant 257 : i32
      %mul3A_283 = vector.broadcast %mul3A_282 : i32 to vector<16xi32>
      %mul3A_284 = arith.muli %add3A_281, %mul3A_283 : vector<16xi32>
      %mul3A_285 = arith.constant 16 : i32
      %mul3A_286 = arith.muli %scan3A_276, %mul3A_285 : i32
      %swap3A = arith.index_cast %mul3A_286 : i32 to index
      %swap3A_287 = tpu.vector_load %arg14[%swap3A] {strides = array<i32>} : memref<128xi32, #tpu.memory_space<vmem>>, vector<16xi32>,
      %swap3A_288 = vector.shape_cast %swap3A_287 : vector<16xi32> to vector<16xi32>
      %swap3A_289 = vector.shape_cast %mul3A_284 : vector<16xi32> to vector<16xi32>
      tpu.vector_store %arg14[%swap3A], %swap3A_289 {strides = array<i32>} : memref<128xi32, #tpu.memory_space<vmem>>, vector<16xi32>,
    }
    %scan3A_7 = arith.constant 8 : i32
    "tpu.region"() ({
      %run_scoped3A = tpu.sem_alloc : memref<!tpu.dma_semaphore, #tpu.memory_space<semaphore_mem>>
      %dma_start3A_276 = tpu.memref_slice %arg3[%mul3A_2] : memref<4096xi32, #tpu.memory_space<hbm>> -> memref<128xi32, #tpu.memory_space<hbm>>
      %dma_start3A_277 = tpu.memref_slice %arg3[%mul3A_2] : memref<4096xi32, #tpu.memory_space<hbm>> -> memref<128xi32, #tpu.memory_space<hbm>>
      tpu.enqueue_dma source(%dma_start3A_277 : memref<128xi32, #tpu.memory_space<hbm>>) target(%arg10 : memref<128xi32, #tpu.memory_space<vmem>>) target_semaphore(%run_scoped3A : memref<!tpu.dma_semaphore, #tpu.memory_space<semaphore_mem>>)
      %dma_wait3A_278 = tpu.memref_slice %arg3[%mul3A_2] : memref<4096xi32, #tpu.memory_space<hbm>> -> memref<128xi32, #tpu.memory_space<hbm>>
      %dma_wait3A_279 = tpu.memref_slice %arg3[%mul3A_2] : memref<4096xi32, #tpu.memory_space<hbm>> -> memref<128xi32, #tpu.memory_space<hbm>>
      tpu.wait_dma2 semaphore(%run_scoped3A : memref<!tpu.dma_semaphore, #tpu.memory_space<semaphore_mem>>) src(%dma_wait3A_279 : memref<128xi32, #tpu.memory_space<hbm>>) dst(%arg10 : memref<128xi32, #tpu.memory_space<vmem>>)
      tpu.yield
    }) : () -> ()
    "tpu.region"() ({
      %run_scoped3A = tpu.sem_alloc : memref<!tpu.dma_semaphore, #tpu.memory_space<semaphore_mem>>
      %dma_start3A_276 = tpu.memref_slice %arg4[%mul3A_2] : memref<4096xi32, #tpu.memory_space<hbm>> -> memref<128xi32, #tpu.memory_space<hbm>>
      %dma_start3A_277 = tpu.memref_slice %arg4[%mul3A_2] : memref<4096xi32, #tpu.memory_space<hbm>> -> memref<128xi32, #tpu.memory_space<hbm>>
      tpu.enqueue_dma source(%dma_start3A_277 : memref<128xi32, #tpu.memory_space<hbm>>) target(%arg12 : memref<128xi32, #tpu.memory_space<vmem>>) target_semaphore(%run_scoped3A : memref<!tpu.dma_semaphore, #tpu.memory_space<semaphore_mem>>)
      %dma_wait3A_278 = tpu.memref_slice %arg4[%mul3A_2] : memref<4096xi32, #tpu.memory_space<hbm>> -> memref<128xi32, #tpu.memory_space<hbm>>
      %dma_wait3A_279 = tpu.memref_slice %arg4[%mul3A_2] : memref<4096xi32, #tpu.memory_space<hbm>> -> memref<128xi32, #tpu.memory_space<hbm>>
      tpu.wait_dma2 semaphore(%run_scoped3A : memref<!tpu.dma_semaphore, #tpu.memory_space<semaphore_mem>>) src(%dma_wait3A_279 : memref<128xi32, #tpu.memory_space<hbm>>) dst(%arg12 : memref<128xi32, #tpu.memory_space<vmem>>)
      tpu.yield
    }) : () -> ()
    %dma_start3A = arith.constant 0 : i32
    %dma_start3A_8 = tpu.memref_slice %arg6[%dma_start3A] : memref<1000000xf32, #tpu.memory_space<hbm>> -> memref<1000000xf32, #tpu.memory_space<hbm>>
    tpu.enqueue_indirect_dma source(%dma_start3A_8 : memref<1000000xf32, #tpu.memory_space<hbm>>) target(%arg11 : memref<128xf32, #tpu.memory_space<vmem>>) offsets(%arg10 : memref<128xi32, #tpu.memory_space<vmem>>) semaphore(%arg24 : memref<!tpu.dma_semaphore, #tpu.memory_space<semaphore_mem>>)
    %dma_start3A_9 = arith.constant 0 : i32
    %dma_start3A_10 = tpu.memref_slice %arg5[%dma_start3A_9] : memref<1052672xf32, #tpu.memory_space<hbm>> -> memref<1052672xf32, #tpu.memory_space<hbm>>
    tpu.enqueue_indirect_dma source(%dma_start3A_10 : memref<1052672xf32, #tpu.memory_space<hbm>>) target(%arg15 : memref<128xf32, #tpu.memory_space<vmem>>) offsets(%arg14 : memref<128xi32, #tpu.memory_space<vmem>>) semaphore(%arg24 : memref<!tpu.dma_semaphore, #tpu.memory_space<semaphore_mem>>)
    %mul3A_11 = arith.constant 62528 : i32
    %mul3A_12 = arith.muli %arg1, %mul3A_11 : i32
    "tpu.region"() ({
      %run_scoped3A = tpu.sem_alloc : memref<!tpu.dma_semaphore, #tpu.memory_space<semaphore_mem>>
      %dma_start3A_276 = arith.constant 0 : i32
      %dma_start3A_277 = tpu.memref_slice %arg18[%dma_start3A_276] : memref<8192xf32, #tpu.memory_space<vmem>> -> memref<7816xf32, #tpu.memory_space<vmem>>
      %dma_start3A_278 = tpu.memref_slice %arg7[%mul3A_12] : memref<1000000xf32, #tpu.memory_space<hbm>> -> memref<7816xf32, #tpu.memory_space<hbm>>
      %dma_start3A_279 = arith.constant 0 : i32
      %dma_start3A_280 = tpu.memref_slice %arg18[%dma_start3A_279] : memref<8192xf32, #tpu.memory_space<vmem>> -> memref<7816xf32, #tpu.memory_space<vmem>>
      %dma_start3A_281 = tpu.memref_slice %arg7[%mul3A_12] : memref<1000000xf32, #tpu.memory_space<hbm>> -> memref<7816xf32, #tpu.memory_space<hbm>>
      tpu.enqueue_dma source(%dma_start3A_281 : memref<7816xf32, #tpu.memory_space<hbm>>) target(%dma_start3A_280 : memref<7816xf32, #tpu.memory_space<vmem>>) target_semaphore(%run_scoped3A : memref<!tpu.dma_semaphore, #tpu.memory_space<semaphore_mem>>)
      %dma_wait3A_282 = arith.constant 0 : i32
      %dma_wait3A_283 = tpu.memref_slice %arg18[%dma_wait3A_282] : memref<8192xf32, #tpu.memory_space<vmem>> -> memref<7816xf32, #tpu.memory_space<vmem>>
      %dma_wait3A_284 = tpu.memref_slice %arg7[%mul3A_12] : memref<1000000xf32, #tpu.memory_space<hbm>> -> memref<7816xf32, #tpu.memory_space<hbm>>
      %dma_wait3A_285 = arith.constant 0 : i32
      %dma_wait3A_286 = tpu.memref_slice %arg18[%dma_wait3A_285] : memref<8192xf32, #tpu.memory_space<vmem>> -> memref<7816xf32, #tpu.memory_space<vmem>>
      %dma_wait3A_287 = tpu.memref_slice %arg7[%mul3A_12] : memref<1000000xf32, #tpu.memory_space<hbm>> -> memref<7816xf32, #tpu.memory_space<hbm>>
      tpu.wait_dma2 semaphore(%run_scoped3A : memref<!tpu.dma_semaphore, #tpu.memory_space<semaphore_mem>>) src(%dma_wait3A_287 : memref<7816xf32, #tpu.memory_space<hbm>>) dst(%dma_wait3A_286 : memref<7816xf32, #tpu.memory_space<vmem>>)
      tpu.yield
    }) : () -> ()
    %mul3A_13 = arith.constant 62528 : i32
    %mul3A_14 = arith.muli %arg1, %mul3A_13 : i32
    %add3A_15 = arith.constant 7816 : i32
    %add3A_16 = arith.addi %mul3A_14, %add3A_15 : i32
    %dma_start3A_17 = arith.constant 0 : i32
    %dma_start3A_18 = tpu.memref_slice %arg19[%dma_start3A_17] : memref<8192xf32, #tpu.memory_space<vmem>> -> memref<7816xf32, #tpu.memory_space<vmem>>
    %dma_start3A_19 = tpu.memref_slice %arg7[%add3A_16] : memref<1000000xf32, #tpu.memory_space<hbm>> -> memref<7816xf32, #tpu.memory_space<hbm>>
    %dma_start3A_20 = arith.constant 0 : i32
    %dma_start3A_21 = tpu.memref_slice %arg19[%dma_start3A_20] : memref<8192xf32, #tpu.memory_space<vmem>> -> memref<7816xf32, #tpu.memory_space<vmem>>
    %dma_start3A_22 = tpu.memref_slice %arg7[%add3A_16] : memref<1000000xf32, #tpu.memory_space<hbm>> -> memref<7816xf32, #tpu.memory_space<hbm>>
    tpu.enqueue_dma source(%dma_start3A_22 : memref<7816xf32, #tpu.memory_space<hbm>>) target(%dma_start3A_21 : memref<7816xf32, #tpu.memory_space<vmem>>) target_semaphore(%arg23 : memref<!tpu.dma_semaphore, #tpu.memory_space<semaphore_mem>>)
    %mul3A_23 = arith.constant 62528 : i32
    %mul3A_24 = arith.muli %arg1, %mul3A_23 : i32
    %add3A_25 = arith.constant 0 : i32
    %add3A_26 = arith.addi %mul3A_24, %add3A_25 : i32
    "tpu.region"() ({
      %run_scoped3A = tpu.sem_alloc : memref<!tpu.dma_semaphore, #tpu.memory_space<semaphore_mem>>
      %dma_start3A_276 = arith.constant 0 : i32
      %dma_start3A_277 = tpu.memref_slice %arg18[%dma_start3A_276] : memref<8192xf32, #tpu.memory_space<vmem>> -> memref<7816xf32, #tpu.memory_space<vmem>>
      %dma_start3A_278 = tpu.memref_slice %arg9[%add3A_26] : memref<1000448xf32, #tpu.memory_space<vmem_shared>> -> memref<7816xf32, #tpu.memory_space<vmem_shared>>
      %dma_start3A_279 = tpu.memref_slice %arg9[%add3A_26] : memref<1000448xf32, #tpu.memory_space<vmem_shared>> -> memref<7816xf32, #tpu.memory_space<vmem_shared>>
      %dma_start3A_280 = arith.constant 0 : i32
      %dma_start3A_281 = tpu.memref_slice %arg18[%dma_start3A_280] : memref<8192xf32, #tpu.memory_space<vmem>> -> memref<7816xf32, #tpu.memory_space<vmem>>
      tpu.enqueue_dma source(%dma_start3A_281 : memref<7816xf32, #tpu.memory_space<vmem>>) target(%dma_start3A_279 : memref<7816xf32, #tpu.memory_space<vmem_shared>>) target_semaphore(%run_scoped3A : memref<!tpu.dma_semaphore, #tpu.memory_space<semaphore_mem>>)
      %dma_wait3A_282 = arith.constant 0 : i32
      %dma_wait3A_283 = tpu.memref_slice %arg18[%dma_wait3A_282] : memref<8192xf32, #tpu.memory_space<vmem>> -> memref<7816xf32, #tpu.memory_space<vmem>>
      %dma_wait3A_284 = tpu.memref_slice %arg9[%add3A_26] : memref<1000448xf32, #tpu.memory_space<vmem_shared>> -> memref<7816xf32, #tpu.memory_space<vmem_shared>>
      %dma_wait3A_285 = tpu.memref_slice %arg9[%add3A_26] : memref<1000448xf32, #tpu.memory_space<vmem_shared>> -> memref<7816xf32, #tpu.memory_space<vmem_shared>>
      %dma_wait3A_286 = arith.constant 0 : i32
      %dma_wait3A_287 = tpu.memref_slice %arg18[%dma_wait3A_286] : memref<8192xf32, #tpu.memory_space<vmem>> -> memref<7816xf32, #tpu.memory_space<vmem>>
      tpu.wait_dma2 semaphore(%run_scoped3A : memref<!tpu.dma_semaphore, #tpu.memory_space<semaphore_mem>>) src(%dma_wait3A_287 : memref<7816xf32, #tpu.memory_space<vmem>>) dst(%dma_wait3A_285 : memref<7816xf32, #tpu.memory_space<vmem_shared>>)
      tpu.yield
    }) : () -> ()
    %dma_wait3A = arith.constant 0 : i32
    %dma_wait3A_27 = tpu.memref_slice %arg19[%dma_wait3A] : memref<8192xf32, #tpu.memory_space<vmem>> -> memref<7816xf32, #tpu.memory_space<vmem>>
    %dma_wait3A_28 = tpu.memref_slice %arg7[%add3A_16] : memref<1000000xf32, #tpu.memory_space<hbm>> -> memref<7816xf32, #tpu.memory_space<hbm>>
    %dma_wait3A_29 = arith.constant 0 : i32
    %dma_wait3A_30 = tpu.memref_slice %arg19[%dma_wait3A_29] : memref<8192xf32, #tpu.memory_space<vmem>> -> memref<7816xf32, #tpu.memory_space<vmem>>
    %dma_wait3A_31 = tpu.memref_slice %arg7[%add3A_16] : memref<1000000xf32, #tpu.memory_space<hbm>> -> memref<7816xf32, #tpu.memory_space<hbm>>
    tpu.wait_dma2 semaphore(%arg23 : memref<!tpu.dma_semaphore, #tpu.memory_space<semaphore_mem>>) src(%dma_wait3A_31 : memref<7816xf32, #tpu.memory_space<hbm>>) dst(%dma_wait3A_30 : memref<7816xf32, #tpu.memory_space<vmem>>)
    %mul3A_32 = arith.constant 62528 : i32
    %mul3A_33 = arith.muli %arg1, %mul3A_32 : i32
    %add3A_34 = arith.constant 15632 : i32
    %add3A_35 = arith.addi %mul3A_33, %add3A_34 : i32
    %dma_start3A_36 = arith.constant 0 : i32
    %dma_start3A_37 = tpu.memref_slice %arg18[%dma_start3A_36] : memref<8192xf32, #tpu.memory_space<vmem>> -> memref<7816xf32, #tpu.memory_space<vmem>>
    %dma_start3A_38 = tpu.memref_slice %arg7[%add3A_35] : memref<1000000xf32, #tpu.memory_space<hbm>> -> memref<7816xf32, #tpu.memory_space<hbm>>
    %dma_start3A_39 = arith.constant 0 : i32
    %dma_start3A_40 = tpu.memref_slice %arg18[%dma_start3A_39] : memref<8192xf32, #tpu.memory_space<vmem>> -> memref<7816xf32, #tpu.memory_space<vmem>>
    %dma_start3A_41 = tpu.memref_slice %arg7[%add3A_35] : memref<1000000xf32, #tpu.memory_space<hbm>> -> memref<7816xf32, #tpu.memory_space<hbm>>
    tpu.enqueue_dma source(%dma_start3A_41 : memref<7816xf32, #tpu.memory_space<hbm>>) target(%dma_start3A_40 : memref<7816xf32, #tpu.memory_space<vmem>>) target_semaphore(%arg22 : memref<!tpu.dma_semaphore, #tpu.memory_space<semaphore_mem>>)
    %mul3A_42 = arith.constant 62528 : i32
    %mul3A_43 = arith.muli %arg1, %mul3A_42 : i32
    %add3A_44 = arith.constant 7816 : i32
    %add3A_45 = arith.addi %mul3A_43, %add3A_44 : i32
    "tpu.region"() ({
      %run_scoped3A = tpu.sem_alloc : memref<!tpu.dma_semaphore, #tpu.memory_space<semaphore_mem>>
      %dma_start3A_276 = arith.constant 0 : i32
      %dma_start3A_277 = tpu.memref_slice %arg19[%dma_start3A_276] : memref<8192xf32, #tpu.memory_space<vmem>> -> memref<7816xf32, #tpu.memory_space<vmem>>
      %dma_start3A_278 = tpu.memref_slice %arg9[%add3A_45] : memref<1000448xf32, #tpu.memory_space<vmem_shared>> -> memref<7816xf32, #tpu.memory_space<vmem_shared>>
      %dma_start3A_279 = tpu.memref_slice %arg9[%add3A_45] : memref<1000448xf32, #tpu.memory_space<vmem_shared>> -> memref<7816xf32, #tpu.memory_space<vmem_shared>>
      %dma_start3A_280 = arith.constant 0 : i32
      %dma_start3A_281 = tpu.memref_slice %arg19[%dma_start3A_280] : memref<8192xf32, #tpu.memory_space<vmem>> -> memref<7816xf32, #tpu.memory_space<vmem>>
      tpu.enqueue_dma source(%dma_start3A_281 : memref<7816xf32, #tpu.memory_space<vmem>>) target(%dma_start3A_279 : memref<7816xf32, #tpu.memory_space<vmem_shared>>) target_semaphore(%run_scoped3A : memref<!tpu.dma_semaphore, #tpu.memory_space<semaphore_mem>>)
      %dma_wait3A_282 = arith.constant 0 : i32
      %dma_wait3A_283 = tpu.memref_slice %arg19[%dma_wait3A_282] : memref<8192xf32, #tpu.memory_space<vmem>> -> memref<7816xf32, #tpu.memory_space<vmem>>
      %dma_wait3A_284 = tpu.memref_slice %arg9[%add3A_45] : memref<1000448xf32, #tpu.memory_space<vmem_shared>> -> memref<7816xf32, #tpu.memory_space<vmem_shared>>
      %dma_wait3A_285 = tpu.memref_slice %arg9[%add3A_45] : memref<1000448xf32, #tpu.memory_space<vmem_shared>> -> memref<7816xf32, #tpu.memory_space<vmem_shared>>
      %dma_wait3A_286 = arith.constant 0 : i32
      %dma_wait3A_287 = tpu.memref_slice %arg19[%dma_wait3A_286] : memref<8192xf32, #tpu.memory_space<vmem>> -> memref<7816xf32, #tpu.memory_space<vmem>>
      tpu.wait_dma2 semaphore(%run_scoped3A : memref<!tpu.dma_semaphore, #tpu.memory_space<semaphore_mem>>) src(%dma_wait3A_287 : memref<7816xf32, #tpu.memory_space<vmem>>) dst(%dma_wait3A_285 : memref<7816xf32, #tpu.memory_space<vmem_shared>>)
      tpu.yield
    }) : () -> ()
    %dma_wait3A_46 = arith.constant 0 : i32
    %dma_wait3A_47 = tpu.memref_slice %arg18[%dma_wait3A_46] : memref<8192xf32, #tpu.memory_space<vmem>> -> memref<7816xf32, #tpu.memory_space<vmem>>
    %dma_wait3A_48 = tpu.memref_slice %arg7[%add3A_35] : memref<1000000xf32, #tpu.memory_space<hbm>> -> memref<7816xf32, #tpu.memory_space<hbm>>
    %dma_wait3A_49 = arith.constant 0 : i32
    %dma_wait3A_50 = tpu.memref_slice %arg18[%dma_wait3A_49] : memref<8192xf32, #tpu.memory_space<vmem>> -> memref<7816xf32, #tpu.memory_space<vmem>>
    %dma_wait3A_51 = tpu.memref_slice %arg7[%add3A_35] : memref<1000000xf32, #tpu.memory_space<hbm>> -> memref<7816xf32, #tpu.memory_space<hbm>>
    tpu.wait_dma2 semaphore(%arg22 : memref<!tpu.dma_semaphore, #tpu.memory_space<semaphore_mem>>) src(%dma_wait3A_51 : memref<7816xf32, #tpu.memory_space<hbm>>) dst(%dma_wait3A_50 : memref<7816xf32, #tpu.memory_space<vmem>>)
    %mul3A_52 = arith.constant 62528 : i32
    %mul3A_53 = arith.muli %arg1, %mul3A_52 : i32
    %add3A_54 = arith.constant 23448 : i32
    %add3A_55 = arith.addi %mul3A_53, %add3A_54 : i32
    %dma_start3A_56 = arith.constant 0 : i32
    %dma_start3A_57 = tpu.memref_slice %arg19[%dma_start3A_56] : memref<8192xf32, #tpu.memory_space<vmem>> -> memref<7816xf32, #tpu.memory_space<vmem>>
    %dma_start3A_58 = tpu.memref_slice %arg7[%add3A_55] : memref<1000000xf32, #tpu.memory_space<hbm>> -> memref<7816xf32, #tpu.memory_space<hbm>>
    %dma_start3A_59 = arith.constant 0 : i32
    %dma_start3A_60 = tpu.memref_slice %arg19[%dma_start3A_59] : memref<8192xf32, #tpu.memory_space<vmem>> -> memref<7816xf32, #tpu.memory_space<vmem>>
    %dma_start3A_61 = tpu.memref_slice %arg7[%add3A_55] : memref<1000000xf32, #tpu.memory_space<hbm>> -> memref<7816xf32, #tpu.memory_space<hbm>>
    tpu.enqueue_dma source(%dma_start3A_61 : memref<7816xf32, #tpu.memory_space<hbm>>) target(%dma_start3A_60 : memref<7816xf32, #tpu.memory_space<vmem>>) target_semaphore(%arg23 : memref<!tpu.dma_semaphore, #tpu.memory_space<semaphore_mem>>)
    %mul3A_62 = arith.constant 62528 : i32
    %mul3A_63 = arith.muli %arg1, %mul3A_62 : i32
    %add3A_64 = arith.constant 15632 : i32
    %add3A_65 = arith.addi %mul3A_63, %add3A_64 : i32
    "tpu.region"() ({
      %run_scoped3A = tpu.sem_alloc : memref<!tpu.dma_semaphore, #tpu.memory_space<semaphore_mem>>
      %dma_start3A_276 = arith.constant 0 : i32
      %dma_start3A_277 = tpu.memref_slice %arg18[%dma_start3A_276] : memref<8192xf32, #tpu.memory_space<vmem>> -> memref<7816xf32, #tpu.memory_space<vmem>>
      %dma_start3A_278 = tpu.memref_slice %arg9[%add3A_65] : memref<1000448xf32, #tpu.memory_space<vmem_shared>> -> memref<7816xf32, #tpu.memory_space<vmem_shared>>
      %dma_start3A_279 = tpu.memref_slice %arg9[%add3A_65] : memref<1000448xf32, #tpu.memory_space<vmem_shared>> -> memref<7816xf32, #tpu.memory_space<vmem_shared>>
      %dma_start3A_280 = arith.constant 0 : i32
      %dma_start3A_281 = tpu.memref_slice %arg18[%dma_start3A_280] : memref<8192xf32, #tpu.memory_space<vmem>> -> memref<7816xf32, #tpu.memory_space<vmem>>
      tpu.enqueue_dma source(%dma_start3A_281 : memref<7816xf32, #tpu.memory_space<vmem>>) target(%dma_start3A_279 : memref<7816xf32, #tpu.memory_space<vmem_shared>>) target_semaphore(%run_scoped3A : memref<!tpu.dma_semaphore, #tpu.memory_space<semaphore_mem>>)
      %dma_wait3A_282 = arith.constant 0 : i32
      %dma_wait3A_283 = tpu.memref_slice %arg18[%dma_wait3A_282] : memref<8192xf32, #tpu.memory_space<vmem>> -> memref<7816xf32, #tpu.memory_space<vmem>>
      %dma_wait3A_284 = tpu.memref_slice %arg9[%add3A_65] : memref<1000448xf32, #tpu.memory_space<vmem_shared>> -> memref<7816xf32, #tpu.memory_space<vmem_shared>>
      %dma_wait3A_285 = tpu.memref_slice %arg9[%add3A_65] : memref<1000448xf32, #tpu.memory_space<vmem_shared>> -> memref<7816xf32, #tpu.memory_space<vmem_shared>>
      %dma_wait3A_286 = arith.constant 0 : i32
      %dma_wait3A_287 = tpu.memref_slice %arg18[%dma_wait3A_286] : memref<8192xf32, #tpu.memory_space<vmem>> -> memref<7816xf32, #tpu.memory_space<vmem>>
      tpu.wait_dma2 semaphore(%run_scoped3A : memref<!tpu.dma_semaphore, #tpu.memory_space<semaphore_mem>>) src(%dma_wait3A_287 : memref<7816xf32, #tpu.memory_space<vmem>>) dst(%dma_wait3A_285 : memref<7816xf32, #tpu.memory_space<vmem_shared>>)
      tpu.yield
    }) : () -> ()
    %dma_wait3A_66 = arith.constant 0 : i32
    %dma_wait3A_67 = tpu.memref_slice %arg19[%dma_wait3A_66] : memref<8192xf32, #tpu.memory_space<vmem>> -> memref<7816xf32, #tpu.memory_space<vmem>>
    %dma_wait3A_68 = tpu.memref_slice %arg7[%add3A_55] : memref<1000000xf32, #tpu.memory_space<hbm>> -> memref<7816xf32, #tpu.memory_space<hbm>>
    %dma_wait3A_69 = arith.constant 0 : i32
    %dma_wait3A_70 = tpu.memref_slice %arg19[%dma_wait3A_69] : memref<8192xf32, #tpu.memory_space<vmem>> -> memref<7816xf32, #tpu.memory_space<vmem>>
    %dma_wait3A_71 = tpu.memref_slice %arg7[%add3A_55] : memref<1000000xf32, #tpu.memory_space<hbm>> -> memref<7816xf32, #tpu.memory_space<hbm>>
    tpu.wait_dma2 semaphore(%arg23 : memref<!tpu.dma_semaphore, #tpu.memory_space<semaphore_mem>>) src(%dma_wait3A_71 : memref<7816xf32, #tpu.memory_space<hbm>>) dst(%dma_wait3A_70 : memref<7816xf32, #tpu.memory_space<vmem>>)
    %mul3A_72 = arith.constant 62528 : i32
    %mul3A_73 = arith.muli %arg1, %mul3A_72 : i32
    %add3A_74 = arith.constant 31264 : i32
    %add3A_75 = arith.addi %mul3A_73, %add3A_74 : i32
    %dma_start3A_76 = arith.constant 0 : i32
    %dma_start3A_77 = tpu.memref_slice %arg18[%dma_start3A_76] : memref<8192xf32, #tpu.memory_space<vmem>> -> memref<7816xf32, #tpu.memory_space<vmem>>
    %dma_start3A_78 = tpu.memref_slice %arg7[%add3A_75] : memref<1000000xf32, #tpu.memory_space<hbm>> -> memref<7816xf32, #tpu.memory_space<hbm>>
    %dma_start3A_79 = arith.constant 0 : i32
    %dma_start3A_80 = tpu.memref_slice %arg18[%dma_start3A_79] : memref<8192xf32, #tpu.memory_space<vmem>> -> memref<7816xf32, #tpu.memory_space<vmem>>
    %dma_start3A_81 = tpu.memref_slice %arg7[%add3A_75] : memref<1000000xf32, #tpu.memory_space<hbm>> -> memref<7816xf32, #tpu.memory_space<hbm>>
    tpu.enqueue_dma source(%dma_start3A_81 : memref<7816xf32, #tpu.memory_space<hbm>>) target(%dma_start3A_80 : memref<7816xf32, #tpu.memory_space<vmem>>) target_semaphore(%arg22 : memref<!tpu.dma_semaphore, #tpu.memory_space<semaphore_mem>>)
    %mul3A_82 = arith.constant 62528 : i32
    %mul3A_83 = arith.muli %arg1, %mul3A_82 : i32
    %add3A_84 = arith.constant 23448 : i32
    %add3A_85 = arith.addi %mul3A_83, %add3A_84 : i32
    "tpu.region"() ({
      %run_scoped3A = tpu.sem_alloc : memref<!tpu.dma_semaphore, #tpu.memory_space<semaphore_mem>>
      %dma_start3A_276 = arith.constant 0 : i32
      %dma_start3A_277 = tpu.memref_slice %arg19[%dma_start3A_276] : memref<8192xf32, #tpu.memory_space<vmem>> -> memref<7816xf32, #tpu.memory_space<vmem>>
      %dma_start3A_278 = tpu.memref_slice %arg9[%add3A_85] : memref<1000448xf32, #tpu.memory_space<vmem_shared>> -> memref<7816xf32, #tpu.memory_space<vmem_shared>>
      %dma_start3A_279 = tpu.memref_slice %arg9[%add3A_85] : memref<1000448xf32, #tpu.memory_space<vmem_shared>> -> memref<7816xf32, #tpu.memory_space<vmem_shared>>
      %dma_start3A_280 = arith.constant 0 : i32
      %dma_start3A_281 = tpu.memref_slice %arg19[%dma_start3A_280] : memref<8192xf32, #tpu.memory_space<vmem>> -> memref<7816xf32, #tpu.memory_space<vmem>>
      tpu.enqueue_dma source(%dma_start3A_281 : memref<7816xf32, #tpu.memory_space<vmem>>) target(%dma_start3A_279 : memref<7816xf32, #tpu.memory_space<vmem_shared>>) target_semaphore(%run_scoped3A : memref<!tpu.dma_semaphore, #tpu.memory_space<semaphore_mem>>)
      %dma_wait3A_282 = arith.constant 0 : i32
      %dma_wait3A_283 = tpu.memref_slice %arg19[%dma_wait3A_282] : memref<8192xf32, #tpu.memory_space<vmem>> -> memref<7816xf32, #tpu.memory_space<vmem>>
      %dma_wait3A_284 = tpu.memref_slice %arg9[%add3A_85] : memref<1000448xf32, #tpu.memory_space<vmem_shared>> -> memref<7816xf32, #tpu.memory_space<vmem_shared>>
      %dma_wait3A_285 = tpu.memref_slice %arg9[%add3A_85] : memref<1000448xf32, #tpu.memory_space<vmem_shared>> -> memref<7816xf32, #tpu.memory_space<vmem_shared>>
      %dma_wait3A_286 = arith.constant 0 : i32
      %dma_wait3A_287 = tpu.memref_slice %arg19[%dma_wait3A_286] : memref<8192xf32, #tpu.memory_space<vmem>> -> memref<7816xf32, #tpu.memory_space<vmem>>
      tpu.wait_dma2 semaphore(%run_scoped3A : memref<!tpu.dma_semaphore, #tpu.memory_space<semaphore_mem>>) src(%dma_wait3A_287 : memref<7816xf32, #tpu.memory_space<vmem>>) dst(%dma_wait3A_285 : memref<7816xf32, #tpu.memory_space<vmem_shared>>)
      tpu.yield
    }) : () -> ()
    %dma_wait3A_86 = arith.constant 0 : i32
    %dma_wait3A_87 = tpu.memref_slice %arg18[%dma_wait3A_86] : memref<8192xf32, #tpu.memory_space<vmem>> -> memref<7816xf32, #tpu.memory_space<vmem>>
    %dma_wait3A_88 = tpu.memref_slice %arg7[%add3A_75] : memref<1000000xf32, #tpu.memory_space<hbm>> -> memref<7816xf32, #tpu.memory_space<hbm>>
    %dma_wait3A_89 = arith.constant 0 : i32
    %dma_wait3A_90 = tpu.memref_slice %arg18[%dma_wait3A_89] : memref<8192xf32, #tpu.memory_space<vmem>> -> memref<7816xf32, #tpu.memory_space<vmem>>
    %dma_wait3A_91 = tpu.memref_slice %arg7[%add3A_75] : memref<1000000xf32, #tpu.memory_space<hbm>> -> memref<7816xf32, #tpu.memory_space<hbm>>
    tpu.wait_dma2 semaphore(%arg22 : memref<!tpu.dma_semaphore, #tpu.memory_space<semaphore_mem>>) src(%dma_wait3A_91 : memref<7816xf32, #tpu.memory_space<hbm>>) dst(%dma_wait3A_90 : memref<7816xf32, #tpu.memory_space<vmem>>)
    %mul3A_92 = arith.constant 62528 : i32
    %mul3A_93 = arith.muli %arg1, %mul3A_92 : i32
    %add3A_94 = arith.constant 39080 : i32
    %add3A_95 = arith.addi %mul3A_93, %add3A_94 : i32
    %dma_start3A_96 = arith.constant 0 : i32
    %dma_start3A_97 = tpu.memref_slice %arg19[%dma_start3A_96] : memref<8192xf32, #tpu.memory_space<vmem>> -> memref<7816xf32, #tpu.memory_space<vmem>>
    %dma_start3A_98 = tpu.memref_slice %arg7[%add3A_95] : memref<1000000xf32, #tpu.memory_space<hbm>> -> memref<7816xf32, #tpu.memory_space<hbm>>
    %dma_start3A_99 = arith.constant 0 : i32
    %dma_start3A_100 = tpu.memref_slice %arg19[%dma_start3A_99] : memref<8192xf32, #tpu.memory_space<vmem>> -> memref<7816xf32, #tpu.memory_space<vmem>>
    %dma_start3A_101 = tpu.memref_slice %arg7[%add3A_95] : memref<1000000xf32, #tpu.memory_space<hbm>> -> memref<7816xf32, #tpu.memory_space<hbm>>
    tpu.enqueue_dma source(%dma_start3A_101 : memref<7816xf32, #tpu.memory_space<hbm>>) target(%dma_start3A_100 : memref<7816xf32, #tpu.memory_space<vmem>>) target_semaphore(%arg23 : memref<!tpu.dma_semaphore, #tpu.memory_space<semaphore_mem>>)
    %mul3A_102 = arith.constant 62528 : i32
    %mul3A_103 = arith.muli %arg1, %mul3A_102 : i32
    %add3A_104 = arith.constant 31264 : i32
    %add3A_105 = arith.addi %mul3A_103, %add3A_104 : i32
    "tpu.region"() ({
      %run_scoped3A = tpu.sem_alloc : memref<!tpu.dma_semaphore, #tpu.memory_space<semaphore_mem>>
      %dma_start3A_276 = arith.constant 0 : i32
      %dma_start3A_277 = tpu.memref_slice %arg18[%dma_start3A_276] : memref<8192xf32, #tpu.memory_space<vmem>> -> memref<7816xf32, #tpu.memory_space<vmem>>
      %dma_start3A_278 = tpu.memref_slice %arg9[%add3A_105] : memref<1000448xf32, #tpu.memory_space<vmem_shared>> -> memref<7816xf32, #tpu.memory_space<vmem_shared>>
      %dma_start3A_279 = tpu.memref_slice %arg9[%add3A_105] : memref<1000448xf32, #tpu.memory_space<vmem_shared>> -> memref<7816xf32, #tpu.memory_space<vmem_shared>>
      %dma_start3A_280 = arith.constant 0 : i32
      %dma_start3A_281 = tpu.memref_slice %arg18[%dma_start3A_280] : memref<8192xf32, #tpu.memory_space<vmem>> -> memref<7816xf32, #tpu.memory_space<vmem>>
      tpu.enqueue_dma source(%dma_start3A_281 : memref<7816xf32, #tpu.memory_space<vmem>>) target(%dma_start3A_279 : memref<7816xf32, #tpu.memory_space<vmem_shared>>) target_semaphore(%run_scoped3A : memref<!tpu.dma_semaphore, #tpu.memory_space<semaphore_mem>>)
      %dma_wait3A_282 = arith.constant 0 : i32
      %dma_wait3A_283 = tpu.memref_slice %arg18[%dma_wait3A_282] : memref<8192xf32, #tpu.memory_space<vmem>> -> memref<7816xf32, #tpu.memory_space<vmem>>
      %dma_wait3A_284 = tpu.memref_slice %arg9[%add3A_105] : memref<1000448xf32, #tpu.memory_space<vmem_shared>> -> memref<7816xf32, #tpu.memory_space<vmem_shared>>
      %dma_wait3A_285 = tpu.memref_slice %arg9[%add3A_105] : memref<1000448xf32, #tpu.memory_space<vmem_shared>> -> memref<7816xf32, #tpu.memory_space<vmem_shared>>
      %dma_wait3A_286 = arith.constant 0 : i32
      %dma_wait3A_287 = tpu.memref_slice %arg18[%dma_wait3A_286] : memref<8192xf32, #tpu.memory_space<vmem>> -> memref<7816xf32, #tpu.memory_space<vmem>>
      tpu.wait_dma2 semaphore(%run_scoped3A : memref<!tpu.dma_semaphore, #tpu.memory_space<semaphore_mem>>) src(%dma_wait3A_287 : memref<7816xf32, #tpu.memory_space<vmem>>) dst(%dma_wait3A_285 : memref<7816xf32, #tpu.memory_space<vmem_shared>>)
      tpu.yield
    }) : () -> ()
    %dma_wait3A_106 = arith.constant 0 : i32
    %dma_wait3A_107 = tpu.memref_slice %arg19[%dma_wait3A_106] : memref<8192xf32, #tpu.memory_space<vmem>> -> memref<7816xf32, #tpu.memory_space<vmem>>
    %dma_wait3A_108 = tpu.memref_slice %arg7[%add3A_95] : memref<1000000xf32, #tpu.memory_space<hbm>> -> memref<7816xf32, #tpu.memory_space<hbm>>
    %dma_wait3A_109 = arith.constant 0 : i32
    %dma_wait3A_110 = tpu.memref_slice %arg19[%dma_wait3A_109] : memref<8192xf32, #tpu.memory_space<vmem>> -> memref<7816xf32, #tpu.memory_space<vmem>>
    %dma_wait3A_111 = tpu.memref_slice %arg7[%add3A_95] : memref<1000000xf32, #tpu.memory_space<hbm>> -> memref<7816xf32, #tpu.memory_space<hbm>>
    tpu.wait_dma2 semaphore(%arg23 : memref<!tpu.dma_semaphore, #tpu.memory_space<semaphore_mem>>) src(%dma_wait3A_111 : memref<7816xf32, #tpu.memory_space<hbm>>) dst(%dma_wait3A_110 : memref<7816xf32, #tpu.memory_space<vmem>>)
    %mul3A_112 = arith.constant 62528 : i32
    %mul3A_113 = arith.muli %arg1, %mul3A_112 : i32
    %add3A_114 = arith.constant 46896 : i32
    %add3A_115 = arith.addi %mul3A_113, %add3A_114 : i32
    %dma_start3A_116 = arith.constant 0 : i32
    %dma_start3A_117 = tpu.memref_slice %arg18[%dma_start3A_116] : memref<8192xf32, #tpu.memory_space<vmem>> -> memref<7816xf32, #tpu.memory_space<vmem>>
    %dma_start3A_118 = tpu.memref_slice %arg7[%add3A_115] : memref<1000000xf32, #tpu.memory_space<hbm>> -> memref<7816xf32, #tpu.memory_space<hbm>>
    %dma_start3A_119 = arith.constant 0 : i32
    %dma_start3A_120 = tpu.memref_slice %arg18[%dma_start3A_119] : memref<8192xf32, #tpu.memory_space<vmem>> -> memref<7816xf32, #tpu.memory_space<vmem>>
    %dma_start3A_121 = tpu.memref_slice %arg7[%add3A_115] : memref<1000000xf32, #tpu.memory_space<hbm>> -> memref<7816xf32, #tpu.memory_space<hbm>>
    tpu.enqueue_dma source(%dma_start3A_121 : memref<7816xf32, #tpu.memory_space<hbm>>) target(%dma_start3A_120 : memref<7816xf32, #tpu.memory_space<vmem>>) target_semaphore(%arg22 : memref<!tpu.dma_semaphore, #tpu.memory_space<semaphore_mem>>)
    %mul3A_122 = arith.constant 62528 : i32
    %mul3A_123 = arith.muli %arg1, %mul3A_122 : i32
    %add3A_124 = arith.constant 39080 : i32
    %add3A_125 = arith.addi %mul3A_123, %add3A_124 : i32
    "tpu.region"() ({
      %run_scoped3A = tpu.sem_alloc : memref<!tpu.dma_semaphore, #tpu.memory_space<semaphore_mem>>
      %dma_start3A_276 = arith.constant 0 : i32
      %dma_start3A_277 = tpu.memref_slice %arg19[%dma_start3A_276] : memref<8192xf32, #tpu.memory_space<vmem>> -> memref<7816xf32, #tpu.memory_space<vmem>>
      %dma_start3A_278 = tpu.memref_slice %arg9[%add3A_125] : memref<1000448xf32, #tpu.memory_space<vmem_shared>> -> memref<7816xf32, #tpu.memory_space<vmem_shared>>
      %dma_start3A_279 = tpu.memref_slice %arg9[%add3A_125] : memref<1000448xf32, #tpu.memory_space<vmem_shared>> -> memref<7816xf32, #tpu.memory_space<vmem_shared>>
      %dma_start3A_280 = arith.constant 0 : i32
      %dma_start3A_281 = tpu.memref_slice %arg19[%dma_start3A_280] : memref<8192xf32, #tpu.memory_space<vmem>> -> memref<7816xf32, #tpu.memory_space<vmem>>
      tpu.enqueue_dma source(%dma_start3A_281 : memref<7816xf32, #tpu.memory_space<vmem>>) target(%dma_start3A_279 : memref<7816xf32, #tpu.memory_space<vmem_shared>>) target_semaphore(%run_scoped3A : memref<!tpu.dma_semaphore, #tpu.memory_space<semaphore_mem>>)
      %dma_wait3A_282 = arith.constant 0 : i32
      %dma_wait3A_283 = tpu.memref_slice %arg19[%dma_wait3A_282] : memref<8192xf32, #tpu.memory_space<vmem>> -> memref<7816xf32, #tpu.memory_space<vmem>>
      %dma_wait3A_284 = tpu.memref_slice %arg9[%add3A_125] : memref<1000448xf32, #tpu.memory_space<vmem_shared>> -> memref<7816xf32, #tpu.memory_space<vmem_shared>>
      %dma_wait3A_285 = tpu.memref_slice %arg9[%add3A_125] : memref<1000448xf32, #tpu.memory_space<vmem_shared>> -> memref<7816xf32, #tpu.memory_space<vmem_shared>>
      %dma_wait3A_286 = arith.constant 0 : i32
      %dma_wait3A_287 = tpu.memref_slice %arg19[%dma_wait3A_286] : memref<8192xf32, #tpu.memory_space<vmem>> -> memref<7816xf32, #tpu.memory_space<vmem>>
      tpu.wait_dma2 semaphore(%run_scoped3A : memref<!tpu.dma_semaphore, #tpu.memory_space<semaphore_mem>>) src(%dma_wait3A_287 : memref<7816xf32, #tpu.memory_space<vmem>>) dst(%dma_wait3A_285 : memref<7816xf32, #tpu.memory_space<vmem_shared>>)
      tpu.yield
    }) : () -> ()
    %dma_wait3A_126 = arith.constant 0 : i32
    %dma_wait3A_127 = tpu.memref_slice %arg18[%dma_wait3A_126] : memref<8192xf32, #tpu.memory_space<vmem>> -> memref<7816xf32, #tpu.memory_space<vmem>>
    %dma_wait3A_128 = tpu.memref_slice %arg7[%add3A_115] : memref<1000000xf32, #tpu.memory_space<hbm>> -> memref<7816xf32, #tpu.memory_space<hbm>>
    %dma_wait3A_129 = arith.constant 0 : i32
    %dma_wait3A_130 = tpu.memref_slice %arg18[%dma_wait3A_129] : memref<8192xf32, #tpu.memory_space<vmem>> -> memref<7816xf32, #tpu.memory_space<vmem>>
    %dma_wait3A_131 = tpu.memref_slice %arg7[%add3A_115] : memref<1000000xf32, #tpu.memory_space<hbm>> -> memref<7816xf32, #tpu.memory_space<hbm>>
    tpu.wait_dma2 semaphore(%arg22 : memref<!tpu.dma_semaphore, #tpu.memory_space<semaphore_mem>>) src(%dma_wait3A_131 : memref<7816xf32, #tpu.memory_space<hbm>>) dst(%dma_wait3A_130 : memref<7816xf32, #tpu.memory_space<vmem>>)
    %mul3A_132 = arith.constant 62528 : i32
    %mul3A_133 = arith.muli %arg1, %mul3A_132 : i32
    %add3A_134 = arith.constant 54712 : i32
    %add3A_135 = arith.addi %mul3A_133, %add3A_134 : i32
    %dma_start3A_136 = arith.constant 0 : i32
    %dma_start3A_137 = tpu.memref_slice %arg19[%dma_start3A_136] : memref<8192xf32, #tpu.memory_space<vmem>> -> memref<7816xf32, #tpu.memory_space<vmem>>
    %dma_start3A_138 = tpu.memref_slice %arg7[%add3A_135] : memref<1000000xf32, #tpu.memory_space<hbm>> -> memref<7816xf32, #tpu.memory_space<hbm>>
    %dma_start3A_139 = arith.constant 0 : i32
    %dma_start3A_140 = tpu.memref_slice %arg19[%dma_start3A_139] : memref<8192xf32, #tpu.memory_space<vmem>> -> memref<7816xf32, #tpu.memory_space<vmem>>
    %dma_start3A_141 = tpu.memref_slice %arg7[%add3A_135] : memref<1000000xf32, #tpu.memory_space<hbm>> -> memref<7816xf32, #tpu.memory_space<hbm>>
    tpu.enqueue_dma source(%dma_start3A_141 : memref<7816xf32, #tpu.memory_space<hbm>>) target(%dma_start3A_140 : memref<7816xf32, #tpu.memory_space<vmem>>) target_semaphore(%arg23 : memref<!tpu.dma_semaphore, #tpu.memory_space<semaphore_mem>>)
    %mul3A_142 = arith.constant 62528 : i32
    %mul3A_143 = arith.muli %arg1, %mul3A_142 : i32
    %add3A_144 = arith.constant 46896 : i32
    %add3A_145 = arith.addi %mul3A_143, %add3A_144 : i32
    "tpu.region"() ({
      %run_scoped3A = tpu.sem_alloc : memref<!tpu.dma_semaphore, #tpu.memory_space<semaphore_mem>>
      %dma_start3A_276 = arith.constant 0 : i32
      %dma_start3A_277 = tpu.memref_slice %arg18[%dma_start3A_276] : memref<8192xf32, #tpu.memory_space<vmem>> -> memref<7816xf32, #tpu.memory_space<vmem>>
      %dma_start3A_278 = tpu.memref_slice %arg9[%add3A_145] : memref<1000448xf32, #tpu.memory_space<vmem_shared>> -> memref<7816xf32, #tpu.memory_space<vmem_shared>>
      %dma_start3A_279 = tpu.memref_slice %arg9[%add3A_145] : memref<1000448xf32, #tpu.memory_space<vmem_shared>> -> memref<7816xf32, #tpu.memory_space<vmem_shared>>
      %dma_start3A_280 = arith.constant 0 : i32
      %dma_start3A_281 = tpu.memref_slice %arg18[%dma_start3A_280] : memref<8192xf32, #tpu.memory_space<vmem>> -> memref<7816xf32, #tpu.memory_space<vmem>>
      tpu.enqueue_dma source(%dma_start3A_281 : memref<7816xf32, #tpu.memory_space<vmem>>) target(%dma_start3A_279 : memref<7816xf32, #tpu.memory_space<vmem_shared>>) target_semaphore(%run_scoped3A : memref<!tpu.dma_semaphore, #tpu.memory_space<semaphore_mem>>)
      %dma_wait3A_282 = arith.constant 0 : i32
      %dma_wait3A_283 = tpu.memref_slice %arg18[%dma_wait3A_282] : memref<8192xf32, #tpu.memory_space<vmem>> -> memref<7816xf32, #tpu.memory_space<vmem>>
      %dma_wait3A_284 = tpu.memref_slice %arg9[%add3A_145] : memref<1000448xf32, #tpu.memory_space<vmem_shared>> -> memref<7816xf32, #tpu.memory_space<vmem_shared>>
      %dma_wait3A_285 = tpu.memref_slice %arg9[%add3A_145] : memref<1000448xf32, #tpu.memory_space<vmem_shared>> -> memref<7816xf32, #tpu.memory_space<vmem_shared>>
      %dma_wait3A_286 = arith.constant 0 : i32
      %dma_wait3A_287 = tpu.memref_slice %arg18[%dma_wait3A_286] : memref<8192xf32, #tpu.memory_space<vmem>> -> memref<7816xf32, #tpu.memory_space<vmem>>
      tpu.wait_dma2 semaphore(%run_scoped3A : memref<!tpu.dma_semaphore, #tpu.memory_space<semaphore_mem>>) src(%dma_wait3A_287 : memref<7816xf32, #tpu.memory_space<vmem>>) dst(%dma_wait3A_285 : memref<7816xf32, #tpu.memory_space<vmem_shared>>)
      tpu.yield
    }) : () -> ()
    %dma_wait3A_146 = arith.constant 0 : i32
    %dma_wait3A_147 = tpu.memref_slice %arg19[%dma_wait3A_146] : memref<8192xf32, #tpu.memory_space<vmem>> -> memref<7816xf32, #tpu.memory_space<vmem>>
    %dma_wait3A_148 = tpu.memref_slice %arg7[%add3A_135] : memref<1000000xf32, #tpu.memory_space<hbm>> -> memref<7816xf32, #tpu.memory_space<hbm>>
    %dma_wait3A_149 = arith.constant 0 : i32
    %dma_wait3A_150 = tpu.memref_slice %arg19[%dma_wait3A_149] : memref<8192xf32, #tpu.memory_space<vmem>> -> memref<7816xf32, #tpu.memory_space<vmem>>
    %dma_wait3A_151 = tpu.memref_slice %arg7[%add3A_135] : memref<1000000xf32, #tpu.memory_space<hbm>> -> memref<7816xf32, #tpu.memory_space<hbm>>
    tpu.wait_dma2 semaphore(%arg23 : memref<!tpu.dma_semaphore, #tpu.memory_space<semaphore_mem>>) src(%dma_wait3A_151 : memref<7816xf32, #tpu.memory_space<hbm>>) dst(%dma_wait3A_150 : memref<7816xf32, #tpu.memory_space<vmem>>)
    %mul3A_152 = arith.constant 62528 : i32
    %mul3A_153 = arith.muli %arg1, %mul3A_152 : i32
    %add3A_154 = arith.constant 54712 : i32
    %add3A_155 = arith.addi %mul3A_153, %add3A_154 : i32
    "tpu.region"() ({
      %run_scoped3A = tpu.sem_alloc : memref<!tpu.dma_semaphore, #tpu.memory_space<semaphore_mem>>
      %dma_start3A_276 = arith.constant 0 : i32
      %dma_start3A_277 = tpu.memref_slice %arg19[%dma_start3A_276] : memref<8192xf32, #tpu.memory_space<vmem>> -> memref<7816xf32, #tpu.memory_space<vmem>>
      %dma_start3A_278 = tpu.memref_slice %arg9[%add3A_155] : memref<1000448xf32, #tpu.memory_space<vmem_shared>> -> memref<7816xf32, #tpu.memory_space<vmem_shared>>
      %dma_start3A_279 = tpu.memref_slice %arg9[%add3A_155] : memref<1000448xf32, #tpu.memory_space<vmem_shared>> -> memref<7816xf32, #tpu.memory_space<vmem_shared>>
      %dma_start3A_280 = arith.constant 0 : i32
      %dma_start3A_281 = tpu.memref_slice %arg19[%dma_start3A_280] : memref<8192xf32, #tpu.memory_space<vmem>> -> memref<7816xf32, #tpu.memory_space<vmem>>
      tpu.enqueue_dma source(%dma_start3A_281 : memref<7816xf32, #tpu.memory_space<vmem>>) target(%dma_start3A_279 : memref<7816xf32, #tpu.memory_space<vmem_shared>>) target_semaphore(%run_scoped3A : memref<!tpu.dma_semaphore, #tpu.memory_space<semaphore_mem>>)
      %dma_wait3A_282 = arith.constant 0 : i32
      %dma_wait3A_283 = tpu.memref_slice %arg19[%dma_wait3A_282] : memref<8192xf32, #tpu.memory_space<vmem>> -> memref<7816xf32, #tpu.memory_space<vmem>>
      %dma_wait3A_284 = tpu.memref_slice %arg9[%add3A_155] : memref<1000448xf32, #tpu.memory_space<vmem_shared>> -> memref<7816xf32, #tpu.memory_space<vmem_shared>>
      %dma_wait3A_285 = tpu.memref_slice %arg9[%add3A_155] : memref<1000448xf32, #tpu.memory_space<vmem_shared>> -> memref<7816xf32, #tpu.memory_space<vmem_shared>>
      %dma_wait3A_286 = arith.constant 0 : i32
      %dma_wait3A_287 = tpu.memref_slice %arg19[%dma_wait3A_286] : memref<8192xf32, #tpu.memory_space<vmem>> -> memref<7816xf32, #tpu.memory_space<vmem>>
      tpu.wait_dma2 semaphore(%run_scoped3A : memref<!tpu.dma_semaphore, #tpu.memory_space<semaphore_mem>>) src(%dma_wait3A_287 : memref<7816xf32, #tpu.memory_space<vmem>>) dst(%dma_wait3A_285 : memref<7816xf32, #tpu.memory_space<vmem_shared>>)
      tpu.yield
    }) : () -> ()
    %barrier3A = arith.constant 0 : index
    tpu.barrier barrier_id(%barrier3A)
    %dma_wait3A_156 = arith.constant 0 : i32
    %dma_wait3A_157 = tpu.memref_slice %arg6[%dma_wait3A_156] : memref<1000000xf32, #tpu.memory_space<hbm>> -> memref<1000000xf32, #tpu.memory_space<hbm>>
    tpu.wait_indirect_dma semaphore(%arg24 : memref<!tpu.dma_semaphore, #tpu.memory_space<semaphore_mem>>) src(%dma_wait3A_157 : memref<1000000xf32, #tpu.memory_space<hbm>>) dst(%arg11 : memref<128xf32, #tpu.memory_space<vmem>>)
    %dma_wait3A_158 = arith.constant 0 : i32
    %dma_wait3A_159 = tpu.memref_slice %arg5[%dma_wait3A_158] : memref<1052672xf32, #tpu.memory_space<hbm>> -> memref<1052672xf32, #tpu.memory_space<hbm>>
    tpu.wait_indirect_dma semaphore(%arg24 : memref<!tpu.dma_semaphore, #tpu.memory_space<semaphore_mem>>) src(%dma_wait3A_159 : memref<1052672xf32, #tpu.memory_space<hbm>>) dst(%arg15 : memref<128xf32, #tpu.memory_space<vmem>>)
    %dma_start3A_160 = arith.constant 0 : i32
    %dma_start3A_161 = tpu.memref_slice %arg9[%dma_start3A_160] : memref<1000448xf32, #tpu.memory_space<vmem_shared>> -> memref<1000448xf32, #tpu.memory_space<vmem_shared>>
    tpu.enqueue_indirect_dma source(%dma_start3A_161 : memref<1000448xf32, #tpu.memory_space<vmem_shared>>) target(%arg13 : memref<128xf32, #tpu.memory_space<vmem>>) offsets(%arg12 : memref<128xi32, #tpu.memory_space<vmem>>) semaphore(%arg24 : memref<!tpu.dma_semaphore, #tpu.memory_space<semaphore_mem>>)
    %mul3A_162 = arith.constant 256 : i32
    %mul3A_163 = arith.muli %mul3A_2, %mul3A_162 : i32
    "tpu.region"() ({
      %run_scoped3A = tpu.sem_alloc : memref<!tpu.dma_semaphore, #tpu.memory_space<semaphore_mem>>
      %dma_start3A_276 = tpu.memref_slice %arg2[%mul3A_163] : memref<1048576xi32, #tpu.memory_space<hbm>> -> memref<8192xi32, #tpu.memory_space<hbm>>
      %dma_start3A_277 = tpu.memref_slice %arg2[%mul3A_163] : memref<1048576xi32, #tpu.memory_space<hbm>> -> memref<8192xi32, #tpu.memory_space<hbm>>
      tpu.enqueue_dma source(%dma_start3A_277 : memref<8192xi32, #tpu.memory_space<hbm>>) target(%arg16 : memref<8192xi32, #tpu.memory_space<vmem>>) target_semaphore(%run_scoped3A : memref<!tpu.dma_semaphore, #tpu.memory_space<semaphore_mem>>)
      %dma_wait3A_278 = tpu.memref_slice %arg2[%mul3A_163] : memref<1048576xi32, #tpu.memory_space<hbm>> -> memref<8192xi32, #tpu.memory_space<hbm>>
      %dma_wait3A_279 = tpu.memref_slice %arg2[%mul3A_163] : memref<1048576xi32, #tpu.memory_space<hbm>> -> memref<8192xi32, #tpu.memory_space<hbm>>
      tpu.wait_dma2 semaphore(%run_scoped3A : memref<!tpu.dma_semaphore, #tpu.memory_space<semaphore_mem>>) src(%dma_wait3A_279 : memref<8192xi32, #tpu.memory_space<hbm>>) dst(%arg16 : memref<8192xi32, #tpu.memory_space<vmem>>)
      tpu.yield
    }) : () -> ()
    %dma_start3A_164 = arith.constant 0 : i32
    %dma_start3A_165 = tpu.memref_slice %arg9[%dma_start3A_164] : memref<1000448xf32, #tpu.memory_space<vmem_shared>> -> memref<1000448xf32, #tpu.memory_space<vmem_shared>>
    tpu.enqueue_indirect_dma source(%dma_start3A_165 : memref<1000448xf32, #tpu.memory_space<vmem_shared>>) target(%arg18 : memref<8192xf32, #tpu.memory_space<vmem>>) offsets(%arg16 : memref<8192xi32, #tpu.memory_space<vmem>>) semaphore(%arg22 : memref<!tpu.dma_semaphore, #tpu.memory_space<semaphore_mem>>)
    %add3A_166 = arith.constant 32 : i32
    %add3A_167 = arith.addi %mul3A_2, %add3A_166 : i32
    %mul3A_168 = arith.constant 256 : i32
    %mul3A_169 = arith.muli %add3A_167, %mul3A_168 : i32
    "tpu.region"() ({
      %run_scoped3A = tpu.sem_alloc : memref<!tpu.dma_semaphore, #tpu.memory_space<semaphore_mem>>
      %dma_start3A_276 = tpu.memref_slice %arg2[%mul3A_169] : memref<1048576xi32, #tpu.memory_space<hbm>> -> memref<8192xi32, #tpu.memory_space<hbm>>
      %dma_start3A_277 = tpu.memref_slice %arg2[%mul3A_169] : memref<1048576xi32, #tpu.memory_space<hbm>> -> memref<8192xi32, #tpu.memory_space<hbm>>
      tpu.enqueue_dma source(%dma_start3A_277 : memref<8192xi32, #tpu.memory_space<hbm>>) target(%arg17 : memref<8192xi32, #tpu.memory_space<vmem>>) target_semaphore(%run_scoped3A : memref<!tpu.dma_semaphore, #tpu.memory_space<semaphore_mem>>)
      %dma_wait3A_278 = tpu.memref_slice %arg2[%mul3A_169] : memref<1048576xi32, #tpu.memory_space<hbm>> -> memref<8192xi32, #tpu.memory_space<hbm>>
      %dma_wait3A_279 = tpu.memref_slice %arg2[%mul3A_169] : memref<1048576xi32, #tpu.memory_space<hbm>> -> memref<8192xi32, #tpu.memory_space<hbm>>
      tpu.wait_dma2 semaphore(%run_scoped3A : memref<!tpu.dma_semaphore, #tpu.memory_space<semaphore_mem>>) src(%dma_wait3A_279 : memref<8192xi32, #tpu.memory_space<hbm>>) dst(%arg17 : memref<8192xi32, #tpu.memory_space<vmem>>)
      tpu.yield
    }) : () -> ()
    %dma_start3A_170 = arith.constant 0 : i32
    %dma_start3A_171 = tpu.memref_slice %arg9[%dma_start3A_170] : memref<1000448xf32, #tpu.memory_space<vmem_shared>> -> memref<1000448xf32, #tpu.memory_space<vmem_shared>>
    tpu.enqueue_indirect_dma source(%dma_start3A_171 : memref<1000448xf32, #tpu.memory_space<vmem_shared>>) target(%arg19 : memref<8192xf32, #tpu.memory_space<vmem>>) offsets(%arg17 : memref<8192xi32, #tpu.memory_space<vmem>>) semaphore(%arg23 : memref<!tpu.dma_semaphore, #tpu.memory_space<semaphore_mem>>)
    %add3A_172 = arith.constant 0 : i32
    %add3A_173 = arith.addi %mul3A_2, %add3A_172 : i32
    %mul3A_174 = arith.constant 257 : i32
    %mul3A_175 = arith.muli %add3A_173, %mul3A_174 : i32
    "tpu.region"() ({
      %run_scoped3A = tpu.sem_alloc : memref<!tpu.dma_semaphore, #tpu.memory_space<semaphore_mem>>
      %dma_start3A_276 = tpu.memref_slice %arg5[%mul3A_175] : memref<1052672xf32, #tpu.memory_space<hbm>> -> memref<8224xf32, #tpu.memory_space<hbm>>
      %dma_start3A_277 = tpu.memref_slice %arg5[%mul3A_175] : memref<1052672xf32, #tpu.memory_space<hbm>> -> memref<8224xf32, #tpu.memory_space<hbm>>
      tpu.enqueue_dma source(%dma_start3A_277 : memref<8224xf32, #tpu.memory_space<hbm>>) target(%arg20 : memref<8224xf32, #tpu.memory_space<vmem>>) target_semaphore(%run_scoped3A : memref<!tpu.dma_semaphore, #tpu.memory_space<semaphore_mem>>)
      %dma_wait3A_278 = tpu.memref_slice %arg5[%mul3A_175] : memref<1052672xf32, #tpu.memory_space<hbm>> -> memref<8224xf32, #tpu.memory_space<hbm>>
      %dma_wait3A_279 = tpu.memref_slice %arg5[%mul3A_175] : memref<1052672xf32, #tpu.memory_space<hbm>> -> memref<8224xf32, #tpu.memory_space<hbm>>
      tpu.wait_dma2 semaphore(%run_scoped3A : memref<!tpu.dma_semaphore, #tpu.memory_space<semaphore_mem>>) src(%dma_wait3A_279 : memref<8224xf32, #tpu.memory_space<hbm>>) dst(%arg20 : memref<8224xf32, #tpu.memory_space<vmem>>)
      tpu.yield
    }) : () -> ()
    %dma_wait3A_176 = arith.constant 0 : i32
    %dma_wait3A_177 = tpu.memref_slice %arg9[%dma_wait3A_176] : memref<1000448xf32, #tpu.memory_space<vmem_shared>> -> memref<1000448xf32, #tpu.memory_space<vmem_shared>>
    tpu.wait_indirect_dma semaphore(%arg22 : memref<!tpu.dma_semaphore, #tpu.memory_space<semaphore_mem>>) src(%dma_wait3A_177 : memref<1000448xf32, #tpu.memory_space<vmem_shared>>) dst(%arg18 : memref<8192xf32, #tpu.memory_space<vmem>>)
    %scan3A_178 = arith.constant 0 : i32
    %scan3A_179 = arith.constant 0 : i32
    %scan3A_180 = arith.constant 32 : i32
    %scan3A_181 = arith.addi %scan3A_179, %scan3A_180 : i32
    %scan3A_182 = arith.constant 1 : i32
    scf.for %scan3A_276 = %scan3A_179 to %scan3A_181 step %scan3A_182  : i32 {
      %add3A_277 = arith.constant 0 : i32
      %add3A_278 = arith.addi %add3A_277, %scan3A_276 : i32
      %jit3A = arith.constant 16 : i32
      %div3A = arith.divsi %add3A_278, %jit3A : i32
      %sign3A = arith.constant 0 : i32
      %sign3A_279 = arith.cmpi sgt, %add3A_278, %sign3A : i32
      %sign3A_280 = arith.extui %sign3A_279 : i1 to i32
      %sign3A_281 = arith.constant 0 : i32
      %sign3A_282 = arith.cmpi slt, %add3A_278, %sign3A_281 : i32
      %sign3A_283 = arith.extui %sign3A_282 : i1 to i32
      %sign3A_284 = arith.subi %sign3A_280, %sign3A_283 : i32
      %sign3A_285 = arith.constant 0 : i32
      %sign3A_286 = arith.cmpi sgt, %jit3A, %sign3A_285 : i32
      %sign3A_287 = arith.extui %sign3A_286 : i1 to i32
      %sign3A_288 = arith.constant 0 : i32
      %sign3A_289 = arith.cmpi slt, %jit3A, %sign3A_288 : i32
      %sign3A_290 = arith.extui %sign3A_289 : i1 to i32
      %sign3A_291 = arith.subi %sign3A_287, %sign3A_290 : i32
      %ne3A = arith.cmpi ne, %sign3A_284, %sign3A_291 : i32
      %rem3A = arith.remsi %add3A_278, %jit3A : i32
      %ne3A_292 = arith.constant 0 : i32
      %ne3A_293 = arith.cmpi ne, %rem3A, %ne3A_292 : i32
      %and3A = arith.andi %ne3A, %ne3A_293 : i1
      %sub3A = arith.constant 1 : i32
      %sub3A_294 = arith.subi %div3A, %sub3A : i32
      %select_n3A = arith.select %and3A, %sub3A_294, %div3A : i32
      %mul3A_295 = arith.constant 16 : i32
      %mul3A_296 = arith.muli %select_n3A, %mul3A_295 : i32
      %get3A = arith.index_cast %mul3A_296 : i32 to index
      %get3A_297 = tpu.vector_load %arg11[%get3A] {strides = array<i32>} : memref<128xf32, #tpu.memory_space<vmem>>, vector<16xf32>,
      %get3A_298 = vector.shape_cast %get3A_297 : vector<16xf32> to vector<16xf32>
      %jit3A_299 = arith.constant 16 : i32
      %eq3A = arith.constant 0 : i32
      %eq3A_300 = arith.cmpi eq, %jit3A_299, %eq3A : i32
      %jit3A_301 = arith.constant 1 : i32
      %select_n3A_302 = arith.select %eq3A_300, %jit3A_301, %jit3A_299 : i32
      %rem3A_303 = arith.remsi %add3A_278, %select_n3A_302 : i32
      %ne3A_304 = arith.constant 0 : i32
      %ne3A_305 = arith.cmpi ne, %rem3A_303, %ne3A_304 : i32
      %lt3A = arith.constant 0 : i32
      %lt3A_306 = arith.cmpi slt, %rem3A_303, %lt3A : i32
      %lt3A_307 = arith.constant 0 : i32
      %lt3A_308 = arith.cmpi slt, %select_n3A_302, %lt3A_307 : i32
      %ne3A_309 = arith.xori %lt3A_306, %lt3A_308 : i1
      %and3A_310 = arith.andi %ne3A_309, %ne3A_305 : i1
      %add3A_311 = arith.addi %rem3A_303, %select_n3A_302 : i32
      %select_n3A_312 = arith.select %and3A_310, %add3A_311, %rem3A_303 : i32
      %broadcast_in_dim3A = vector.broadcast %select_n3A_312 : i32 to vector<16x1xi32>
      %gather3A = vector.shape_cast %broadcast_in_dim3A : vector<16x1xi32> to vector<16xi32>
      %gather3A_313 = tpu.dynamic_gather %get3A_298[%gather3A] in [0] : vector<16xf32>, vector<16xi32> -> vector<16xf32>
      %mul3A_314 = arith.constant 256 : i32
      %mul3A_315 = arith.muli %scan3A_276, %mul3A_314 : i32
      %mul3A_316 = arith.constant 257 : i32
      %mul3A_317 = arith.muli %scan3A_276, %mul3A_316 : i32
      %add3A_318 = arith.constant 1 : i32
      %add3A_319 = arith.addi %mul3A_317, %add3A_318 : i32
      %add3A_320 = arith.constant 0 : i32
      %add3A_321 = arith.addi %add3A_319, %add3A_320 : i32
      %get3A_322 = arith.index_cast %add3A_321 : i32 to index
      %get3A_323 = tpu.vector_load %arg20[%get3A_322] {strides = array<i32>} : memref<8224xf32, #tpu.memory_space<vmem>>, vector<16xf32>,
      %get3A_324 = vector.shape_cast %get3A_323 : vector<16xf32> to vector<16xf32>
      %add3A_325 = arith.constant 0 : i32
      %add3A_326 = arith.addi %mul3A_315, %add3A_325 : i32
      %get3A_327 = arith.index_cast %add3A_326 : i32 to index
      %get3A_328 = tpu.vector_load %arg18[%get3A_327] {strides = array<i32>} : memref<8192xf32, #tpu.memory_space<vmem>>, vector<16xf32>,
      %get3A_329 = vector.shape_cast %get3A_328 : vector<16xf32> to vector<16xf32>
      %add3A_330 = arith.addf %get3A_324, %get3A_329 : vector<16xf32>
      %add3A_331 = arith.addf %add3A_330, %gather3A_313 : vector<16xf32>
      %add3A_332 = arith.constant 0 : i32
      %add3A_333 = arith.addi %add3A_319, %add3A_332 : i32
      %swap3A = arith.index_cast %add3A_333 : i32 to index
      %swap3A_334 = tpu.vector_load %arg20[%swap3A] {strides = array<i32>} : memref<8224xf32, #tpu.memory_space<vmem>>, vector<16xf32>,
      %swap3A_335 = vector.shape_cast %swap3A_334 : vector<16xf32> to vector<16xf32>
      %swap3A_336 = vector.shape_cast %add3A_331 : vector<16xf32> to vector<16xf32>
      tpu.vector_store %arg20[%swap3A], %swap3A_336 {strides = array<i32>} : memref<8224xf32, #tpu.memory_space<vmem>>, vector<16xf32>,
      %add3A_337 = arith.constant 16 : i32
      %add3A_338 = arith.addi %add3A_319, %add3A_337 : i32
      %get3A_339 = arith.index_cast %add3A_338 : i32 to index
      %get3A_340 = tpu.vector_load %arg20[%get3A_339] {strides = array<i32>} : memref<8224xf32, #tpu.memory_space<vmem>>, vector<16xf32>,
      %get3A_341 = vector.shape_cast %get3A_340 : vector<16xf32> to vector<16xf32>
      %add3A_342 = arith.constant 16 : i32
      %add3A_343 = arith.addi %mul3A_315, %add3A_342 : i32
      %get3A_344 = arith.index_cast %add3A_343 : i32 to index
      %get3A_345 = tpu.vector_load %arg18[%get3A_344] {strides = array<i32>} : memref<8192xf32, #tpu.memory_space<vmem>>, vector<16xf32>,
      %get3A_346 = vector.shape_cast %get3A_345 : vector<16xf32> to vector<16xf32>
      %add3A_347 = arith.addf %get3A_341, %get3A_346 : vector<16xf32>
      %add3A_348 = arith.addf %add3A_347, %gather3A_313 : vector<16xf32>
      %add3A_349 = arith.constant 16 : i32
      %add3A_350 = arith.addi %add3A_319, %add3A_349 : i32
      %swap3A_351 = arith.index_cast %add3A_350 : i32 to index
      %swap3A_352 = tpu.vector_load %arg20[%swap3A_351] {strides = array<i32>} : memref<8224xf32, #tpu.memory_space<vmem>>, vector<16xf32>,
      %swap3A_353 = vector.shape_cast %swap3A_352 : vector<16xf32> to vector<16xf32>
      %swap3A_354 = vector.shape_cast %add3A_348 : vector<16xf32> to vector<16xf32>
      tpu.vector_store %arg20[%swap3A_351], %swap3A_354 {strides = array<i32>} : memref<8224xf32, #tpu.memory_space<vmem>>, vector<16xf32>,
      %add3A_355 = arith.constant 32 : i32
      %add3A_356 = arith.addi %add3A_319, %add3A_355 : i32
      %get3A_357 = arith.index_cast %add3A_356 : i32 to index
      %get3A_358 = tpu.vector_load %arg20[%get3A_357] {strides = array<i32>} : memref<8224xf32, #tpu.memory_space<vmem>>, vector<16xf32>,
      %get3A_359 = vector.shape_cast %get3A_358 : vector<16xf32> to vector<16xf32>
      %add3A_360 = arith.constant 32 : i32
      %add3A_361 = arith.addi %mul3A_315, %add3A_360 : i32
      %get3A_362 = arith.index_cast %add3A_361 : i32 to index
      %get3A_363 = tpu.vector_load %arg18[%get3A_362] {strides = array<i32>} : memref<8192xf32, #tpu.memory_space<vmem>>, vector<16xf32>,
      %get3A_364 = vector.shape_cast %get3A_363 : vector<16xf32> to vector<16xf32>
      %add3A_365 = arith.addf %get3A_359, %get3A_364 : vector<16xf32>
      %add3A_366 = arith.addf %add3A_365, %gather3A_313 : vector<16xf32>
      %add3A_367 = arith.constant 32 : i32
      %add3A_368 = arith.addi %add3A_319, %add3A_367 : i32
      %swap3A_369 = arith.index_cast %add3A_368 : i32 to index
      %swap3A_370 = tpu.vector_load %arg20[%swap3A_369] {strides = array<i32>} : memref<8224xf32, #tpu.memory_space<vmem>>, vector<16xf32>,
      %swap3A_371 = vector.shape_cast %swap3A_370 : vector<16xf32> to vector<16xf32>
      %swap3A_372 = vector.shape_cast %add3A_366 : vector<16xf32> to vector<16xf32>
      tpu.vector_store %arg20[%swap3A_369], %swap3A_372 {strides = array<i32>} : memref<8224xf32, #tpu.memory_space<vmem>>, vector<16xf32>,
      %add3A_373 = arith.constant 48 : i32
      %add3A_374 = arith.addi %add3A_319, %add3A_373 : i32
      %get3A_375 = arith.index_cast %add3A_374 : i32 to index
      %get3A_376 = tpu.vector_load %arg20[%get3A_375] {strides = array<i32>} : memref<8224xf32, #tpu.memory_space<vmem>>, vector<16xf32>,
      %get3A_377 = vector.shape_cast %get3A_376 : vector<16xf32> to vector<16xf32>
      %add3A_378 = arith.constant 48 : i32
      %add3A_379 = arith.addi %mul3A_315, %add3A_378 : i32
      %get3A_380 = arith.index_cast %add3A_379 : i32 to index
      %get3A_381 = tpu.vector_load %arg18[%get3A_380] {strides = array<i32>} : memref<8192xf32, #tpu.memory_space<vmem>>, vector<16xf32>,
      %get3A_382 = vector.shape_cast %get3A_381 : vector<16xf32> to vector<16xf32>
      %add3A_383 = arith.addf %get3A_377, %get3A_382 : vector<16xf32>
      %add3A_384 = arith.addf %add3A_383, %gather3A_313 : vector<16xf32>
      %add3A_385 = arith.constant 48 : i32
      %add3A_386 = arith.addi %add3A_319, %add3A_385 : i32
      %swap3A_387 = arith.index_cast %add3A_386 : i32 to index
      %swap3A_388 = tpu.vector_load %arg20[%swap3A_387] {strides = array<i32>} : memref<8224xf32, #tpu.memory_space<vmem>>, vector<16xf32>,
      %swap3A_389 = vector.shape_cast %swap3A_388 : vector<16xf32> to vector<16xf32>
      %swap3A_390 = vector.shape_cast %add3A_384 : vector<16xf32> to vector<16xf32>
      tpu.vector_store %arg20[%swap3A_387], %swap3A_390 {strides = array<i32>} : memref<8224xf32, #tpu.memory_space<vmem>>, vector<16xf32>,
      %add3A_391 = arith.constant 64 : i32
      %add3A_392 = arith.addi %add3A_319, %add3A_391 : i32
      %get3A_393 = arith.index_cast %add3A_392 : i32 to index
      %get3A_394 = tpu.vector_load %arg20[%get3A_393] {strides = array<i32>} : memref<8224xf32, #tpu.memory_space<vmem>>, vector<16xf32>,
      %get3A_395 = vector.shape_cast %get3A_394 : vector<16xf32> to vector<16xf32>
      %add3A_396 = arith.constant 64 : i32
      %add3A_397 = arith.addi %mul3A_315, %add3A_396 : i32
      %get3A_398 = arith.index_cast %add3A_397 : i32 to index
      %get3A_399 = tpu.vector_load %arg18[%get3A_398] {strides = array<i32>} : memref<8192xf32, #tpu.memory_space<vmem>>, vector<16xf32>,
      %get3A_400 = vector.shape_cast %get3A_399 : vector<16xf32> to vector<16xf32>
      %add3A_401 = arith.addf %get3A_395, %get3A_400 : vector<16xf32>
      %add3A_402 = arith.addf %add3A_401, %gather3A_313 : vector<16xf32>
      %add3A_403 = arith.constant 64 : i32
      %add3A_404 = arith.addi %add3A_319, %add3A_403 : i32
      %swap3A_405 = arith.index_cast %add3A_404 : i32 to index
      %swap3A_406 = tpu.vector_load %arg20[%swap3A_405] {strides = array<i32>} : memref<8224xf32, #tpu.memory_space<vmem>>, vector<16xf32>,
      %swap3A_407 = vector.shape_cast %swap3A_406 : vector<16xf32> to vector<16xf32>
      %swap3A_408 = vector.shape_cast %add3A_402 : vector<16xf32> to vector<16xf32>
      tpu.vector_store %arg20[%swap3A_405], %swap3A_408 {strides = array<i32>} : memref<8224xf32, #tpu.memory_space<vmem>>, vector<16xf32>,
      %add3A_409 = arith.constant 80 : i32
      %add3A_410 = arith.addi %add3A_319, %add3A_409 : i32
      %get3A_411 = arith.index_cast %add3A_410 : i32 to index
      %get3A_412 = tpu.vector_load %arg20[%get3A_411] {strides = array<i32>} : memref<8224xf32, #tpu.memory_space<vmem>>, vector<16xf32>,
      %get3A_413 = vector.shape_cast %get3A_412 : vector<16xf32> to vector<16xf32>
      %add3A_414 = arith.constant 80 : i32
      %add3A_415 = arith.addi %mul3A_315, %add3A_414 : i32
      %get3A_416 = arith.index_cast %add3A_415 : i32 to index
      %get3A_417 = tpu.vector_load %arg18[%get3A_416] {strides = array<i32>} : memref<8192xf32, #tpu.memory_space<vmem>>, vector<16xf32>,
      %get3A_418 = vector.shape_cast %get3A_417 : vector<16xf32> to vector<16xf32>
      %add3A_419 = arith.addf %get3A_413, %get3A_418 : vector<16xf32>
      %add3A_420 = arith.addf %add3A_419, %gather3A_313 : vector<16xf32>
      %add3A_421 = arith.constant 80 : i32
      %add3A_422 = arith.addi %add3A_319, %add3A_421 : i32
      %swap3A_423 = arith.index_cast %add3A_422 : i32 to index
      %swap3A_424 = tpu.vector_load %arg20[%swap3A_423] {strides = array<i32>} : memref<8224xf32, #tpu.memory_space<vmem>>, vector<16xf32>,
      %swap3A_425 = vector.shape_cast %swap3A_424 : vector<16xf32> to vector<16xf32>
      %swap3A_426 = vector.shape_cast %add3A_420 : vector<16xf32> to vector<16xf32>
      tpu.vector_store %arg20[%swap3A_423], %swap3A_426 {strides = array<i32>} : memref<8224xf32, #tpu.memory_space<vmem>>, vector<16xf32>,
      %add3A_427 = arith.constant 96 : i32
      %add3A_428 = arith.addi %add3A_319, %add3A_427 : i32
      %get3A_429 = arith.index_cast %add3A_428 : i32 to index
      %get3A_430 = tpu.vector_load %arg20[%get3A_429] {strides = array<i32>} : memref<8224xf32, #tpu.memory_space<vmem>>, vector<16xf32>,
      %get3A_431 = vector.shape_cast %get3A_430 : vector<16xf32> to vector<16xf32>
      %add3A_432 = arith.constant 96 : i32
      %add3A_433 = arith.addi %mul3A_315, %add3A_432 : i32
      %get3A_434 = arith.index_cast %add3A_433 : i32 to index
      %get3A_435 = tpu.vector_load %arg18[%get3A_434] {strides = array<i32>} : memref<8192xf32, #tpu.memory_space<vmem>>, vector<16xf32>,
      %get3A_436 = vector.shape_cast %get3A_435 : vector<16xf32> to vector<16xf32>
      %add3A_437 = arith.addf %get3A_431, %get3A_436 : vector<16xf32>
      %add3A_438 = arith.addf %add3A_437, %gather3A_313 : vector<16xf32>
      %add3A_439 = arith.constant 96 : i32
      %add3A_440 = arith.addi %add3A_319, %add3A_439 : i32
      %swap3A_441 = arith.index_cast %add3A_440 : i32 to index
      %swap3A_442 = tpu.vector_load %arg20[%swap3A_441] {strides = array<i32>} : memref<8224xf32, #tpu.memory_space<vmem>>, vector<16xf32>,
      %swap3A_443 = vector.shape_cast %swap3A_442 : vector<16xf32> to vector<16xf32>
      %swap3A_444 = vector.shape_cast %add3A_438 : vector<16xf32> to vector<16xf32>
      tpu.vector_store %arg20[%swap3A_441], %swap3A_444 {strides = array<i32>} : memref<8224xf32, #tpu.memory_space<vmem>>, vector<16xf32>,
      %add3A_445 = arith.constant 112 : i32
      %add3A_446 = arith.addi %add3A_319, %add3A_445 : i32
      %get3A_447 = arith.index_cast %add3A_446 : i32 to index
      %get3A_448 = tpu.vector_load %arg20[%get3A_447] {strides = array<i32>} : memref<8224xf32, #tpu.memory_space<vmem>>, vector<16xf32>,
      %get3A_449 = vector.shape_cast %get3A_448 : vector<16xf32> to vector<16xf32>
      %add3A_450 = arith.constant 112 : i32
      %add3A_451 = arith.addi %mul3A_315, %add3A_450 : i32
      %get3A_452 = arith.index_cast %add3A_451 : i32 to index
      %get3A_453 = tpu.vector_load %arg18[%get3A_452] {strides = array<i32>} : memref<8192xf32, #tpu.memory_space<vmem>>, vector<16xf32>,
      %get3A_454 = vector.shape_cast %get3A_453 : vector<16xf32> to vector<16xf32>
      %add3A_455 = arith.addf %get3A_449, %get3A_454 : vector<16xf32>
      %add3A_456 = arith.addf %add3A_455, %gather3A_313 : vector<16xf32>
      %add3A_457 = arith.constant 112 : i32
      %add3A_458 = arith.addi %add3A_319, %add3A_457 : i32
      %swap3A_459 = arith.index_cast %add3A_458 : i32 to index
      %swap3A_460 = tpu.vector_load %arg20[%swap3A_459] {strides = array<i32>} : memref<8224xf32, #tpu.memory_space<vmem>>, vector<16xf32>,
      %swap3A_461 = vector.shape_cast %swap3A_460 : vector<16xf32> to vector<16xf32>
      %swap3A_462 = vector.shape_cast %add3A_456 : vector<16xf32> to vector<16xf32>
      tpu.vector_store %arg20[%swap3A_459], %swap3A_462 {strides = array<i32>} : memref<8224xf32, #tpu.memory_space<vmem>>, vector<16xf32>,
      %add3A_463 = arith.constant 128 : i32
      %add3A_464 = arith.addi %add3A_319, %add3A_463 : i32
      %get3A_465 = arith.index_cast %add3A_464 : i32 to index
      %get3A_466 = tpu.vector_load %arg20[%get3A_465] {strides = array<i32>} : memref<8224xf32, #tpu.memory_space<vmem>>, vector<16xf32>,
      %get3A_467 = vector.shape_cast %get3A_466 : vector<16xf32> to vector<16xf32>
      %add3A_468 = arith.constant 128 : i32
      %add3A_469 = arith.addi %mul3A_315, %add3A_468 : i32
      %get3A_470 = arith.index_cast %add3A_469 : i32 to index
      %get3A_471 = tpu.vector_load %arg18[%get3A_470] {strides = array<i32>} : memref<8192xf32, #tpu.memory_space<vmem>>, vector<16xf32>,
      %get3A_472 = vector.shape_cast %get3A_471 : vector<16xf32> to vector<16xf32>
      %add3A_473 = arith.addf %get3A_467, %get3A_472 : vector<16xf32>
      %add3A_474 = arith.addf %add3A_473, %gather3A_313 : vector<16xf32>
      %add3A_475 = arith.constant 128 : i32
      %add3A_476 = arith.addi %add3A_319, %add3A_475 : i32
      %swap3A_477 = arith.index_cast %add3A_476 : i32 to index
      %swap3A_478 = tpu.vector_load %arg20[%swap3A_477] {strides = array<i32>} : memref<8224xf32, #tpu.memory_space<vmem>>, vector<16xf32>,
      %swap3A_479 = vector.shape_cast %swap3A_478 : vector<16xf32> to vector<16xf32>
      %swap3A_480 = vector.shape_cast %add3A_474 : vector<16xf32> to vector<16xf32>
      tpu.vector_store %arg20[%swap3A_477], %swap3A_480 {strides = array<i32>} : memref<8224xf32, #tpu.memory_space<vmem>>, vector<16xf32>,
      %add3A_481 = arith.constant 144 : i32
      %add3A_482 = arith.addi %add3A_319, %add3A_481 : i32
      %get3A_483 = arith.index_cast %add3A_482 : i32 to index
      %get3A_484 = tpu.vector_load %arg20[%get3A_483] {strides = array<i32>} : memref<8224xf32, #tpu.memory_space<vmem>>, vector<16xf32>,
      %get3A_485 = vector.shape_cast %get3A_484 : vector<16xf32> to vector<16xf32>
      %add3A_486 = arith.constant 144 : i32
      %add3A_487 = arith.addi %mul3A_315, %add3A_486 : i32
      %get3A_488 = arith.index_cast %add3A_487 : i32 to index
      %get3A_489 = tpu.vector_load %arg18[%get3A_488] {strides = array<i32>} : memref<8192xf32, #tpu.memory_space<vmem>>, vector<16xf32>,
      %get3A_490 = vector.shape_cast %get3A_489 : vector<16xf32> to vector<16xf32>
      %add3A_491 = arith.addf %get3A_485, %get3A_490 : vector<16xf32>
      %add3A_492 = arith.addf %add3A_491, %gather3A_313 : vector<16xf32>
      %add3A_493 = arith.constant 144 : i32
      %add3A_494 = arith.addi %add3A_319, %add3A_493 : i32
      %swap3A_495 = arith.index_cast %add3A_494 : i32 to index
      %swap3A_496 = tpu.vector_load %arg20[%swap3A_495] {strides = array<i32>} : memref<8224xf32, #tpu.memory_space<vmem>>, vector<16xf32>,
      %swap3A_497 = vector.shape_cast %swap3A_496 : vector<16xf32> to vector<16xf32>
      %swap3A_498 = vector.shape_cast %add3A_492 : vector<16xf32> to vector<16xf32>
      tpu.vector_store %arg20[%swap3A_495], %swap3A_498 {strides = array<i32>} : memref<8224xf32, #tpu.memory_space<vmem>>, vector<16xf32>,
      %add3A_499 = arith.constant 160 : i32
      %add3A_500 = arith.addi %add3A_319, %add3A_499 : i32
      %get3A_501 = arith.index_cast %add3A_500 : i32 to index
      %get3A_502 = tpu.vector_load %arg20[%get3A_501] {strides = array<i32>} : memref<8224xf32, #tpu.memory_space<vmem>>, vector<16xf32>,
      %get3A_503 = vector.shape_cast %get3A_502 : vector<16xf32> to vector<16xf32>
      %add3A_504 = arith.constant 160 : i32
      %add3A_505 = arith.addi %mul3A_315, %add3A_504 : i32
      %get3A_506 = arith.index_cast %add3A_505 : i32 to index
      %get3A_507 = tpu.vector_load %arg18[%get3A_506] {strides = array<i32>} : memref<8192xf32, #tpu.memory_space<vmem>>, vector<16xf32>,
      %get3A_508 = vector.shape_cast %get3A_507 : vector<16xf32> to vector<16xf32>
      %add3A_509 = arith.addf %get3A_503, %get3A_508 : vector<16xf32>
      %add3A_510 = arith.addf %add3A_509, %gather3A_313 : vector<16xf32>
      %add3A_511 = arith.constant 160 : i32
      %add3A_512 = arith.addi %add3A_319, %add3A_511 : i32
      %swap3A_513 = arith.index_cast %add3A_512 : i32 to index
      %swap3A_514 = tpu.vector_load %arg20[%swap3A_513] {strides = array<i32>} : memref<8224xf32, #tpu.memory_space<vmem>>, vector<16xf32>,
      %swap3A_515 = vector.shape_cast %swap3A_514 : vector<16xf32> to vector<16xf32>
      %swap3A_516 = vector.shape_cast %add3A_510 : vector<16xf32> to vector<16xf32>
      tpu.vector_store %arg20[%swap3A_513], %swap3A_516 {strides = array<i32>} : memref<8224xf32, #tpu.memory_space<vmem>>, vector<16xf32>,
      %add3A_517 = arith.constant 176 : i32
      %add3A_518 = arith.addi %add3A_319, %add3A_517 : i32
      %get3A_519 = arith.index_cast %add3A_518 : i32 to index
      %get3A_520 = tpu.vector_load %arg20[%get3A_519] {strides = array<i32>} : memref<8224xf32, #tpu.memory_space<vmem>>, vector<16xf32>,
      %get3A_521 = vector.shape_cast %get3A_520 : vector<16xf32> to vector<16xf32>
      %add3A_522 = arith.constant 176 : i32
      %add3A_523 = arith.addi %mul3A_315, %add3A_522 : i32
      %get3A_524 = arith.index_cast %add3A_523 : i32 to index
      %get3A_525 = tpu.vector_load %arg18[%get3A_524] {strides = array<i32>} : memref<8192xf32, #tpu.memory_space<vmem>>, vector<16xf32>,
      %get3A_526 = vector.shape_cast %get3A_525 : vector<16xf32> to vector<16xf32>
      %add3A_527 = arith.addf %get3A_521, %get3A_526 : vector<16xf32>
      %add3A_528 = arith.addf %add3A_527, %gather3A_313 : vector<16xf32>
      %add3A_529 = arith.constant 176 : i32
      %add3A_530 = arith.addi %add3A_319, %add3A_529 : i32
      %swap3A_531 = arith.index_cast %add3A_530 : i32 to index
      %swap3A_532 = tpu.vector_load %arg20[%swap3A_531] {strides = array<i32>} : memref<8224xf32, #tpu.memory_space<vmem>>, vector<16xf32>,
      %swap3A_533 = vector.shape_cast %swap3A_532 : vector<16xf32> to vector<16xf32>
      %swap3A_534 = vector.shape_cast %add3A_528 : vector<16xf32> to vector<16xf32>
      tpu.vector_store %arg20[%swap3A_531], %swap3A_534 {strides = array<i32>} : memref<8224xf32, #tpu.memory_space<vmem>>, vector<16xf32>,
      %add3A_535 = arith.constant 192 : i32
      %add3A_536 = arith.addi %add3A_319, %add3A_535 : i32
      %get3A_537 = arith.index_cast %add3A_536 : i32 to index
      %get3A_538 = tpu.vector_load %arg20[%get3A_537] {strides = array<i32>} : memref<8224xf32, #tpu.memory_space<vmem>>, vector<16xf32>,
      %get3A_539 = vector.shape_cast %get3A_538 : vector<16xf32> to vector<16xf32>
      %add3A_540 = arith.constant 192 : i32
      %add3A_541 = arith.addi %mul3A_315, %add3A_540 : i32
      %get3A_542 = arith.index_cast %add3A_541 : i32 to index
      %get3A_543 = tpu.vector_load %arg18[%get3A_542] {strides = array<i32>} : memref<8192xf32, #tpu.memory_space<vmem>>, vector<16xf32>,
      %get3A_544 = vector.shape_cast %get3A_543 : vector<16xf32> to vector<16xf32>
      %add3A_545 = arith.addf %get3A_539, %get3A_544 : vector<16xf32>
      %add3A_546 = arith.addf %add3A_545, %gather3A_313 : vector<16xf32>
      %add3A_547 = arith.constant 192 : i32
      %add3A_548 = arith.addi %add3A_319, %add3A_547 : i32
      %swap3A_549 = arith.index_cast %add3A_548 : i32 to index
      %swap3A_550 = tpu.vector_load %arg20[%swap3A_549] {strides = array<i32>} : memref<8224xf32, #tpu.memory_space<vmem>>, vector<16xf32>,
      %swap3A_551 = vector.shape_cast %swap3A_550 : vector<16xf32> to vector<16xf32>
      %swap3A_552 = vector.shape_cast %add3A_546 : vector<16xf32> to vector<16xf32>
      tpu.vector_store %arg20[%swap3A_549], %swap3A_552 {strides = array<i32>} : memref<8224xf32, #tpu.memory_space<vmem>>, vector<16xf32>,
      %add3A_553 = arith.constant 208 : i32
      %add3A_554 = arith.addi %add3A_319, %add3A_553 : i32
      %get3A_555 = arith.index_cast %add3A_554 : i32 to index
      %get3A_556 = tpu.vector_load %arg20[%get3A_555] {strides = array<i32>} : memref<8224xf32, #tpu.memory_space<vmem>>, vector<16xf32>,
      %get3A_557 = vector.shape_cast %get3A_556 : vector<16xf32> to vector<16xf32>
      %add3A_558 = arith.constant 208 : i32
      %add3A_559 = arith.addi %mul3A_315, %add3A_558 : i32
      %get3A_560 = arith.index_cast %add3A_559 : i32 to index
      %get3A_561 = tpu.vector_load %arg18[%get3A_560] {strides = array<i32>} : memref<8192xf32, #tpu.memory_space<vmem>>, vector<16xf32>,
      %get3A_562 = vector.shape_cast %get3A_561 : vector<16xf32> to vector<16xf32>
      %add3A_563 = arith.addf %get3A_557, %get3A_562 : vector<16xf32>
      %add3A_564 = arith.addf %add3A_563, %gather3A_313 : vector<16xf32>
      %add3A_565 = arith.constant 208 : i32
      %add3A_566 = arith.addi %add3A_319, %add3A_565 : i32
      %swap3A_567 = arith.index_cast %add3A_566 : i32 to index
      %swap3A_568 = tpu.vector_load %arg20[%swap3A_567] {strides = array<i32>} : memref<8224xf32, #tpu.memory_space<vmem>>, vector<16xf32>,
      %swap3A_569 = vector.shape_cast %swap3A_568 : vector<16xf32> to vector<16xf32>
      %swap3A_570 = vector.shape_cast %add3A_564 : vector<16xf32> to vector<16xf32>
      tpu.vector_store %arg20[%swap3A_567], %swap3A_570 {strides = array<i32>} : memref<8224xf32, #tpu.memory_space<vmem>>, vector<16xf32>,
      %add3A_571 = arith.constant 224 : i32
      %add3A_572 = arith.addi %add3A_319, %add3A_571 : i32
      %get3A_573 = arith.index_cast %add3A_572 : i32 to index
      %get3A_574 = tpu.vector_load %arg20[%get3A_573] {strides = array<i32>} : memref<8224xf32, #tpu.memory_space<vmem>>, vector<16xf32>,
      %get3A_575 = vector.shape_cast %get3A_574 : vector<16xf32> to vector<16xf32>
      %add3A_576 = arith.constant 224 : i32
      %add3A_577 = arith.addi %mul3A_315, %add3A_576 : i32
      %get3A_578 = arith.index_cast %add3A_577 : i32 to index
      %get3A_579 = tpu.vector_load %arg18[%get3A_578] {strides = array<i32>} : memref<8192xf32, #tpu.memory_space<vmem>>, vector<16xf32>,
      %get3A_580 = vector.shape_cast %get3A_579 : vector<16xf32> to vector<16xf32>
      %add3A_581 = arith.addf %get3A_575, %get3A_580 : vector<16xf32>
      %add3A_582 = arith.addf %add3A_581, %gather3A_313 : vector<16xf32>
      %add3A_583 = arith.constant 224 : i32
      %add3A_584 = arith.addi %add3A_319, %add3A_583 : i32
      %swap3A_585 = arith.index_cast %add3A_584 : i32 to index
      %swap3A_586 = tpu.vector_load %arg20[%swap3A_585] {strides = array<i32>} : memref<8224xf32, #tpu.memory_space<vmem>>, vector<16xf32>,
      %swap3A_587 = vector.shape_cast %swap3A_586 : vector<16xf32> to vector<16xf32>
      %swap3A_588 = vector.shape_cast %add3A_582 : vector<16xf32> to vector<16xf32>
      tpu.vector_store %arg20[%swap3A_585], %swap3A_588 {strides = array<i32>} : memref<8224xf32, #tpu.memory_space<vmem>>, vector<16xf32>,
      %add3A_589 = arith.constant 240 : i32
      %add3A_590 = arith.addi %add3A_319, %add3A_589 : i32
      %get3A_591 = arith.index_cast %add3A_590 : i32 to index
      %get3A_592 = tpu.vector_load %arg20[%get3A_591] {strides = array<i32>} : memref<8224xf32, #tpu.memory_space<vmem>>, vector<16xf32>,
      %get3A_593 = vector.shape_cast %get3A_592 : vector<16xf32> to vector<16xf32>
      %add3A_594 = arith.constant 240 : i32
      %add3A_595 = arith.addi %mul3A_315, %add3A_594 : i32
      %get3A_596 = arith.index_cast %add3A_595 : i32 to index
      %get3A_597 = tpu.vector_load %arg18[%get3A_596] {strides = array<i32>} : memref<8192xf32, #tpu.memory_space<vmem>>, vector<16xf32>,
      %get3A_598 = vector.shape_cast %get3A_597 : vector<16xf32> to vector<16xf32>
      %add3A_599 = arith.addf %get3A_593, %get3A_598 : vector<16xf32>
      %add3A_600 = arith.addf %add3A_599, %gather3A_313 : vector<16xf32>
      %add3A_601 = arith.constant 240 : i32
      %add3A_602 = arith.addi %add3A_319, %add3A_601 : i32
      %swap3A_603 = arith.index_cast %add3A_602 : i32 to index
      %swap3A_604 = tpu.vector_load %arg20[%swap3A_603] {strides = array<i32>} : memref<8224xf32, #tpu.memory_space<vmem>>, vector<16xf32>,
      %swap3A_605 = vector.shape_cast %swap3A_604 : vector<16xf32> to vector<16xf32>
      %swap3A_606 = vector.shape_cast %add3A_600 : vector<16xf32> to vector<16xf32>
      tpu.vector_store %arg20[%swap3A_603], %swap3A_606 {strides = array<i32>} : memref<8224xf32, #tpu.memory_space<vmem>>, vector<16xf32>,
    }
    %scan3A_183 = arith.constant 32 : i32
    %dma_start3A_184 = tpu.memref_slice %arg8[%mul3A_175] : memref<1052672xf32, #tpu.memory_space<hbm>> -> memref<8224xf32, #tpu.memory_space<hbm>>
    %dma_start3A_185 = tpu.memref_slice %arg8[%mul3A_175] : memref<1052672xf32, #tpu.memory_space<hbm>> -> memref<8224xf32, #tpu.memory_space<hbm>>
    tpu.enqueue_dma source(%arg20 : memref<8224xf32, #tpu.memory_space<vmem>>) target(%dma_start3A_185 : memref<8224xf32, #tpu.memory_space<hbm>>) target_semaphore(%arg25 : memref<!tpu.dma_semaphore, #tpu.memory_space<semaphore_mem>>)
    %add3A_186 = arith.constant 64 : i32
    %add3A_187 = arith.addi %mul3A_2, %add3A_186 : i32
    %mul3A_188 = arith.constant 256 : i32
    %mul3A_189 = arith.muli %add3A_187, %mul3A_188 : i32
    "tpu.region"() ({
      %run_scoped3A = tpu.sem_alloc : memref<!tpu.dma_semaphore, #tpu.memory_space<semaphore_mem>>
      %dma_start3A_276 = tpu.memref_slice %arg2[%mul3A_189] : memref<1048576xi32, #tpu.memory_space<hbm>> -> memref<8192xi32, #tpu.memory_space<hbm>>
      %dma_start3A_277 = tpu.memref_slice %arg2[%mul3A_189] : memref<1048576xi32, #tpu.memory_space<hbm>> -> memref<8192xi32, #tpu.memory_space<hbm>>
      tpu.enqueue_dma source(%dma_start3A_277 : memref<8192xi32, #tpu.memory_space<hbm>>) target(%arg16 : memref<8192xi32, #tpu.memory_space<vmem>>) target_semaphore(%run_scoped3A : memref<!tpu.dma_semaphore, #tpu.memory_space<semaphore_mem>>)
      %dma_wait3A_278 = tpu.memref_slice %arg2[%mul3A_189] : memref<1048576xi32, #tpu.memory_space<hbm>> -> memref<8192xi32, #tpu.memory_space<hbm>>
      %dma_wait3A_279 = tpu.memref_slice %arg2[%mul3A_189] : memref<1048576xi32, #tpu.memory_space<hbm>> -> memref<8192xi32, #tpu.memory_space<hbm>>
      tpu.wait_dma2 semaphore(%run_scoped3A : memref<!tpu.dma_semaphore, #tpu.memory_space<semaphore_mem>>) src(%dma_wait3A_279 : memref<8192xi32, #tpu.memory_space<hbm>>) dst(%arg16 : memref<8192xi32, #tpu.memory_space<vmem>>)
      tpu.yield
    }) : () -> ()
    %dma_start3A_190 = arith.constant 0 : i32
    %dma_start3A_191 = tpu.memref_slice %arg9[%dma_start3A_190] : memref<1000448xf32, #tpu.memory_space<vmem_shared>> -> memref<1000448xf32, #tpu.memory_space<vmem_shared>>
    tpu.enqueue_indirect_dma source(%dma_start3A_191 : memref<1000448xf32, #tpu.memory_space<vmem_shared>>) target(%arg18 : memref<8192xf32, #tpu.memory_space<vmem>>) offsets(%arg16 : memref<8192xi32, #tpu.memory_space<vmem>>) semaphore(%arg22 : memref<!tpu.dma_semaphore, #tpu.memory_space<semaphore_mem>>)
    %add3A_192 = arith.constant 32 : i32
    %add3A_193 = arith.addi %mul3A_2, %add3A_192 : i32
    %mul3A_194 = arith.constant 257 : i32
    %mul3A_195 = arith.muli %add3A_193, %mul3A_194 : i32
    "tpu.region"() ({
      %run_scoped3A = tpu.sem_alloc : memref<!tpu.dma_semaphore, #tpu.memory_space<semaphore_mem>>
      %dma_start3A_276 = tpu.memref_slice %arg5[%mul3A_195] : memref<1052672xf32, #tpu.memory_space<hbm>> -> memref<8224xf32, #tpu.memory_space<hbm>>
      %dma_start3A_277 = tpu.memref_slice %arg5[%mul3A_195] : memref<1052672xf32, #tpu.memory_space<hbm>> -> memref<8224xf32, #tpu.memory_space<hbm>>
      tpu.enqueue_dma source(%dma_start3A_277 : memref<8224xf32, #tpu.memory_space<hbm>>) target(%arg21 : memref<8224xf32, #tpu.memory_space<vmem>>) target_semaphore(%run_scoped3A : memref<!tpu.dma_semaphore, #tpu.memory_space<semaphore_mem>>)
      %dma_wait3A_278 = tpu.memref_slice %arg5[%mul3A_195] : memref<1052672xf32, #tpu.memory_space<hbm>> -> memref<8224xf32, #tpu.memory_space<hbm>>
      %dma_wait3A_279 = tpu.memref_slice %arg5[%mul3A_195] : memref<1052672xf32, #tpu.memory_space<hbm>> -> memref<8224xf32, #tpu.memory_space<hbm>>
      tpu.wait_dma2 semaphore(%run_scoped3A : memref<!tpu.dma_semaphore, #tpu.memory_space<semaphore_mem>>) src(%dma_wait3A_279 : memref<8224xf32, #tpu.memory_space<hbm>>) dst(%arg21 : memref<8224xf32, #tpu.memory_space<vmem>>)
      tpu.yield
    }) : () -> ()
    %dma_wait3A_196 = arith.constant 0 : i32
    %dma_wait3A_197 = tpu.memref_slice %arg9[%dma_wait3A_196] : memref<1000448xf32, #tpu.memory_space<vmem_shared>> -> memref<1000448xf32, #tpu.memory_space<vmem_shared>>
    tpu.wait_indirect_dma semaphore(%arg23 : memref<!tpu.dma_semaphore, #tpu.memory_space<semaphore_mem>>) src(%dma_wait3A_197 : memref<1000448xf32, #tpu.memory_space<vmem_shared>>) dst(%arg19 : memref<8192xf32, #tpu.memory_space<vmem>>)
    %scan3A_198 = arith.constant 0 : i32
    %scan3A_199 = arith.constant 0 : i32
    %scan3A_200 = arith.constant 32 : i32
    %scan3A_201 = arith.addi %scan3A_199, %scan3A_200 : i32
    %scan3A_202 = arith.constant 1 : i32
    scf.for %scan3A_276 = %scan3A_199 to %scan3A_201 step %scan3A_202  : i32 {
      %add3A_277 = arith.constant 32 : i32
      %add3A_278 = arith.addi %add3A_277, %scan3A_276 : i32
      %jit3A = arith.constant 16 : i32
      %div3A = arith.divsi %add3A_278, %jit3A : i32
      %sign3A = arith.constant 0 : i32
      %sign3A_279 = arith.cmpi sgt, %add3A_278, %sign3A : i32
      %sign3A_280 = arith.extui %sign3A_279 : i1 to i32
      %sign3A_281 = arith.constant 0 : i32
      %sign3A_282 = arith.cmpi slt, %add3A_278, %sign3A_281 : i32
      %sign3A_283 = arith.extui %sign3A_282 : i1 to i32
      %sign3A_284 = arith.subi %sign3A_280, %sign3A_283 : i32
      %sign3A_285 = arith.constant 0 : i32
      %sign3A_286 = arith.cmpi sgt, %jit3A, %sign3A_285 : i32
      %sign3A_287 = arith.extui %sign3A_286 : i1 to i32
      %sign3A_288 = arith.constant 0 : i32
      %sign3A_289 = arith.cmpi slt, %jit3A, %sign3A_288 : i32
      %sign3A_290 = arith.extui %sign3A_289 : i1 to i32
      %sign3A_291 = arith.subi %sign3A_287, %sign3A_290 : i32
      %ne3A = arith.cmpi ne, %sign3A_284, %sign3A_291 : i32
      %rem3A = arith.remsi %add3A_278, %jit3A : i32
      %ne3A_292 = arith.constant 0 : i32
      %ne3A_293 = arith.cmpi ne, %rem3A, %ne3A_292 : i32
      %and3A = arith.andi %ne3A, %ne3A_293 : i1
      %sub3A = arith.constant 1 : i32
      %sub3A_294 = arith.subi %div3A, %sub3A : i32
      %select_n3A = arith.select %and3A, %sub3A_294, %div3A : i32
      %mul3A_295 = arith.constant 16 : i32
      %mul3A_296 = arith.muli %select_n3A, %mul3A_295 : i32
      %get3A = arith.index_cast %mul3A_296 : i32 to index
      %get3A_297 = tpu.vector_load %arg11[%get3A] {strides = array<i32>} : memref<128xf32, #tpu.memory_space<vmem>>, vector<16xf32>,
      %get3A_298 = vector.shape_cast %get3A_297 : vector<16xf32> to vector<16xf32>
      %jit3A_299 = arith.constant 16 : i32
      %eq3A = arith.constant 0 : i32
      %eq3A_300 = arith.cmpi eq, %jit3A_299, %eq3A : i32
      %jit3A_301 = arith.constant 1 : i32
      %select_n3A_302 = arith.select %eq3A_300, %jit3A_301, %jit3A_299 : i32
      %rem3A_303 = arith.remsi %add3A_278, %select_n3A_302 : i32
      %ne3A_304 = arith.constant 0 : i32
      %ne3A_305 = arith.cmpi ne, %rem3A_303, %ne3A_304 : i32
      %lt3A = arith.constant 0 : i32
      %lt3A_306 = arith.cmpi slt, %rem3A_303, %lt3A : i32
      %lt3A_307 = arith.constant 0 : i32
      %lt3A_308 = arith.cmpi slt, %select_n3A_302, %lt3A_307 : i32
      %ne3A_309 = arith.xori %lt3A_306, %lt3A_308 : i1
      %and3A_310 = arith.andi %ne3A_309, %ne3A_305 : i1
      %add3A_311 = arith.addi %rem3A_303, %select_n3A_302 : i32
      %select_n3A_312 = arith.select %and3A_310, %add3A_311, %rem3A_303 : i32
      %broadcast_in_dim3A = vector.broadcast %select_n3A_312 : i32 to vector<16x1xi32>
      %gather3A = vector.shape_cast %broadcast_in_dim3A : vector<16x1xi32> to vector<16xi32>
      %gather3A_313 = tpu.dynamic_gather %get3A_298[%gather3A] in [0] : vector<16xf32>, vector<16xi32> -> vector<16xf32>
      %mul3A_314 = arith.constant 256 : i32
      %mul3A_315 = arith.muli %scan3A_276, %mul3A_314 : i32
      %mul3A_316 = arith.constant 257 : i32
      %mul3A_317 = arith.muli %scan3A_276, %mul3A_316 : i32
      %add3A_318 = arith.constant 1 : i32
      %add3A_319 = arith.addi %mul3A_317, %add3A_318 : i32
      %add3A_320 = arith.constant 0 : i32
      %add3A_321 = arith.addi %add3A_319, %add3A_320 : i32
      %get3A_322 = arith.index_cast %add3A_321 : i32 to index
      %get3A_323 = tpu.vector_load %arg21[%get3A_322] {strides = array<i32>} : memref<8224xf32, #tpu.memory_space<vmem>>, vector<16xf32>,
      %get3A_324 = vector.shape_cast %get3A_323 : vector<16xf32> to vector<16xf32>
      %add3A_325 = arith.constant 0 : i32
      %add3A_326 = arith.addi %mul3A_315, %add3A_325 : i32
      %get3A_327 = arith.index_cast %add3A_326 : i32 to index
      %get3A_328 = tpu.vector_load %arg19[%get3A_327] {strides = array<i32>} : memref<8192xf32, #tpu.memory_space<vmem>>, vector<16xf32>,
      %get3A_329 = vector.shape_cast %get3A_328 : vector<16xf32> to vector<16xf32>
      %add3A_330 = arith.addf %get3A_324, %get3A_329 : vector<16xf32>
      %add3A_331 = arith.addf %add3A_330, %gather3A_313 : vector<16xf32>
      %add3A_332 = arith.constant 0 : i32
      %add3A_333 = arith.addi %add3A_319, %add3A_332 : i32
      %swap3A = arith.index_cast %add3A_333 : i32 to index
      %swap3A_334 = tpu.vector_load %arg21[%swap3A] {strides = array<i32>} : memref<8224xf32, #tpu.memory_space<vmem>>, vector<16xf32>,
      %swap3A_335 = vector.shape_cast %swap3A_334 : vector<16xf32> to vector<16xf32>
      %swap3A_336 = vector.shape_cast %add3A_331 : vector<16xf32> to vector<16xf32>
      tpu.vector_store %arg21[%swap3A], %swap3A_336 {strides = array<i32>} : memref<8224xf32, #tpu.memory_space<vmem>>, vector<16xf32>,
      %add3A_337 = arith.constant 16 : i32
      %add3A_338 = arith.addi %add3A_319, %add3A_337 : i32
      %get3A_339 = arith.index_cast %add3A_338 : i32 to index
      %get3A_340 = tpu.vector_load %arg21[%get3A_339] {strides = array<i32>} : memref<8224xf32, #tpu.memory_space<vmem>>, vector<16xf32>,
      %get3A_341 = vector.shape_cast %get3A_340 : vector<16xf32> to vector<16xf32>
      %add3A_342 = arith.constant 16 : i32
      %add3A_343 = arith.addi %mul3A_315, %add3A_342 : i32
      %get3A_344 = arith.index_cast %add3A_343 : i32 to index
      %get3A_345 = tpu.vector_load %arg19[%get3A_344] {strides = array<i32>} : memref<8192xf32, #tpu.memory_space<vmem>>, vector<16xf32>,
      %get3A_346 = vector.shape_cast %get3A_345 : vector<16xf32> to vector<16xf32>
      %add3A_347 = arith.addf %get3A_341, %get3A_346 : vector<16xf32>
      %add3A_348 = arith.addf %add3A_347, %gather3A_313 : vector<16xf32>
      %add3A_349 = arith.constant 16 : i32
      %add3A_350 = arith.addi %add3A_319, %add3A_349 : i32
      %swap3A_351 = arith.index_cast %add3A_350 : i32 to index
      %swap3A_352 = tpu.vector_load %arg21[%swap3A_351] {strides = array<i32>} : memref<8224xf32, #tpu.memory_space<vmem>>, vector<16xf32>,
      %swap3A_353 = vector.shape_cast %swap3A_352 : vector<16xf32> to vector<16xf32>
      %swap3A_354 = vector.shape_cast %add3A_348 : vector<16xf32> to vector<16xf32>
      tpu.vector_store %arg21[%swap3A_351], %swap3A_354 {strides = array<i32>} : memref<8224xf32, #tpu.memory_space<vmem>>, vector<16xf32>,
      %add3A_355 = arith.constant 32 : i32
      %add3A_356 = arith.addi %add3A_319, %add3A_355 : i32
      %get3A_357 = arith.index_cast %add3A_356 : i32 to index
      %get3A_358 = tpu.vector_load %arg21[%get3A_357] {strides = array<i32>} : memref<8224xf32, #tpu.memory_space<vmem>>, vector<16xf32>,
      %get3A_359 = vector.shape_cast %get3A_358 : vector<16xf32> to vector<16xf32>
      %add3A_360 = arith.constant 32 : i32
      %add3A_361 = arith.addi %mul3A_315, %add3A_360 : i32
      %get3A_362 = arith.index_cast %add3A_361 : i32 to index
      %get3A_363 = tpu.vector_load %arg19[%get3A_362] {strides = array<i32>} : memref<8192xf32, #tpu.memory_space<vmem>>, vector<16xf32>,
      %get3A_364 = vector.shape_cast %get3A_363 : vector<16xf32> to vector<16xf32>
      %add3A_365 = arith.addf %get3A_359, %get3A_364 : vector<16xf32>
      %add3A_366 = arith.addf %add3A_365, %gather3A_313 : vector<16xf32>
      %add3A_367 = arith.constant 32 : i32
      %add3A_368 = arith.addi %add3A_319, %add3A_367 : i32
      %swap3A_369 = arith.index_cast %add3A_368 : i32 to index
      %swap3A_370 = tpu.vector_load %arg21[%swap3A_369] {strides = array<i32>} : memref<8224xf32, #tpu.memory_space<vmem>>, vector<16xf32>,
      %swap3A_371 = vector.shape_cast %swap3A_370 : vector<16xf32> to vector<16xf32>
      %swap3A_372 = vector.shape_cast %add3A_366 : vector<16xf32> to vector<16xf32>
      tpu.vector_store %arg21[%swap3A_369], %swap3A_372 {strides = array<i32>} : memref<8224xf32, #tpu.memory_space<vmem>>, vector<16xf32>,
      %add3A_373 = arith.constant 48 : i32
      %add3A_374 = arith.addi %add3A_319, %add3A_373 : i32
      %get3A_375 = arith.index_cast %add3A_374 : i32 to index
      %get3A_376 = tpu.vector_load %arg21[%get3A_375] {strides = array<i32>} : memref<8224xf32, #tpu.memory_space<vmem>>, vector<16xf32>,
      %get3A_377 = vector.shape_cast %get3A_376 : vector<16xf32> to vector<16xf32>
      %add3A_378 = arith.constant 48 : i32
      %add3A_379 = arith.addi %mul3A_315, %add3A_378 : i32
      %get3A_380 = arith.index_cast %add3A_379 : i32 to index
      %get3A_381 = tpu.vector_load %arg19[%get3A_380] {strides = array<i32>} : memref<8192xf32, #tpu.memory_space<vmem>>, vector<16xf32>,
      %get3A_382 = vector.shape_cast %get3A_381 : vector<16xf32> to vector<16xf32>
      %add3A_383 = arith.addf %get3A_377, %get3A_382 : vector<16xf32>
      %add3A_384 = arith.addf %add3A_383, %gather3A_313 : vector<16xf32>
      %add3A_385 = arith.constant 48 : i32
      %add3A_386 = arith.addi %add3A_319, %add3A_385 : i32
      %swap3A_387 = arith.index_cast %add3A_386 : i32 to index
      %swap3A_388 = tpu.vector_load %arg21[%swap3A_387] {strides = array<i32>} : memref<8224xf32, #tpu.memory_space<vmem>>, vector<16xf32>,
      %swap3A_389 = vector.shape_cast %swap3A_388 : vector<16xf32> to vector<16xf32>
      %swap3A_390 = vector.shape_cast %add3A_384 : vector<16xf32> to vector<16xf32>
      tpu.vector_store %arg21[%swap3A_387], %swap3A_390 {strides = array<i32>} : memref<8224xf32, #tpu.memory_space<vmem>>, vector<16xf32>,
      %add3A_391 = arith.constant 64 : i32
      %add3A_392 = arith.addi %add3A_319, %add3A_391 : i32
      %get3A_393 = arith.index_cast %add3A_392 : i32 to index
      %get3A_394 = tpu.vector_load %arg21[%get3A_393] {strides = array<i32>} : memref<8224xf32, #tpu.memory_space<vmem>>, vector<16xf32>,
      %get3A_395 = vector.shape_cast %get3A_394 : vector<16xf32> to vector<16xf32>
      %add3A_396 = arith.constant 64 : i32
      %add3A_397 = arith.addi %mul3A_315, %add3A_396 : i32
      %get3A_398 = arith.index_cast %add3A_397 : i32 to index
      %get3A_399 = tpu.vector_load %arg19[%get3A_398] {strides = array<i32>} : memref<8192xf32, #tpu.memory_space<vmem>>, vector<16xf32>,
      %get3A_400 = vector.shape_cast %get3A_399 : vector<16xf32> to vector<16xf32>
      %add3A_401 = arith.addf %get3A_395, %get3A_400 : vector<16xf32>
      %add3A_402 = arith.addf %add3A_401, %gather3A_313 : vector<16xf32>
      %add3A_403 = arith.constant 64 : i32
      %add3A_404 = arith.addi %add3A_319, %add3A_403 : i32
      %swap3A_405 = arith.index_cast %add3A_404 : i32 to index
      %swap3A_406 = tpu.vector_load %arg21[%swap3A_405] {strides = array<i32>} : memref<8224xf32, #tpu.memory_space<vmem>>, vector<16xf32>,
      %swap3A_407 = vector.shape_cast %swap3A_406 : vector<16xf32> to vector<16xf32>
      %swap3A_408 = vector.shape_cast %add3A_402 : vector<16xf32> to vector<16xf32>
      tpu.vector_store %arg21[%swap3A_405], %swap3A_408 {strides = array<i32>} : memref<8224xf32, #tpu.memory_space<vmem>>, vector<16xf32>,
      %add3A_409 = arith.constant 80 : i32
      %add3A_410 = arith.addi %add3A_319, %add3A_409 : i32
      %get3A_411 = arith.index_cast %add3A_410 : i32 to index
      %get3A_412 = tpu.vector_load %arg21[%get3A_411] {strides = array<i32>} : memref<8224xf32, #tpu.memory_space<vmem>>, vector<16xf32>,
      %get3A_413 = vector.shape_cast %get3A_412 : vector<16xf32> to vector<16xf32>
      %add3A_414 = arith.constant 80 : i32
      %add3A_415 = arith.addi %mul3A_315, %add3A_414 : i32
      %get3A_416 = arith.index_cast %add3A_415 : i32 to index
      %get3A_417 = tpu.vector_load %arg19[%get3A_416] {strides = array<i32>} : memref<8192xf32, #tpu.memory_space<vmem>>, vector<16xf32>,
      %get3A_418 = vector.shape_cast %get3A_417 : vector<16xf32> to vector<16xf32>
      %add3A_419 = arith.addf %get3A_413, %get3A_418 : vector<16xf32>
      %add3A_420 = arith.addf %add3A_419, %gather3A_313 : vector<16xf32>
      %add3A_421 = arith.constant 80 : i32
      %add3A_422 = arith.addi %add3A_319, %add3A_421 : i32
      %swap3A_423 = arith.index_cast %add3A_422 : i32 to index
      %swap3A_424 = tpu.vector_load %arg21[%swap3A_423] {strides = array<i32>} : memref<8224xf32, #tpu.memory_space<vmem>>, vector<16xf32>,
      %swap3A_425 = vector.shape_cast %swap3A_424 : vector<16xf32> to vector<16xf32>
      %swap3A_426 = vector.shape_cast %add3A_420 : vector<16xf32> to vector<16xf32>
      tpu.vector_store %arg21[%swap3A_423], %swap3A_426 {strides = array<i32>} : memref<8224xf32, #tpu.memory_space<vmem>>, vector<16xf32>,
      %add3A_427 = arith.constant 96 : i32
      %add3A_428 = arith.addi %add3A_319, %add3A_427 : i32
      %get3A_429 = arith.index_cast %add3A_428 : i32 to index
      %get3A_430 = tpu.vector_load %arg21[%get3A_429] {strides = array<i32>} : memref<8224xf32, #tpu.memory_space<vmem>>, vector<16xf32>,
      %get3A_431 = vector.shape_cast %get3A_430 : vector<16xf32> to vector<16xf32>
      %add3A_432 = arith.constant 96 : i32
      %add3A_433 = arith.addi %mul3A_315, %add3A_432 : i32
      %get3A_434 = arith.index_cast %add3A_433 : i32 to index
      %get3A_435 = tpu.vector_load %arg19[%get3A_434] {strides = array<i32>} : memref<8192xf32, #tpu.memory_space<vmem>>, vector<16xf32>,
      %get3A_436 = vector.shape_cast %get3A_435 : vector<16xf32> to vector<16xf32>
      %add3A_437 = arith.addf %get3A_431, %get3A_436 : vector<16xf32>
      %add3A_438 = arith.addf %add3A_437, %gather3A_313 : vector<16xf32>
      %add3A_439 = arith.constant 96 : i32
      %add3A_440 = arith.addi %add3A_319, %add3A_439 : i32
      %swap3A_441 = arith.index_cast %add3A_440 : i32 to index
      %swap3A_442 = tpu.vector_load %arg21[%swap3A_441] {strides = array<i32>} : memref<8224xf32, #tpu.memory_space<vmem>>, vector<16xf32>,
      %swap3A_443 = vector.shape_cast %swap3A_442 : vector<16xf32> to vector<16xf32>
      %swap3A_444 = vector.shape_cast %add3A_438 : vector<16xf32> to vector<16xf32>
      tpu.vector_store %arg21[%swap3A_441], %swap3A_444 {strides = array<i32>} : memref<8224xf32, #tpu.memory_space<vmem>>, vector<16xf32>,
      %add3A_445 = arith.constant 112 : i32
      %add3A_446 = arith.addi %add3A_319, %add3A_445 : i32
      %get3A_447 = arith.index_cast %add3A_446 : i32 to index
      %get3A_448 = tpu.vector_load %arg21[%get3A_447] {strides = array<i32>} : memref<8224xf32, #tpu.memory_space<vmem>>, vector<16xf32>,
      %get3A_449 = vector.shape_cast %get3A_448 : vector<16xf32> to vector<16xf32>
      %add3A_450 = arith.constant 112 : i32
      %add3A_451 = arith.addi %mul3A_315, %add3A_450 : i32
      %get3A_452 = arith.index_cast %add3A_451 : i32 to index
      %get3A_453 = tpu.vector_load %arg19[%get3A_452] {strides = array<i32>} : memref<8192xf32, #tpu.memory_space<vmem>>, vector<16xf32>,
      %get3A_454 = vector.shape_cast %get3A_453 : vector<16xf32> to vector<16xf32>
      %add3A_455 = arith.addf %get3A_449, %get3A_454 : vector<16xf32>
      %add3A_456 = arith.addf %add3A_455, %gather3A_313 : vector<16xf32>
      %add3A_457 = arith.constant 112 : i32
      %add3A_458 = arith.addi %add3A_319, %add3A_457 : i32
      %swap3A_459 = arith.index_cast %add3A_458 : i32 to index
      %swap3A_460 = tpu.vector_load %arg21[%swap3A_459] {strides = array<i32>} : memref<8224xf32, #tpu.memory_space<vmem>>, vector<16xf32>,
      %swap3A_461 = vector.shape_cast %swap3A_460 : vector<16xf32> to vector<16xf32>
      %swap3A_462 = vector.shape_cast %add3A_456 : vector<16xf32> to vector<16xf32>
      tpu.vector_store %arg21[%swap3A_459], %swap3A_462 {strides = array<i32>} : memref<8224xf32, #tpu.memory_space<vmem>>, vector<16xf32>,
      %add3A_463 = arith.constant 128 : i32
      %add3A_464 = arith.addi %add3A_319, %add3A_463 : i32
      %get3A_465 = arith.index_cast %add3A_464 : i32 to index
      %get3A_466 = tpu.vector_load %arg21[%get3A_465] {strides = array<i32>} : memref<8224xf32, #tpu.memory_space<vmem>>, vector<16xf32>,
      %get3A_467 = vector.shape_cast %get3A_466 : vector<16xf32> to vector<16xf32>
      %add3A_468 = arith.constant 128 : i32
      %add3A_469 = arith.addi %mul3A_315, %add3A_468 : i32
      %get3A_470 = arith.index_cast %add3A_469 : i32 to index
      %get3A_471 = tpu.vector_load %arg19[%get3A_470] {strides = array<i32>} : memref<8192xf32, #tpu.memory_space<vmem>>, vector<16xf32>,
      %get3A_472 = vector.shape_cast %get3A_471 : vector<16xf32> to vector<16xf32>
      %add3A_473 = arith.addf %get3A_467, %get3A_472 : vector<16xf32>
      %add3A_474 = arith.addf %add3A_473, %gather3A_313 : vector<16xf32>
      %add3A_475 = arith.constant 128 : i32
      %add3A_476 = arith.addi %add3A_319, %add3A_475 : i32
      %swap3A_477 = arith.index_cast %add3A_476 : i32 to index
      %swap3A_478 = tpu.vector_load %arg21[%swap3A_477] {strides = array<i32>} : memref<8224xf32, #tpu.memory_space<vmem>>, vector<16xf32>,
      %swap3A_479 = vector.shape_cast %swap3A_478 : vector<16xf32> to vector<16xf32>
      %swap3A_480 = vector.shape_cast %add3A_474 : vector<16xf32> to vector<16xf32>
      tpu.vector_store %arg21[%swap3A_477], %swap3A_480 {strides = array<i32>} : memref<8224xf32, #tpu.memory_space<vmem>>, vector<16xf32>,
      %add3A_481 = arith.constant 144 : i32
      %add3A_482 = arith.addi %add3A_319, %add3A_481 : i32
      %get3A_483 = arith.index_cast %add3A_482 : i32 to index
      %get3A_484 = tpu.vector_load %arg21[%get3A_483] {strides = array<i32>} : memref<8224xf32, #tpu.memory_space<vmem>>, vector<16xf32>,
      %get3A_485 = vector.shape_cast %get3A_484 : vector<16xf32> to vector<16xf32>
      %add3A_486 = arith.constant 144 : i32
      %add3A_487 = arith.addi %mul3A_315, %add3A_486 : i32
      %get3A_488 = arith.index_cast %add3A_487 : i32 to index
      %get3A_489 = tpu.vector_load %arg19[%get3A_488] {strides = array<i32>} : memref<8192xf32, #tpu.memory_space<vmem>>, vector<16xf32>,
      %get3A_490 = vector.shape_cast %get3A_489 : vector<16xf32> to vector<16xf32>
      %add3A_491 = arith.addf %get3A_485, %get3A_490 : vector<16xf32>
      %add3A_492 = arith.addf %add3A_491, %gather3A_313 : vector<16xf32>
      %add3A_493 = arith.constant 144 : i32
      %add3A_494 = arith.addi %add3A_319, %add3A_493 : i32
      %swap3A_495 = arith.index_cast %add3A_494 : i32 to index
      %swap3A_496 = tpu.vector_load %arg21[%swap3A_495] {strides = array<i32>} : memref<8224xf32, #tpu.memory_space<vmem>>, vector<16xf32>,
      %swap3A_497 = vector.shape_cast %swap3A_496 : vector<16xf32> to vector<16xf32>
      %swap3A_498 = vector.shape_cast %add3A_492 : vector<16xf32> to vector<16xf32>
      tpu.vector_store %arg21[%swap3A_495], %swap3A_498 {strides = array<i32>} : memref<8224xf32, #tpu.memory_space<vmem>>, vector<16xf32>,
      %add3A_499 = arith.constant 160 : i32
      %add3A_500 = arith.addi %add3A_319, %add3A_499 : i32
      %get3A_501 = arith.index_cast %add3A_500 : i32 to index
      %get3A_502 = tpu.vector_load %arg21[%get3A_501] {strides = array<i32>} : memref<8224xf32, #tpu.memory_space<vmem>>, vector<16xf32>,
      %get3A_503 = vector.shape_cast %get3A_502 : vector<16xf32> to vector<16xf32>
      %add3A_504 = arith.constant 160 : i32
      %add3A_505 = arith.addi %mul3A_315, %add3A_504 : i32
      %get3A_506 = arith.index_cast %add3A_505 : i32 to index
      %get3A_507 = tpu.vector_load %arg19[%get3A_506] {strides = array<i32>} : memref<8192xf32, #tpu.memory_space<vmem>>, vector<16xf32>,
      %get3A_508 = vector.shape_cast %get3A_507 : vector<16xf32> to vector<16xf32>
      %add3A_509 = arith.addf %get3A_503, %get3A_508 : vector<16xf32>
      %add3A_510 = arith.addf %add3A_509, %gather3A_313 : vector<16xf32>
      %add3A_511 = arith.constant 160 : i32
      %add3A_512 = arith.addi %add3A_319, %add3A_511 : i32
      %swap3A_513 = arith.index_cast %add3A_512 : i32 to index
      %swap3A_514 = tpu.vector_load %arg21[%swap3A_513] {strides = array<i32>} : memref<8224xf32, #tpu.memory_space<vmem>>, vector<16xf32>,
      %swap3A_515 = vector.shape_cast %swap3A_514 : vector<16xf32> to vector<16xf32>
      %swap3A_516 = vector.shape_cast %add3A_510 : vector<16xf32> to vector<16xf32>
      tpu.vector_store %arg21[%swap3A_513], %swap3A_516 {strides = array<i32>} : memref<8224xf32, #tpu.memory_space<vmem>>, vector<16xf32>,
      %add3A_517 = arith.constant 176 : i32
      %add3A_518 = arith.addi %add3A_319, %add3A_517 : i32
      %get3A_519 = arith.index_cast %add3A_518 : i32 to index
      %get3A_520 = tpu.vector_load %arg21[%get3A_519] {strides = array<i32>} : memref<8224xf32, #tpu.memory_space<vmem>>, vector<16xf32>,
      %get3A_521 = vector.shape_cast %get3A_520 : vector<16xf32> to vector<16xf32>
      %add3A_522 = arith.constant 176 : i32
      %add3A_523 = arith.addi %mul3A_315, %add3A_522 : i32
      %get3A_524 = arith.index_cast %add3A_523 : i32 to index
      %get3A_525 = tpu.vector_load %arg19[%get3A_524] {strides = array<i32>} : memref<8192xf32, #tpu.memory_space<vmem>>, vector<16xf32>,
      %get3A_526 = vector.shape_cast %get3A_525 : vector<16xf32> to vector<16xf32>
      %add3A_527 = arith.addf %get3A_521, %get3A_526 : vector<16xf32>
      %add3A_528 = arith.addf %add3A_527, %gather3A_313 : vector<16xf32>
      %add3A_529 = arith.constant 176 : i32
      %add3A_530 = arith.addi %add3A_319, %add3A_529 : i32
      %swap3A_531 = arith.index_cast %add3A_530 : i32 to index
      %swap3A_532 = tpu.vector_load %arg21[%swap3A_531] {strides = array<i32>} : memref<8224xf32, #tpu.memory_space<vmem>>, vector<16xf32>,
      %swap3A_533 = vector.shape_cast %swap3A_532 : vector<16xf32> to vector<16xf32>
      %swap3A_534 = vector.shape_cast %add3A_528 : vector<16xf32> to vector<16xf32>
      tpu.vector_store %arg21[%swap3A_531], %swap3A_534 {strides = array<i32>} : memref<8224xf32, #tpu.memory_space<vmem>>, vector<16xf32>,
      %add3A_535 = arith.constant 192 : i32
      %add3A_536 = arith.addi %add3A_319, %add3A_535 : i32
      %get3A_537 = arith.index_cast %add3A_536 : i32 to index
      %get3A_538 = tpu.vector_load %arg21[%get3A_537] {strides = array<i32>} : memref<8224xf32, #tpu.memory_space<vmem>>, vector<16xf32>,
      %get3A_539 = vector.shape_cast %get3A_538 : vector<16xf32> to vector<16xf32>
      %add3A_540 = arith.constant 192 : i32
      %add3A_541 = arith.addi %mul3A_315, %add3A_540 : i32
      %get3A_542 = arith.index_cast %add3A_541 : i32 to index
      %get3A_543 = tpu.vector_load %arg19[%get3A_542] {strides = array<i32>} : memref<8192xf32, #tpu.memory_space<vmem>>, vector<16xf32>,
      %get3A_544 = vector.shape_cast %get3A_543 : vector<16xf32> to vector<16xf32>
      %add3A_545 = arith.addf %get3A_539, %get3A_544 : vector<16xf32>
      %add3A_546 = arith.addf %add3A_545, %gather3A_313 : vector<16xf32>
      %add3A_547 = arith.constant 192 : i32
      %add3A_548 = arith.addi %add3A_319, %add3A_547 : i32
      %swap3A_549 = arith.index_cast %add3A_548 : i32 to index
      %swap3A_550 = tpu.vector_load %arg21[%swap3A_549] {strides = array<i32>} : memref<8224xf32, #tpu.memory_space<vmem>>, vector<16xf32>,
      %swap3A_551 = vector.shape_cast %swap3A_550 : vector<16xf32> to vector<16xf32>
      %swap3A_552 = vector.shape_cast %add3A_546 : vector<16xf32> to vector<16xf32>
      tpu.vector_store %arg21[%swap3A_549], %swap3A_552 {strides = array<i32>} : memref<8224xf32, #tpu.memory_space<vmem>>, vector<16xf32>,
      %add3A_553 = arith.constant 208 : i32
      %add3A_554 = arith.addi %add3A_319, %add3A_553 : i32
      %get3A_555 = arith.index_cast %add3A_554 : i32 to index
      %get3A_556 = tpu.vector_load %arg21[%get3A_555] {strides = array<i32>} : memref<8224xf32, #tpu.memory_space<vmem>>, vector<16xf32>,
      %get3A_557 = vector.shape_cast %get3A_556 : vector<16xf32> to vector<16xf32>
      %add3A_558 = arith.constant 208 : i32
      %add3A_559 = arith.addi %mul3A_315, %add3A_558 : i32
      %get3A_560 = arith.index_cast %add3A_559 : i32 to index
      %get3A_561 = tpu.vector_load %arg19[%get3A_560] {strides = array<i32>} : memref<8192xf32, #tpu.memory_space<vmem>>, vector<16xf32>,
      %get3A_562 = vector.shape_cast %get3A_561 : vector<16xf32> to vector<16xf32>
      %add3A_563 = arith.addf %get3A_557, %get3A_562 : vector<16xf32>
      %add3A_564 = arith.addf %add3A_563, %gather3A_313 : vector<16xf32>
      %add3A_565 = arith.constant 208 : i32
      %add3A_566 = arith.addi %add3A_319, %add3A_565 : i32
      %swap3A_567 = arith.index_cast %add3A_566 : i32 to index
      %swap3A_568 = tpu.vector_load %arg21[%swap3A_567] {strides = array<i32>} : memref<8224xf32, #tpu.memory_space<vmem>>, vector<16xf32>,
      %swap3A_569 = vector.shape_cast %swap3A_568 : vector<16xf32> to vector<16xf32>
      %swap3A_570 = vector.shape_cast %add3A_564 : vector<16xf32> to vector<16xf32>
      tpu.vector_store %arg21[%swap3A_567], %swap3A_570 {strides = array<i32>} : memref<8224xf32, #tpu.memory_space<vmem>>, vector<16xf32>,
      %add3A_571 = arith.constant 224 : i32
      %add3A_572 = arith.addi %add3A_319, %add3A_571 : i32
      %get3A_573 = arith.index_cast %add3A_572 : i32 to index
      %get3A_574 = tpu.vector_load %arg21[%get3A_573] {strides = array<i32>} : memref<8224xf32, #tpu.memory_space<vmem>>, vector<16xf32>,
      %get3A_575 = vector.shape_cast %get3A_574 : vector<16xf32> to vector<16xf32>
      %add3A_576 = arith.constant 224 : i32
      %add3A_577 = arith.addi %mul3A_315, %add3A_576 : i32
      %get3A_578 = arith.index_cast %add3A_577 : i32 to index
      %get3A_579 = tpu.vector_load %arg19[%get3A_578] {strides = array<i32>} : memref<8192xf32, #tpu.memory_space<vmem>>, vector<16xf32>,
      %get3A_580 = vector.shape_cast %get3A_579 : vector<16xf32> to vector<16xf32>
      %add3A_581 = arith.addf %get3A_575, %get3A_580 : vector<16xf32>
      %add3A_582 = arith.addf %add3A_581, %gather3A_313 : vector<16xf32>
      %add3A_583 = arith.constant 224 : i32
      %add3A_584 = arith.addi %add3A_319, %add3A_583 : i32
      %swap3A_585 = arith.index_cast %add3A_584 : i32 to index
      %swap3A_586 = tpu.vector_load %arg21[%swap3A_585] {strides = array<i32>} : memref<8224xf32, #tpu.memory_space<vmem>>, vector<16xf32>,
      %swap3A_587 = vector.shape_cast %swap3A_586 : vector<16xf32> to vector<16xf32>
      %swap3A_588 = vector.shape_cast %add3A_582 : vector<16xf32> to vector<16xf32>
      tpu.vector_store %arg21[%swap3A_585], %swap3A_588 {strides = array<i32>} : memref<8224xf32, #tpu.memory_space<vmem>>, vector<16xf32>,
      %add3A_589 = arith.constant 240 : i32
      %add3A_590 = arith.addi %add3A_319, %add3A_589 : i32
      %get3A_591 = arith.index_cast %add3A_590 : i32 to index
      %get3A_592 = tpu.vector_load %arg21[%get3A_591] {strides = array<i32>} : memref<8224xf32, #tpu.memory_space<vmem>>, vector<16xf32>,
      %get3A_593 = vector.shape_cast %get3A_592 : vector<16xf32> to vector<16xf32>
      %add3A_594 = arith.constant 240 : i32
      %add3A_595 = arith.addi %mul3A_315, %add3A_594 : i32
      %get3A_596 = arith.index_cast %add3A_595 : i32 to index
      %get3A_597 = tpu.vector_load %arg19[%get3A_596] {strides = array<i32>} : memref<8192xf32, #tpu.memory_space<vmem>>, vector<16xf32>,
      %get3A_598 = vector.shape_cast %get3A_597 : vector<16xf32> to vector<16xf32>
      %add3A_599 = arith.addf %get3A_593, %get3A_598 : vector<16xf32>
      %add3A_600 = arith.addf %add3A_599, %gather3A_313 : vector<16xf32>
      %add3A_601 = arith.constant 240 : i32
      %add3A_602 = arith.addi %add3A_319, %add3A_601 : i32
      %swap3A_603 = arith.index_cast %add3A_602 : i32 to index
      %swap3A_604 = tpu.vector_load %arg21[%swap3A_603] {strides = array<i32>} : memref<8224xf32, #tpu.memory_space<vmem>>, vector<16xf32>,
      %swap3A_605 = vector.shape_cast %swap3A_604 : vector<16xf32> to vector<16xf32>
      %swap3A_606 = vector.shape_cast %add3A_600 : vector<16xf32> to vector<16xf32>
      tpu.vector_store %arg21[%swap3A_603], %swap3A_606 {strides = array<i32>} : memref<8224xf32, #tpu.memory_space<vmem>>, vector<16xf32>,
    }
    %scan3A_203 = arith.constant 32 : i32
    %dma_start3A_204 = tpu.memref_slice %arg8[%mul3A_195] : memref<1052672xf32, #tpu.memory_space<hbm>> -> memref<8224xf32, #tpu.memory_space<hbm>>
    %dma_start3A_205 = tpu.memref_slice %arg8[%mul3A_195] : memref<1052672xf32, #tpu.memory_space<hbm>> -> memref<8224xf32, #tpu.memory_space<hbm>>
    tpu.enqueue_dma source(%arg21 : memref<8224xf32, #tpu.memory_space<vmem>>) target(%dma_start3A_205 : memref<8224xf32, #tpu.memory_space<hbm>>) target_semaphore(%arg26 : memref<!tpu.dma_semaphore, #tpu.memory_space<semaphore_mem>>)
    %add3A_206 = arith.constant 96 : i32
    %add3A_207 = arith.addi %mul3A_2, %add3A_206 : i32
    %mul3A_208 = arith.constant 256 : i32
    %mul3A_209 = arith.muli %add3A_207, %mul3A_208 : i32
    "tpu.region"() ({
      %run_scoped3A = tpu.sem_alloc : memref<!tpu.dma_semaphore, #tpu.memory_space<semaphore_mem>>
      %dma_start3A_276 = tpu.memref_slice %arg2[%mul3A_209] : memref<1048576xi32, #tpu.memory_space<hbm>> -> memref<8192xi32, #tpu.memory_space<hbm>>
      %dma_start3A_277 = tpu.memref_slice %arg2[%mul3A_209] : memref<1048576xi32, #tpu.memory_space<hbm>> -> memref<8192xi32, #tpu.memory_space<hbm>>
      tpu.enqueue_dma source(%dma_start3A_277 : memref<8192xi32, #tpu.memory_space<hbm>>) target(%arg17 : memref<8192xi32, #tpu.memory_space<vmem>>) target_semaphore(%run_scoped3A : memref<!tpu.dma_semaphore, #tpu.memory_space<semaphore_mem>>)
      %dma_wait3A_278 = tpu.memref_slice %arg2[%mul3A_209] : memref<1048576xi32, #tpu.memory_space<hbm>> -> memref<8192xi32, #tpu.memory_space<hbm>>
      %dma_wait3A_279 = tpu.memref_slice %arg2[%mul3A_209] : memref<1048576xi32, #tpu.memory_space<hbm>> -> memref<8192xi32, #tpu.memory_space<hbm>>
      tpu.wait_dma2 semaphore(%run_scoped3A : memref<!tpu.dma_semaphore, #tpu.memory_space<semaphore_mem>>) src(%dma_wait3A_279 : memref<8192xi32, #tpu.memory_space<hbm>>) dst(%arg17 : memref<8192xi32, #tpu.memory_space<vmem>>)
      tpu.yield
    }) : () -> ()
    %dma_start3A_210 = arith.constant 0 : i32
    %dma_start3A_211 = tpu.memref_slice %arg9[%dma_start3A_210] : memref<1000448xf32, #tpu.memory_space<vmem_shared>> -> memref<1000448xf32, #tpu.memory_space<vmem_shared>>
    tpu.enqueue_indirect_dma source(%dma_start3A_211 : memref<1000448xf32, #tpu.memory_space<vmem_shared>>) target(%arg19 : memref<8192xf32, #tpu.memory_space<vmem>>) offsets(%arg17 : memref<8192xi32, #tpu.memory_space<vmem>>) semaphore(%arg23 : memref<!tpu.dma_semaphore, #tpu.memory_space<semaphore_mem>>)
    %add3A_212 = arith.constant 64 : i32
    %add3A_213 = arith.addi %mul3A_2, %add3A_212 : i32
    %mul3A_214 = arith.constant 257 : i32
    %mul3A_215 = arith.muli %add3A_213, %mul3A_214 : i32
    %add3A_216 = arith.constant 0 : i32
    %add3A_217 = arith.addi %mul3A_2, %add3A_216 : i32
    %mul3A_218 = arith.constant 257 : i32
    %mul3A_219 = arith.muli %add3A_217, %mul3A_218 : i32
    %dma_wait3A_220 = tpu.memref_slice %arg8[%mul3A_219] : memref<1052672xf32, #tpu.memory_space<hbm>> -> memref<8224xf32, #tpu.memory_space<hbm>>
    %dma_wait3A_221 = tpu.memref_slice %arg8[%mul3A_219] : memref<1052672xf32, #tpu.memory_space<hbm>> -> memref<8224xf32, #tpu.memory_space<hbm>>
    tpu.wait_dma2 semaphore(%arg25 : memref<!tpu.dma_semaphore, #tpu.memory_space<semaphore_mem>>) src(%arg20 : memref<8224xf32, #tpu.memory_space<vmem>>) dst(%dma_wait3A_221 : memref<8224xf32, #tpu.memory_space<hbm>>)
    "tpu.region"() ({
      %run_scoped3A = tpu.sem_alloc : memref<!tpu.dma_semaphore, #tpu.memory_space<semaphore_mem>>
      %dma_start3A_276 = tpu.memref_slice %arg5[%mul3A_215] : memref<1052672xf32, #tpu.memory_space<hbm>> -> memref<8224xf32, #tpu.memory_space<hbm>>
      %dma_start3A_277 = tpu.memref_slice %arg5[%mul3A_215] : memref<1052672xf32, #tpu.memory_space<hbm>> -> memref<8224xf32, #tpu.memory_space<hbm>>
      tpu.enqueue_dma source(%dma_start3A_277 : memref<8224xf32, #tpu.memory_space<hbm>>) target(%arg20 : memref<8224xf32, #tpu.memory_space<vmem>>) target_semaphore(%run_scoped3A : memref<!tpu.dma_semaphore, #tpu.memory_space<semaphore_mem>>)
      %dma_wait3A_278 = tpu.memref_slice %arg5[%mul3A_215] : memref<1052672xf32, #tpu.memory_space<hbm>> -> memref<8224xf32, #tpu.memory_space<hbm>>
      %dma_wait3A_279 = tpu.memref_slice %arg5[%mul3A_215] : memref<1052672xf32, #tpu.memory_space<hbm>> -> memref<8224xf32, #tpu.memory_space<hbm>>
      tpu.wait_dma2 semaphore(%run_scoped3A : memref<!tpu.dma_semaphore, #tpu.memory_space<semaphore_mem>>) src(%dma_wait3A_279 : memref<8224xf32, #tpu.memory_space<hbm>>) dst(%arg20 : memref<8224xf32, #tpu.memory_space<vmem>>)
      tpu.yield
    }) : () -> ()
    %dma_wait3A_222 = arith.constant 0 : i32
    %dma_wait3A_223 = tpu.memref_slice %arg9[%dma_wait3A_222] : memref<1000448xf32, #tpu.memory_space<vmem_shared>> -> memref<1000448xf32, #tpu.memory_space<vmem_shared>>
    tpu.wait_indirect_dma semaphore(%arg22 : memref<!tpu.dma_semaphore, #tpu.memory_space<semaphore_mem>>) src(%dma_wait3A_223 : memref<1000448xf32, #tpu.memory_space<vmem_shared>>) dst(%arg18 : memref<8192xf32, #tpu.memory_space<vmem>>)
    %scan3A_224 = arith.constant 0 : i32
    %scan3A_225 = arith.constant 0 : i32
    %scan3A_226 = arith.constant 32 : i32
    %scan3A_227 = arith.addi %scan3A_225, %scan3A_226 : i32
    %scan3A_228 = arith.constant 1 : i32
    scf.for %scan3A_276 = %scan3A_225 to %scan3A_227 step %scan3A_228  : i32 {
      %add3A_277 = arith.constant 64 : i32
      %add3A_278 = arith.addi %add3A_277, %scan3A_276 : i32
      %jit3A = arith.constant 16 : i32
      %div3A = arith.divsi %add3A_278, %jit3A : i32
      %sign3A = arith.constant 0 : i32
      %sign3A_279 = arith.cmpi sgt, %add3A_278, %sign3A : i32
      %sign3A_280 = arith.extui %sign3A_279 : i1 to i32
      %sign3A_281 = arith.constant 0 : i32
      %sign3A_282 = arith.cmpi slt, %add3A_278, %sign3A_281 : i32
      %sign3A_283 = arith.extui %sign3A_282 : i1 to i32
      %sign3A_284 = arith.subi %sign3A_280, %sign3A_283 : i32
      %sign3A_285 = arith.constant 0 : i32
      %sign3A_286 = arith.cmpi sgt, %jit3A, %sign3A_285 : i32
      %sign3A_287 = arith.extui %sign3A_286 : i1 to i32
      %sign3A_288 = arith.constant 0 : i32
      %sign3A_289 = arith.cmpi slt, %jit3A, %sign3A_288 : i32
      %sign3A_290 = arith.extui %sign3A_289 : i1 to i32
      %sign3A_291 = arith.subi %sign3A_287, %sign3A_290 : i32
      %ne3A = arith.cmpi ne, %sign3A_284, %sign3A_291 : i32
      %rem3A = arith.remsi %add3A_278, %jit3A : i32
      %ne3A_292 = arith.constant 0 : i32
      %ne3A_293 = arith.cmpi ne, %rem3A, %ne3A_292 : i32
      %and3A = arith.andi %ne3A, %ne3A_293 : i1
      %sub3A = arith.constant 1 : i32
      %sub3A_294 = arith.subi %div3A, %sub3A : i32
      %select_n3A = arith.select %and3A, %sub3A_294, %div3A : i32
      %mul3A_295 = arith.constant 16 : i32
      %mul3A_296 = arith.muli %select_n3A, %mul3A_295 : i32
      %get3A = arith.index_cast %mul3A_296 : i32 to index
      %get3A_297 = tpu.vector_load %arg11[%get3A] {strides = array<i32>} : memref<128xf32, #tpu.memory_space<vmem>>, vector<16xf32>,
      %get3A_298 = vector.shape_cast %get3A_297 : vector<16xf32> to vector<16xf32>
      %jit3A_299 = arith.constant 16 : i32
      %eq3A = arith.constant 0 : i32
      %eq3A_300 = arith.cmpi eq, %jit3A_299, %eq3A : i32
      %jit3A_301 = arith.constant 1 : i32
      %select_n3A_302 = arith.select %eq3A_300, %jit3A_301, %jit3A_299 : i32
      %rem3A_303 = arith.remsi %add3A_278, %select_n3A_302 : i32
      %ne3A_304 = arith.constant 0 : i32
      %ne3A_305 = arith.cmpi ne, %rem3A_303, %ne3A_304 : i32
      %lt3A = arith.constant 0 : i32
      %lt3A_306 = arith.cmpi slt, %rem3A_303, %lt3A : i32
      %lt3A_307 = arith.constant 0 : i32
      %lt3A_308 = arith.cmpi slt, %select_n3A_302, %lt3A_307 : i32
      %ne3A_309 = arith.xori %lt3A_306, %lt3A_308 : i1
      %and3A_310 = arith.andi %ne3A_309, %ne3A_305 : i1
      %add3A_311 = arith.addi %rem3A_303, %select_n3A_302 : i32
      %select_n3A_312 = arith.select %and3A_310, %add3A_311, %rem3A_303 : i32
      %broadcast_in_dim3A = vector.broadcast %select_n3A_312 : i32 to vector<16x1xi32>
      %gather3A = vector.shape_cast %broadcast_in_dim3A : vector<16x1xi32> to vector<16xi32>
      %gather3A_313 = tpu.dynamic_gather %get3A_298[%gather3A] in [0] : vector<16xf32>, vector<16xi32> -> vector<16xf32>
      %mul3A_314 = arith.constant 256 : i32
      %mul3A_315 = arith.muli %scan3A_276, %mul3A_314 : i32
      %mul3A_316 = arith.constant 257 : i32
      %mul3A_317 = arith.muli %scan3A_276, %mul3A_316 : i32
      %add3A_318 = arith.constant 1 : i32
      %add3A_319 = arith.addi %mul3A_317, %add3A_318 : i32
      %add3A_320 = arith.constant 0 : i32
      %add3A_321 = arith.addi %add3A_319, %add3A_320 : i32
      %get3A_322 = arith.index_cast %add3A_321 : i32 to index
      %get3A_323 = tpu.vector_load %arg20[%get3A_322] {strides = array<i32>} : memref<8224xf32, #tpu.memory_space<vmem>>, vector<16xf32>,
      %get3A_324 = vector.shape_cast %get3A_323 : vector<16xf32> to vector<16xf32>
      %add3A_325 = arith.constant 0 : i32
      %add3A_326 = arith.addi %mul3A_315, %add3A_325 : i32
      %get3A_327 = arith.index_cast %add3A_326 : i32 to index
      %get3A_328 = tpu.vector_load %arg18[%get3A_327] {strides = array<i32>} : memref<8192xf32, #tpu.memory_space<vmem>>, vector<16xf32>,
      %get3A_329 = vector.shape_cast %get3A_328 : vector<16xf32> to vector<16xf32>
      %add3A_330 = arith.addf %get3A_324, %get3A_329 : vector<16xf32>
      %add3A_331 = arith.addf %add3A_330, %gather3A_313 : vector<16xf32>
      %add3A_332 = arith.constant 0 : i32
      %add3A_333 = arith.addi %add3A_319, %add3A_332 : i32
      %swap3A = arith.index_cast %add3A_333 : i32 to index
      %swap3A_334 = tpu.vector_load %arg20[%swap3A] {strides = array<i32>} : memref<8224xf32, #tpu.memory_space<vmem>>, vector<16xf32>,
      %swap3A_335 = vector.shape_cast %swap3A_334 : vector<16xf32> to vector<16xf32>
      %swap3A_336 = vector.shape_cast %add3A_331 : vector<16xf32> to vector<16xf32>
      tpu.vector_store %arg20[%swap3A], %swap3A_336 {strides = array<i32>} : memref<8224xf32, #tpu.memory_space<vmem>>, vector<16xf32>,
      %add3A_337 = arith.constant 16 : i32
      %add3A_338 = arith.addi %add3A_319, %add3A_337 : i32
      %get3A_339 = arith.index_cast %add3A_338 : i32 to index
      %get3A_340 = tpu.vector_load %arg20[%get3A_339] {strides = array<i32>} : memref<8224xf32, #tpu.memory_space<vmem>>, vector<16xf32>,
      %get3A_341 = vector.shape_cast %get3A_340 : vector<16xf32> to vector<16xf32>
      %add3A_342 = arith.constant 16 : i32
      %add3A_343 = arith.addi %mul3A_315, %add3A_342 : i32
      %get3A_344 = arith.index_cast %add3A_343 : i32 to index
      %get3A_345 = tpu.vector_load %arg18[%get3A_344] {strides = array<i32>} : memref<8192xf32, #tpu.memory_space<vmem>>, vector<16xf32>,
      %get3A_346 = vector.shape_cast %get3A_345 : vector<16xf32> to vector<16xf32>
      %add3A_347 = arith.addf %get3A_341, %get3A_346 : vector<16xf32>
      %add3A_348 = arith.addf %add3A_347, %gather3A_313 : vector<16xf32>
      %add3A_349 = arith.constant 16 : i32
      %add3A_350 = arith.addi %add3A_319, %add3A_349 : i32
      %swap3A_351 = arith.index_cast %add3A_350 : i32 to index
      %swap3A_352 = tpu.vector_load %arg20[%swap3A_351] {strides = array<i32>} : memref<8224xf32, #tpu.memory_space<vmem>>, vector<16xf32>,
      %swap3A_353 = vector.shape_cast %swap3A_352 : vector<16xf32> to vector<16xf32>
      %swap3A_354 = vector.shape_cast %add3A_348 : vector<16xf32> to vector<16xf32>
      tpu.vector_store %arg20[%swap3A_351], %swap3A_354 {strides = array<i32>} : memref<8224xf32, #tpu.memory_space<vmem>>, vector<16xf32>,
      %add3A_355 = arith.constant 32 : i32
      %add3A_356 = arith.addi %add3A_319, %add3A_355 : i32
      %get3A_357 = arith.index_cast %add3A_356 : i32 to index
      %get3A_358 = tpu.vector_load %arg20[%get3A_357] {strides = array<i32>} : memref<8224xf32, #tpu.memory_space<vmem>>, vector<16xf32>,
      %get3A_359 = vector.shape_cast %get3A_358 : vector<16xf32> to vector<16xf32>
      %add3A_360 = arith.constant 32 : i32
      %add3A_361 = arith.addi %mul3A_315, %add3A_360 : i32
      %get3A_362 = arith.index_cast %add3A_361 : i32 to index
      %get3A_363 = tpu.vector_load %arg18[%get3A_362] {strides = array<i32>} : memref<8192xf32, #tpu.memory_space<vmem>>, vector<16xf32>,
      %get3A_364 = vector.shape_cast %get3A_363 : vector<16xf32> to vector<16xf32>
      %add3A_365 = arith.addf %get3A_359, %get3A_364 : vector<16xf32>
      %add3A_366 = arith.addf %add3A_365, %gather3A_313 : vector<16xf32>
      %add3A_367 = arith.constant 32 : i32
      %add3A_368 = arith.addi %add3A_319, %add3A_367 : i32
      %swap3A_369 = arith.index_cast %add3A_368 : i32 to index
      %swap3A_370 = tpu.vector_load %arg20[%swap3A_369] {strides = array<i32>} : memref<8224xf32, #tpu.memory_space<vmem>>, vector<16xf32>,
      %swap3A_371 = vector.shape_cast %swap3A_370 : vector<16xf32> to vector<16xf32>
      %swap3A_372 = vector.shape_cast %add3A_366 : vector<16xf32> to vector<16xf32>
      tpu.vector_store %arg20[%swap3A_369], %swap3A_372 {strides = array<i32>} : memref<8224xf32, #tpu.memory_space<vmem>>, vector<16xf32>,
      %add3A_373 = arith.constant 48 : i32
      %add3A_374 = arith.addi %add3A_319, %add3A_373 : i32
      %get3A_375 = arith.index_cast %add3A_374 : i32 to index
      %get3A_376 = tpu.vector_load %arg20[%get3A_375] {strides = array<i32>} : memref<8224xf32, #tpu.memory_space<vmem>>, vector<16xf32>,
      %get3A_377 = vector.shape_cast %get3A_376 : vector<16xf32> to vector<16xf32>
      %add3A_378 = arith.constant 48 : i32
      %add3A_379 = arith.addi %mul3A_315, %add3A_378 : i32
      %get3A_380 = arith.index_cast %add3A_379 : i32 to index
      %get3A_381 = tpu.vector_load %arg18[%get3A_380] {strides = array<i32>} : memref<8192xf32, #tpu.memory_space<vmem>>, vector<16xf32>,
      %get3A_382 = vector.shape_cast %get3A_381 : vector<16xf32> to vector<16xf32>
      %add3A_383 = arith.addf %get3A_377, %get3A_382 : vector<16xf32>
      %add3A_384 = arith.addf %add3A_383, %gather3A_313 : vector<16xf32>
      %add3A_385 = arith.constant 48 : i32
      %add3A_386 = arith.addi %add3A_319, %add3A_385 : i32
      %swap3A_387 = arith.index_cast %add3A_386 : i32 to index
      %swap3A_388 = tpu.vector_load %arg20[%swap3A_387] {strides = array<i32>} : memref<8224xf32, #tpu.memory_space<vmem>>, vector<16xf32>,
      %swap3A_389 = vector.shape_cast %swap3A_388 : vector<16xf32> to vector<16xf32>
      %swap3A_390 = vector.shape_cast %add3A_384 : vector<16xf32> to vector<16xf32>
      tpu.vector_store %arg20[%swap3A_387], %swap3A_390 {strides = array<i32>} : memref<8224xf32, #tpu.memory_space<vmem>>, vector<16xf32>,
      %add3A_391 = arith.constant 64 : i32
      %add3A_392 = arith.addi %add3A_319, %add3A_391 : i32
      %get3A_393 = arith.index_cast %add3A_392 : i32 to index
      %get3A_394 = tpu.vector_load %arg20[%get3A_393] {strides = array<i32>} : memref<8224xf32, #tpu.memory_space<vmem>>, vector<16xf32>,
      %get3A_395 = vector.shape_cast %get3A_394 : vector<16xf32> to vector<16xf32>
      %add3A_396 = arith.constant 64 : i32
      %add3A_397 = arith.addi %mul3A_315, %add3A_396 : i32
      %get3A_398 = arith.index_cast %add3A_397 : i32 to index
      %get3A_399 = tpu.vector_load %arg18[%get3A_398] {strides = array<i32>} : memref<8192xf32, #tpu.memory_space<vmem>>, vector<16xf32>,
      %get3A_400 = vector.shape_cast %get3A_399 : vector<16xf32> to vector<16xf32>
      %add3A_401 = arith.addf %get3A_395, %get3A_400 : vector<16xf32>
      %add3A_402 = arith.addf %add3A_401, %gather3A_313 : vector<16xf32>
      %add3A_403 = arith.constant 64 : i32
      %add3A_404 = arith.addi %add3A_319, %add3A_403 : i32
      %swap3A_405 = arith.index_cast %add3A_404 : i32 to index
      %swap3A_406 = tpu.vector_load %arg20[%swap3A_405] {strides = array<i32>} : memref<8224xf32, #tpu.memory_space<vmem>>, vector<16xf32>,
      %swap3A_407 = vector.shape_cast %swap3A_406 : vector<16xf32> to vector<16xf32>
      %swap3A_408 = vector.shape_cast %add3A_402 : vector<16xf32> to vector<16xf32>
      tpu.vector_store %arg20[%swap3A_405], %swap3A_408 {strides = array<i32>} : memref<8224xf32, #tpu.memory_space<vmem>>, vector<16xf32>,
      %add3A_409 = arith.constant 80 : i32
      %add3A_410 = arith.addi %add3A_319, %add3A_409 : i32
      %get3A_411 = arith.index_cast %add3A_410 : i32 to index
      %get3A_412 = tpu.vector_load %arg20[%get3A_411] {strides = array<i32>} : memref<8224xf32, #tpu.memory_space<vmem>>, vector<16xf32>,
      %get3A_413 = vector.shape_cast %get3A_412 : vector<16xf32> to vector<16xf32>
      %add3A_414 = arith.constant 80 : i32
      %add3A_415 = arith.addi %mul3A_315, %add3A_414 : i32
      %get3A_416 = arith.index_cast %add3A_415 : i32 to index
      %get3A_417 = tpu.vector_load %arg18[%get3A_416] {strides = array<i32>} : memref<8192xf32, #tpu.memory_space<vmem>>, vector<16xf32>,
      %get3A_418 = vector.shape_cast %get3A_417 : vector<16xf32> to vector<16xf32>
      %add3A_419 = arith.addf %get3A_413, %get3A_418 : vector<16xf32>
      %add3A_420 = arith.addf %add3A_419, %gather3A_313 : vector<16xf32>
      %add3A_421 = arith.constant 80 : i32
      %add3A_422 = arith.addi %add3A_319, %add3A_421 : i32
      %swap3A_423 = arith.index_cast %add3A_422 : i32 to index
      %swap3A_424 = tpu.vector_load %arg20[%swap3A_423] {strides = array<i32>} : memref<8224xf32, #tpu.memory_space<vmem>>, vector<16xf32>,
      %swap3A_425 = vector.shape_cast %swap3A_424 : vector<16xf32> to vector<16xf32>
      %swap3A_426 = vector.shape_cast %add3A_420 : vector<16xf32> to vector<16xf32>
      tpu.vector_store %arg20[%swap3A_423], %swap3A_426 {strides = array<i32>} : memref<8224xf32, #tpu.memory_space<vmem>>, vector<16xf32>,
      %add3A_427 = arith.constant 96 : i32
      %add3A_428 = arith.addi %add3A_319, %add3A_427 : i32
      %get3A_429 = arith.index_cast %add3A_428 : i32 to index
      %get3A_430 = tpu.vector_load %arg20[%get3A_429] {strides = array<i32>} : memref<8224xf32, #tpu.memory_space<vmem>>, vector<16xf32>,
      %get3A_431 = vector.shape_cast %get3A_430 : vector<16xf32> to vector<16xf32>
      %add3A_432 = arith.constant 96 : i32
      %add3A_433 = arith.addi %mul3A_315, %add3A_432 : i32
      %get3A_434 = arith.index_cast %add3A_433 : i32 to index
      %get3A_435 = tpu.vector_load %arg18[%get3A_434] {strides = array<i32>} : memref<8192xf32, #tpu.memory_space<vmem>>, vector<16xf32>,
      %get3A_436 = vector.shape_cast %get3A_435 : vector<16xf32> to vector<16xf32>
      %add3A_437 = arith.addf %get3A_431, %get3A_436 : vector<16xf32>
      %add3A_438 = arith.addf %add3A_437, %gather3A_313 : vector<16xf32>
      %add3A_439 = arith.constant 96 : i32
      %add3A_440 = arith.addi %add3A_319, %add3A_439 : i32
      %swap3A_441 = arith.index_cast %add3A_440 : i32 to index
      %swap3A_442 = tpu.vector_load %arg20[%swap3A_441] {strides = array<i32>} : memref<8224xf32, #tpu.memory_space<vmem>>, vector<16xf32>,
      %swap3A_443 = vector.shape_cast %swap3A_442 : vector<16xf32> to vector<16xf32>
      %swap3A_444 = vector.shape_cast %add3A_438 : vector<16xf32> to vector<16xf32>
      tpu.vector_store %arg20[%swap3A_441], %swap3A_444 {strides = array<i32>} : memref<8224xf32, #tpu.memory_space<vmem>>, vector<16xf32>,
      %add3A_445 = arith.constant 112 : i32
      %add3A_446 = arith.addi %add3A_319, %add3A_445 : i32
      %get3A_447 = arith.index_cast %add3A_446 : i32 to index
      %get3A_448 = tpu.vector_load %arg20[%get3A_447] {strides = array<i32>} : memref<8224xf32, #tpu.memory_space<vmem>>, vector<16xf32>,
      %get3A_449 = vector.shape_cast %get3A_448 : vector<16xf32> to vector<16xf32>
      %add3A_450 = arith.constant 112 : i32
      %add3A_451 = arith.addi %mul3A_315, %add3A_450 : i32
      %get3A_452 = arith.index_cast %add3A_451 : i32 to index
      %get3A_453 = tpu.vector_load %arg18[%get3A_452] {strides = array<i32>} : memref<8192xf32, #tpu.memory_space<vmem>>, vector<16xf32>,
      %get3A_454 = vector.shape_cast %get3A_453 : vector<16xf32> to vector<16xf32>
      %add3A_455 = arith.addf %get3A_449, %get3A_454 : vector<16xf32>
      %add3A_456 = arith.addf %add3A_455, %gather3A_313 : vector<16xf32>
      %add3A_457 = arith.constant 112 : i32
      %add3A_458 = arith.addi %add3A_319, %add3A_457 : i32
      %swap3A_459 = arith.index_cast %add3A_458 : i32 to index
      %swap3A_460 = tpu.vector_load %arg20[%swap3A_459] {strides = array<i32>} : memref<8224xf32, #tpu.memory_space<vmem>>, vector<16xf32>,
      %swap3A_461 = vector.shape_cast %swap3A_460 : vector<16xf32> to vector<16xf32>
      %swap3A_462 = vector.shape_cast %add3A_456 : vector<16xf32> to vector<16xf32>
      tpu.vector_store %arg20[%swap3A_459], %swap3A_462 {strides = array<i32>} : memref<8224xf32, #tpu.memory_space<vmem>>, vector<16xf32>,
      %add3A_463 = arith.constant 128 : i32
      %add3A_464 = arith.addi %add3A_319, %add3A_463 : i32
      %get3A_465 = arith.index_cast %add3A_464 : i32 to index
      %get3A_466 = tpu.vector_load %arg20[%get3A_465] {strides = array<i32>} : memref<8224xf32, #tpu.memory_space<vmem>>, vector<16xf32>,
      %get3A_467 = vector.shape_cast %get3A_466 : vector<16xf32> to vector<16xf32>
      %add3A_468 = arith.constant 128 : i32
      %add3A_469 = arith.addi %mul3A_315, %add3A_468 : i32
      %get3A_470 = arith.index_cast %add3A_469 : i32 to index
      %get3A_471 = tpu.vector_load %arg18[%get3A_470] {strides = array<i32>} : memref<8192xf32, #tpu.memory_space<vmem>>, vector<16xf32>,
      %get3A_472 = vector.shape_cast %get3A_471 : vector<16xf32> to vector<16xf32>
      %add3A_473 = arith.addf %get3A_467, %get3A_472 : vector<16xf32>
      %add3A_474 = arith.addf %add3A_473, %gather3A_313 : vector<16xf32>
      %add3A_475 = arith.constant 128 : i32
      %add3A_476 = arith.addi %add3A_319, %add3A_475 : i32
      %swap3A_477 = arith.index_cast %add3A_476 : i32 to index
      %swap3A_478 = tpu.vector_load %arg20[%swap3A_477] {strides = array<i32>} : memref<8224xf32, #tpu.memory_space<vmem>>, vector<16xf32>,
      %swap3A_479 = vector.shape_cast %swap3A_478 : vector<16xf32> to vector<16xf32>
      %swap3A_480 = vector.shape_cast %add3A_474 : vector<16xf32> to vector<16xf32>
      tpu.vector_store %arg20[%swap3A_477], %swap3A_480 {strides = array<i32>} : memref<8224xf32, #tpu.memory_space<vmem>>, vector<16xf32>,
      %add3A_481 = arith.constant 144 : i32
      %add3A_482 = arith.addi %add3A_319, %add3A_481 : i32
      %get3A_483 = arith.index_cast %add3A_482 : i32 to index
      %get3A_484 = tpu.vector_load %arg20[%get3A_483] {strides = array<i32>} : memref<8224xf32, #tpu.memory_space<vmem>>, vector<16xf32>,
      %get3A_485 = vector.shape_cast %get3A_484 : vector<16xf32> to vector<16xf32>
      %add3A_486 = arith.constant 144 : i32
      %add3A_487 = arith.addi %mul3A_315, %add3A_486 : i32
      %get3A_488 = arith.index_cast %add3A_487 : i32 to index
      %get3A_489 = tpu.vector_load %arg18[%get3A_488] {strides = array<i32>} : memref<8192xf32, #tpu.memory_space<vmem>>, vector<16xf32>,
      %get3A_490 = vector.shape_cast %get3A_489 : vector<16xf32> to vector<16xf32>
      %add3A_491 = arith.addf %get3A_485, %get3A_490 : vector<16xf32>
      %add3A_492 = arith.addf %add3A_491, %gather3A_313 : vector<16xf32>
      %add3A_493 = arith.constant 144 : i32
      %add3A_494 = arith.addi %add3A_319, %add3A_493 : i32
      %swap3A_495 = arith.index_cast %add3A_494 : i32 to index
      %swap3A_496 = tpu.vector_load %arg20[%swap3A_495] {strides = array<i32>} : memref<8224xf32, #tpu.memory_space<vmem>>, vector<16xf32>,
      %swap3A_497 = vector.shape_cast %swap3A_496 : vector<16xf32> to vector<16xf32>
      %swap3A_498 = vector.shape_cast %add3A_492 : vector<16xf32> to vector<16xf32>
      tpu.vector_store %arg20[%swap3A_495], %swap3A_498 {strides = array<i32>} : memref<8224xf32, #tpu.memory_space<vmem>>, vector<16xf32>,
      %add3A_499 = arith.constant 160 : i32
      %add3A_500 = arith.addi %add3A_319, %add3A_499 : i32
      %get3A_501 = arith.index_cast %add3A_500 : i32 to index
      %get3A_502 = tpu.vector_load %arg20[%get3A_501] {strides = array<i32>} : memref<8224xf32, #tpu.memory_space<vmem>>, vector<16xf32>,
      %get3A_503 = vector.shape_cast %get3A_502 : vector<16xf32> to vector<16xf32>
      %add3A_504 = arith.constant 160 : i32
      %add3A_505 = arith.addi %mul3A_315, %add3A_504 : i32
      %get3A_506 = arith.index_cast %add3A_505 : i32 to index
      %get3A_507 = tpu.vector_load %arg18[%get3A_506] {strides = array<i32>} : memref<8192xf32, #tpu.memory_space<vmem>>, vector<16xf32>,
      %get3A_508 = vector.shape_cast %get3A_507 : vector<16xf32> to vector<16xf32>
      %add3A_509 = arith.addf %get3A_503, %get3A_508 : vector<16xf32>
      %add3A_510 = arith.addf %add3A_509, %gather3A_313 : vector<16xf32>
      %add3A_511 = arith.constant 160 : i32
      %add3A_512 = arith.addi %add3A_319, %add3A_511 : i32
      %swap3A_513 = arith.index_cast %add3A_512 : i32 to index
      %swap3A_514 = tpu.vector_load %arg20[%swap3A_513] {strides = array<i32>} : memref<8224xf32, #tpu.memory_space<vmem>>, vector<16xf32>,
      %swap3A_515 = vector.shape_cast %swap3A_514 : vector<16xf32> to vector<16xf32>
      %swap3A_516 = vector.shape_cast %add3A_510 : vector<16xf32> to vector<16xf32>
      tpu.vector_store %arg20[%swap3A_513], %swap3A_516 {strides = array<i32>} : memref<8224xf32, #tpu.memory_space<vmem>>, vector<16xf32>,
      %add3A_517 = arith.constant 176 : i32
      %add3A_518 = arith.addi %add3A_319, %add3A_517 : i32
      %get3A_519 = arith.index_cast %add3A_518 : i32 to index
      %get3A_520 = tpu.vector_load %arg20[%get3A_519] {strides = array<i32>} : memref<8224xf32, #tpu.memory_space<vmem>>, vector<16xf32>,
      %get3A_521 = vector.shape_cast %get3A_520 : vector<16xf32> to vector<16xf32>
      %add3A_522 = arith.constant 176 : i32
      %add3A_523 = arith.addi %mul3A_315, %add3A_522 : i32
      %get3A_524 = arith.index_cast %add3A_523 : i32 to index
      %get3A_525 = tpu.vector_load %arg18[%get3A_524] {strides = array<i32>} : memref<8192xf32, #tpu.memory_space<vmem>>, vector<16xf32>,
      %get3A_526 = vector.shape_cast %get3A_525 : vector<16xf32> to vector<16xf32>
      %add3A_527 = arith.addf %get3A_521, %get3A_526 : vector<16xf32>
      %add3A_528 = arith.addf %add3A_527, %gather3A_313 : vector<16xf32>
      %add3A_529 = arith.constant 176 : i32
      %add3A_530 = arith.addi %add3A_319, %add3A_529 : i32
      %swap3A_531 = arith.index_cast %add3A_530 : i32 to index
      %swap3A_532 = tpu.vector_load %arg20[%swap3A_531] {strides = array<i32>} : memref<8224xf32, #tpu.memory_space<vmem>>, vector<16xf32>,
      %swap3A_533 = vector.shape_cast %swap3A_532 : vector<16xf32> to vector<16xf32>
      %swap3A_534 = vector.shape_cast %add3A_528 : vector<16xf32> to vector<16xf32>
      tpu.vector_store %arg20[%swap3A_531], %swap3A_534 {strides = array<i32>} : memref<8224xf32, #tpu.memory_space<vmem>>, vector<16xf32>,
      %add3A_535 = arith.constant 192 : i32
      %add3A_536 = arith.addi %add3A_319, %add3A_535 : i32
      %get3A_537 = arith.index_cast %add3A_536 : i32 to index
      %get3A_538 = tpu.vector_load %arg20[%get3A_537] {strides = array<i32>} : memref<8224xf32, #tpu.memory_space<vmem>>, vector<16xf32>,
      %get3A_539 = vector.shape_cast %get3A_538 : vector<16xf32> to vector<16xf32>
      %add3A_540 = arith.constant 192 : i32
      %add3A_541 = arith.addi %mul3A_315, %add3A_540 : i32
      %get3A_542 = arith.index_cast %add3A_541 : i32 to index
      %get3A_543 = tpu.vector_load %arg18[%get3A_542] {strides = array<i32>} : memref<8192xf32, #tpu.memory_space<vmem>>, vector<16xf32>,
      %get3A_544 = vector.shape_cast %get3A_543 : vector<16xf32> to vector<16xf32>
      %add3A_545 = arith.addf %get3A_539, %get3A_544 : vector<16xf32>
      %add3A_546 = arith.addf %add3A_545, %gather3A_313 : vector<16xf32>
      %add3A_547 = arith.constant 192 : i32
      %add3A_548 = arith.addi %add3A_319, %add3A_547 : i32
      %swap3A_549 = arith.index_cast %add3A_548 : i32 to index
      %swap3A_550 = tpu.vector_load %arg20[%swap3A_549] {strides = array<i32>} : memref<8224xf32, #tpu.memory_space<vmem>>, vector<16xf32>,
      %swap3A_551 = vector.shape_cast %swap3A_550 : vector<16xf32> to vector<16xf32>
      %swap3A_552 = vector.shape_cast %add3A_546 : vector<16xf32> to vector<16xf32>
      tpu.vector_store %arg20[%swap3A_549], %swap3A_552 {strides = array<i32>} : memref<8224xf32, #tpu.memory_space<vmem>>, vector<16xf32>,
      %add3A_553 = arith.constant 208 : i32
      %add3A_554 = arith.addi %add3A_319, %add3A_553 : i32
      %get3A_555 = arith.index_cast %add3A_554 : i32 to index
      %get3A_556 = tpu.vector_load %arg20[%get3A_555] {strides = array<i32>} : memref<8224xf32, #tpu.memory_space<vmem>>, vector<16xf32>,
      %get3A_557 = vector.shape_cast %get3A_556 : vector<16xf32> to vector<16xf32>
      %add3A_558 = arith.constant 208 : i32
      %add3A_559 = arith.addi %mul3A_315, %add3A_558 : i32
      %get3A_560 = arith.index_cast %add3A_559 : i32 to index
      %get3A_561 = tpu.vector_load %arg18[%get3A_560] {strides = array<i32>} : memref<8192xf32, #tpu.memory_space<vmem>>, vector<16xf32>,
      %get3A_562 = vector.shape_cast %get3A_561 : vector<16xf32> to vector<16xf32>
      %add3A_563 = arith.addf %get3A_557, %get3A_562 : vector<16xf32>
      %add3A_564 = arith.addf %add3A_563, %gather3A_313 : vector<16xf32>
      %add3A_565 = arith.constant 208 : i32
      %add3A_566 = arith.addi %add3A_319, %add3A_565 : i32
      %swap3A_567 = arith.index_cast %add3A_566 : i32 to index
      %swap3A_568 = tpu.vector_load %arg20[%swap3A_567] {strides = array<i32>} : memref<8224xf32, #tpu.memory_space<vmem>>, vector<16xf32>,
      %swap3A_569 = vector.shape_cast %swap3A_568 : vector<16xf32> to vector<16xf32>
      %swap3A_570 = vector.shape_cast %add3A_564 : vector<16xf32> to vector<16xf32>
      tpu.vector_store %arg20[%swap3A_567], %swap3A_570 {strides = array<i32>} : memref<8224xf32, #tpu.memory_space<vmem>>, vector<16xf32>,
      %add3A_571 = arith.constant 224 : i32
      %add3A_572 = arith.addi %add3A_319, %add3A_571 : i32
      %get3A_573 = arith.index_cast %add3A_572 : i32 to index
      %get3A_574 = tpu.vector_load %arg20[%get3A_573] {strides = array<i32>} : memref<8224xf32, #tpu.memory_space<vmem>>, vector<16xf32>,
      %get3A_575 = vector.shape_cast %get3A_574 : vector<16xf32> to vector<16xf32>
      %add3A_576 = arith.constant 224 : i32
      %add3A_577 = arith.addi %mul3A_315, %add3A_576 : i32
      %get3A_578 = arith.index_cast %add3A_577 : i32 to index
      %get3A_579 = tpu.vector_load %arg18[%get3A_578] {strides = array<i32>} : memref<8192xf32, #tpu.memory_space<vmem>>, vector<16xf32>,
      %get3A_580 = vector.shape_cast %get3A_579 : vector<16xf32> to vector<16xf32>
      %add3A_581 = arith.addf %get3A_575, %get3A_580 : vector<16xf32>
      %add3A_582 = arith.addf %add3A_581, %gather3A_313 : vector<16xf32>
      %add3A_583 = arith.constant 224 : i32
      %add3A_584 = arith.addi %add3A_319, %add3A_583 : i32
      %swap3A_585 = arith.index_cast %add3A_584 : i32 to index
      %swap3A_586 = tpu.vector_load %arg20[%swap3A_585] {strides = array<i32>} : memref<8224xf32, #tpu.memory_space<vmem>>, vector<16xf32>,
      %swap3A_587 = vector.shape_cast %swap3A_586 : vector<16xf32> to vector<16xf32>
      %swap3A_588 = vector.shape_cast %add3A_582 : vector<16xf32> to vector<16xf32>
      tpu.vector_store %arg20[%swap3A_585], %swap3A_588 {strides = array<i32>} : memref<8224xf32, #tpu.memory_space<vmem>>, vector<16xf32>,
      %add3A_589 = arith.constant 240 : i32
      %add3A_590 = arith.addi %add3A_319, %add3A_589 : i32
      %get3A_591 = arith.index_cast %add3A_590 : i32 to index
      %get3A_592 = tpu.vector_load %arg20[%get3A_591] {strides = array<i32>} : memref<8224xf32, #tpu.memory_space<vmem>>, vector<16xf32>,
      %get3A_593 = vector.shape_cast %get3A_592 : vector<16xf32> to vector<16xf32>
      %add3A_594 = arith.constant 240 : i32
      %add3A_595 = arith.addi %mul3A_315, %add3A_594 : i32
      %get3A_596 = arith.index_cast %add3A_595 : i32 to index
      %get3A_597 = tpu.vector_load %arg18[%get3A_596] {strides = array<i32>} : memref<8192xf32, #tpu.memory_space<vmem>>, vector<16xf32>,
      %get3A_598 = vector.shape_cast %get3A_597 : vector<16xf32> to vector<16xf32>
      %add3A_599 = arith.addf %get3A_593, %get3A_598 : vector<16xf32>
      %add3A_600 = arith.addf %add3A_599, %gather3A_313 : vector<16xf32>
      %add3A_601 = arith.constant 240 : i32
      %add3A_602 = arith.addi %add3A_319, %add3A_601 : i32
      %swap3A_603 = arith.index_cast %add3A_602 : i32 to index
      %swap3A_604 = tpu.vector_load %arg20[%swap3A_603] {strides = array<i32>} : memref<8224xf32, #tpu.memory_space<vmem>>, vector<16xf32>,
      %swap3A_605 = vector.shape_cast %swap3A_604 : vector<16xf32> to vector<16xf32>
      %swap3A_606 = vector.shape_cast %add3A_600 : vector<16xf32> to vector<16xf32>
      tpu.vector_store %arg20[%swap3A_603], %swap3A_606 {strides = array<i32>} : memref<8224xf32, #tpu.memory_space<vmem>>, vector<16xf32>,
    }
    %scan3A_229 = arith.constant 32 : i32
    %dma_start3A_230 = tpu.memref_slice %arg8[%mul3A_215] : memref<1052672xf32, #tpu.memory_space<hbm>> -> memref<8224xf32, #tpu.memory_space<hbm>>
    %dma_start3A_231 = tpu.memref_slice %arg8[%mul3A_215] : memref<1052672xf32, #tpu.memory_space<hbm>> -> memref<8224xf32, #tpu.memory_space<hbm>>
    tpu.enqueue_dma source(%arg20 : memref<8224xf32, #tpu.memory_space<vmem>>) target(%dma_start3A_231 : memref<8224xf32, #tpu.memory_space<hbm>>) target_semaphore(%arg25 : memref<!tpu.dma_semaphore, #tpu.memory_space<semaphore_mem>>)
    %add3A_232 = arith.constant 96 : i32
    %add3A_233 = arith.addi %mul3A_2, %add3A_232 : i32
    %mul3A_234 = arith.constant 257 : i32
    %mul3A_235 = arith.muli %add3A_233, %mul3A_234 : i32
    %add3A_236 = arith.constant 32 : i32
    %add3A_237 = arith.addi %mul3A_2, %add3A_236 : i32
    %mul3A_238 = arith.constant 257 : i32
    %mul3A_239 = arith.muli %add3A_237, %mul3A_238 : i32
    %dma_wait3A_240 = tpu.memref_slice %arg8[%mul3A_239] : memref<1052672xf32, #tpu.memory_space<hbm>> -> memref<8224xf32, #tpu.memory_space<hbm>>
    %dma_wait3A_241 = tpu.memref_slice %arg8[%mul3A_239] : memref<1052672xf32, #tpu.memory_space<hbm>> -> memref<8224xf32, #tpu.memory_space<hbm>>
    tpu.wait_dma2 semaphore(%arg26 : memref<!tpu.dma_semaphore, #tpu.memory_space<semaphore_mem>>) src(%arg21 : memref<8224xf32, #tpu.memory_space<vmem>>) dst(%dma_wait3A_241 : memref<8224xf32, #tpu.memory_space<hbm>>)
    "tpu.region"() ({
      %run_scoped3A = tpu.sem_alloc : memref<!tpu.dma_semaphore, #tpu.memory_space<semaphore_mem>>
      %dma_start3A_276 = tpu.memref_slice %arg5[%mul3A_235] : memref<1052672xf32, #tpu.memory_space<hbm>> -> memref<8224xf32, #tpu.memory_space<hbm>>
      %dma_start3A_277 = tpu.memref_slice %arg5[%mul3A_235] : memref<1052672xf32, #tpu.memory_space<hbm>> -> memref<8224xf32, #tpu.memory_space<hbm>>
      tpu.enqueue_dma source(%dma_start3A_277 : memref<8224xf32, #tpu.memory_space<hbm>>) target(%arg21 : memref<8224xf32, #tpu.memory_space<vmem>>) target_semaphore(%run_scoped3A : memref<!tpu.dma_semaphore, #tpu.memory_space<semaphore_mem>>)
      %dma_wait3A_278 = tpu.memref_slice %arg5[%mul3A_235] : memref<1052672xf32, #tpu.memory_space<hbm>> -> memref<8224xf32, #tpu.memory_space<hbm>>
      %dma_wait3A_279 = tpu.memref_slice %arg5[%mul3A_235] : memref<1052672xf32, #tpu.memory_space<hbm>> -> memref<8224xf32, #tpu.memory_space<hbm>>
      tpu.wait_dma2 semaphore(%run_scoped3A : memref<!tpu.dma_semaphore, #tpu.memory_space<semaphore_mem>>) src(%dma_wait3A_279 : memref<8224xf32, #tpu.memory_space<hbm>>) dst(%arg21 : memref<8224xf32, #tpu.memory_space<vmem>>)
      tpu.yield
    }) : () -> ()
    %dma_wait3A_242 = arith.constant 0 : i32
    %dma_wait3A_243 = tpu.memref_slice %arg9[%dma_wait3A_242] : memref<1000448xf32, #tpu.memory_space<vmem_shared>> -> memref<1000448xf32, #tpu.memory_space<vmem_shared>>
    tpu.wait_indirect_dma semaphore(%arg23 : memref<!tpu.dma_semaphore, #tpu.memory_space<semaphore_mem>>) src(%dma_wait3A_243 : memref<1000448xf32, #tpu.memory_space<vmem_shared>>) dst(%arg19 : memref<8192xf32, #tpu.memory_space<vmem>>)
    %scan3A_244 = arith.constant 0 : i32
    %scan3A_245 = arith.constant 0 : i32
    %scan3A_246 = arith.constant 32 : i32
    %scan3A_247 = arith.addi %scan3A_245, %scan3A_246 : i32
    %scan3A_248 = arith.constant 1 : i32
    scf.for %scan3A_276 = %scan3A_245 to %scan3A_247 step %scan3A_248  : i32 {
      %add3A_277 = arith.constant 96 : i32
      %add3A_278 = arith.addi %add3A_277, %scan3A_276 : i32
      %jit3A = arith.constant 16 : i32
      %div3A = arith.divsi %add3A_278, %jit3A : i32
      %sign3A = arith.constant 0 : i32
      %sign3A_279 = arith.cmpi sgt, %add3A_278, %sign3A : i32
      %sign3A_280 = arith.extui %sign3A_279 : i1 to i32
      %sign3A_281 = arith.constant 0 : i32
      %sign3A_282 = arith.cmpi slt, %add3A_278, %sign3A_281 : i32
      %sign3A_283 = arith.extui %sign3A_282 : i1 to i32
      %sign3A_284 = arith.subi %sign3A_280, %sign3A_283 : i32
      %sign3A_285 = arith.constant 0 : i32
      %sign3A_286 = arith.cmpi sgt, %jit3A, %sign3A_285 : i32
      %sign3A_287 = arith.extui %sign3A_286 : i1 to i32
      %sign3A_288 = arith.constant 0 : i32
      %sign3A_289 = arith.cmpi slt, %jit3A, %sign3A_288 : i32
      %sign3A_290 = arith.extui %sign3A_289 : i1 to i32
      %sign3A_291 = arith.subi %sign3A_287, %sign3A_290 : i32
      %ne3A = arith.cmpi ne, %sign3A_284, %sign3A_291 : i32
      %rem3A = arith.remsi %add3A_278, %jit3A : i32
      %ne3A_292 = arith.constant 0 : i32
      %ne3A_293 = arith.cmpi ne, %rem3A, %ne3A_292 : i32
      %and3A = arith.andi %ne3A, %ne3A_293 : i1
      %sub3A = arith.constant 1 : i32
      %sub3A_294 = arith.subi %div3A, %sub3A : i32
      %select_n3A = arith.select %and3A, %sub3A_294, %div3A : i32
      %mul3A_295 = arith.constant 16 : i32
      %mul3A_296 = arith.muli %select_n3A, %mul3A_295 : i32
      %get3A = arith.index_cast %mul3A_296 : i32 to index
      %get3A_297 = tpu.vector_load %arg11[%get3A] {strides = array<i32>} : memref<128xf32, #tpu.memory_space<vmem>>, vector<16xf32>,
      %get3A_298 = vector.shape_cast %get3A_297 : vector<16xf32> to vector<16xf32>
      %jit3A_299 = arith.constant 16 : i32
      %eq3A = arith.constant 0 : i32
      %eq3A_300 = arith.cmpi eq, %jit3A_299, %eq3A : i32
      %jit3A_301 = arith.constant 1 : i32
      %select_n3A_302 = arith.select %eq3A_300, %jit3A_301, %jit3A_299 : i32
      %rem3A_303 = arith.remsi %add3A_278, %select_n3A_302 : i32
      %ne3A_304 = arith.constant 0 : i32
      %ne3A_305 = arith.cmpi ne, %rem3A_303, %ne3A_304 : i32
      %lt3A = arith.constant 0 : i32
      %lt3A_306 = arith.cmpi slt, %rem3A_303, %lt3A : i32
      %lt3A_307 = arith.constant 0 : i32
      %lt3A_308 = arith.cmpi slt, %select_n3A_302, %lt3A_307 : i32
      %ne3A_309 = arith.xori %lt3A_306, %lt3A_308 : i1
      %and3A_310 = arith.andi %ne3A_309, %ne3A_305 : i1
      %add3A_311 = arith.addi %rem3A_303, %select_n3A_302 : i32
      %select_n3A_312 = arith.select %and3A_310, %add3A_311, %rem3A_303 : i32
      %broadcast_in_dim3A = vector.broadcast %select_n3A_312 : i32 to vector<16x1xi32>
      %gather3A = vector.shape_cast %broadcast_in_dim3A : vector<16x1xi32> to vector<16xi32>
      %gather3A_313 = tpu.dynamic_gather %get3A_298[%gather3A] in [0] : vector<16xf32>, vector<16xi32> -> vector<16xf32>
      %mul3A_314 = arith.constant 256 : i32
      %mul3A_315 = arith.muli %scan3A_276, %mul3A_314 : i32
      %mul3A_316 = arith.constant 257 : i32
      %mul3A_317 = arith.muli %scan3A_276, %mul3A_316 : i32
      %add3A_318 = arith.constant 1 : i32
      %add3A_319 = arith.addi %mul3A_317, %add3A_318 : i32
      %add3A_320 = arith.constant 0 : i32
      %add3A_321 = arith.addi %add3A_319, %add3A_320 : i32
      %get3A_322 = arith.index_cast %add3A_321 : i32 to index
      %get3A_323 = tpu.vector_load %arg21[%get3A_322] {strides = array<i32>} : memref<8224xf32, #tpu.memory_space<vmem>>, vector<16xf32>,
      %get3A_324 = vector.shape_cast %get3A_323 : vector<16xf32> to vector<16xf32>
      %add3A_325 = arith.constant 0 : i32
      %add3A_326 = arith.addi %mul3A_315, %add3A_325 : i32
      %get3A_327 = arith.index_cast %add3A_326 : i32 to index
      %get3A_328 = tpu.vector_load %arg19[%get3A_327] {strides = array<i32>} : memref<8192xf32, #tpu.memory_space<vmem>>, vector<16xf32>,
      %get3A_329 = vector.shape_cast %get3A_328 : vector<16xf32> to vector<16xf32>
      %add3A_330 = arith.addf %get3A_324, %get3A_329 : vector<16xf32>
      %add3A_331 = arith.addf %add3A_330, %gather3A_313 : vector<16xf32>
      %add3A_332 = arith.constant 0 : i32
      %add3A_333 = arith.addi %add3A_319, %add3A_332 : i32
      %swap3A = arith.index_cast %add3A_333 : i32 to index
      %swap3A_334 = tpu.vector_load %arg21[%swap3A] {strides = array<i32>} : memref<8224xf32, #tpu.memory_space<vmem>>, vector<16xf32>,
      %swap3A_335 = vector.shape_cast %swap3A_334 : vector<16xf32> to vector<16xf32>
      %swap3A_336 = vector.shape_cast %add3A_331 : vector<16xf32> to vector<16xf32>
      tpu.vector_store %arg21[%swap3A], %swap3A_336 {strides = array<i32>} : memref<8224xf32, #tpu.memory_space<vmem>>, vector<16xf32>,
      %add3A_337 = arith.constant 16 : i32
      %add3A_338 = arith.addi %add3A_319, %add3A_337 : i32
      %get3A_339 = arith.index_cast %add3A_338 : i32 to index
      %get3A_340 = tpu.vector_load %arg21[%get3A_339] {strides = array<i32>} : memref<8224xf32, #tpu.memory_space<vmem>>, vector<16xf32>,
      %get3A_341 = vector.shape_cast %get3A_340 : vector<16xf32> to vector<16xf32>
      %add3A_342 = arith.constant 16 : i32
      %add3A_343 = arith.addi %mul3A_315, %add3A_342 : i32
      %get3A_344 = arith.index_cast %add3A_343 : i32 to index
      %get3A_345 = tpu.vector_load %arg19[%get3A_344] {strides = array<i32>} : memref<8192xf32, #tpu.memory_space<vmem>>, vector<16xf32>,
      %get3A_346 = vector.shape_cast %get3A_345 : vector<16xf32> to vector<16xf32>
      %add3A_347 = arith.addf %get3A_341, %get3A_346 : vector<16xf32>
      %add3A_348 = arith.addf %add3A_347, %gather3A_313 : vector<16xf32>
      %add3A_349 = arith.constant 16 : i32
      %add3A_350 = arith.addi %add3A_319, %add3A_349 : i32
      %swap3A_351 = arith.index_cast %add3A_350 : i32 to index
      %swap3A_352 = tpu.vector_load %arg21[%swap3A_351] {strides = array<i32>} : memref<8224xf32, #tpu.memory_space<vmem>>, vector<16xf32>,
      %swap3A_353 = vector.shape_cast %swap3A_352 : vector<16xf32> to vector<16xf32>
      %swap3A_354 = vector.shape_cast %add3A_348 : vector<16xf32> to vector<16xf32>
      tpu.vector_store %arg21[%swap3A_351], %swap3A_354 {strides = array<i32>} : memref<8224xf32, #tpu.memory_space<vmem>>, vector<16xf32>,
      %add3A_355 = arith.constant 32 : i32
      %add3A_356 = arith.addi %add3A_319, %add3A_355 : i32
      %get3A_357 = arith.index_cast %add3A_356 : i32 to index
      %get3A_358 = tpu.vector_load %arg21[%get3A_357] {strides = array<i32>} : memref<8224xf32, #tpu.memory_space<vmem>>, vector<16xf32>,
      %get3A_359 = vector.shape_cast %get3A_358 : vector<16xf32> to vector<16xf32>
      %add3A_360 = arith.constant 32 : i32
      %add3A_361 = arith.addi %mul3A_315, %add3A_360 : i32
      %get3A_362 = arith.index_cast %add3A_361 : i32 to index
      %get3A_363 = tpu.vector_load %arg19[%get3A_362] {strides = array<i32>} : memref<8192xf32, #tpu.memory_space<vmem>>, vector<16xf32>,
      %get3A_364 = vector.shape_cast %get3A_363 : vector<16xf32> to vector<16xf32>
      %add3A_365 = arith.addf %get3A_359, %get3A_364 : vector<16xf32>
      %add3A_366 = arith.addf %add3A_365, %gather3A_313 : vector<16xf32>
      %add3A_367 = arith.constant 32 : i32
      %add3A_368 = arith.addi %add3A_319, %add3A_367 : i32
      %swap3A_369 = arith.index_cast %add3A_368 : i32 to index
      %swap3A_370 = tpu.vector_load %arg21[%swap3A_369] {strides = array<i32>} : memref<8224xf32, #tpu.memory_space<vmem>>, vector<16xf32>,
      %swap3A_371 = vector.shape_cast %swap3A_370 : vector<16xf32> to vector<16xf32>
      %swap3A_372 = vector.shape_cast %add3A_366 : vector<16xf32> to vector<16xf32>
      tpu.vector_store %arg21[%swap3A_369], %swap3A_372 {strides = array<i32>} : memref<8224xf32, #tpu.memory_space<vmem>>, vector<16xf32>,
      %add3A_373 = arith.constant 48 : i32
      %add3A_374 = arith.addi %add3A_319, %add3A_373 : i32
      %get3A_375 = arith.index_cast %add3A_374 : i32 to index
      %get3A_376 = tpu.vector_load %arg21[%get3A_375] {strides = array<i32>} : memref<8224xf32, #tpu.memory_space<vmem>>, vector<16xf32>,
      %get3A_377 = vector.shape_cast %get3A_376 : vector<16xf32> to vector<16xf32>
      %add3A_378 = arith.constant 48 : i32
      %add3A_379 = arith.addi %mul3A_315, %add3A_378 : i32
      %get3A_380 = arith.index_cast %add3A_379 : i32 to index
      %get3A_381 = tpu.vector_load %arg19[%get3A_380] {strides = array<i32>} : memref<8192xf32, #tpu.memory_space<vmem>>, vector<16xf32>,
      %get3A_382 = vector.shape_cast %get3A_381 : vector<16xf32> to vector<16xf32>
      %add3A_383 = arith.addf %get3A_377, %get3A_382 : vector<16xf32>
      %add3A_384 = arith.addf %add3A_383, %gather3A_313 : vector<16xf32>
      %add3A_385 = arith.constant 48 : i32
      %add3A_386 = arith.addi %add3A_319, %add3A_385 : i32
      %swap3A_387 = arith.index_cast %add3A_386 : i32 to index
      %swap3A_388 = tpu.vector_load %arg21[%swap3A_387] {strides = array<i32>} : memref<8224xf32, #tpu.memory_space<vmem>>, vector<16xf32>,
      %swap3A_389 = vector.shape_cast %swap3A_388 : vector<16xf32> to vector<16xf32>
      %swap3A_390 = vector.shape_cast %add3A_384 : vector<16xf32> to vector<16xf32>
      tpu.vector_store %arg21[%swap3A_387], %swap3A_390 {strides = array<i32>} : memref<8224xf32, #tpu.memory_space<vmem>>, vector<16xf32>,
      %add3A_391 = arith.constant 64 : i32
      %add3A_392 = arith.addi %add3A_319, %add3A_391 : i32
      %get3A_393 = arith.index_cast %add3A_392 : i32 to index
      %get3A_394 = tpu.vector_load %arg21[%get3A_393] {strides = array<i32>} : memref<8224xf32, #tpu.memory_space<vmem>>, vector<16xf32>,
      %get3A_395 = vector.shape_cast %get3A_394 : vector<16xf32> to vector<16xf32>
      %add3A_396 = arith.constant 64 : i32
      %add3A_397 = arith.addi %mul3A_315, %add3A_396 : i32
      %get3A_398 = arith.index_cast %add3A_397 : i32 to index
      %get3A_399 = tpu.vector_load %arg19[%get3A_398] {strides = array<i32>} : memref<8192xf32, #tpu.memory_space<vmem>>, vector<16xf32>,
      %get3A_400 = vector.shape_cast %get3A_399 : vector<16xf32> to vector<16xf32>
      %add3A_401 = arith.addf %get3A_395, %get3A_400 : vector<16xf32>
      %add3A_402 = arith.addf %add3A_401, %gather3A_313 : vector<16xf32>
      %add3A_403 = arith.constant 64 : i32
      %add3A_404 = arith.addi %add3A_319, %add3A_403 : i32
      %swap3A_405 = arith.index_cast %add3A_404 : i32 to index
      %swap3A_406 = tpu.vector_load %arg21[%swap3A_405] {strides = array<i32>} : memref<8224xf32, #tpu.memory_space<vmem>>, vector<16xf32>,
      %swap3A_407 = vector.shape_cast %swap3A_406 : vector<16xf32> to vector<16xf32>
      %swap3A_408 = vector.shape_cast %add3A_402 : vector<16xf32> to vector<16xf32>
      tpu.vector_store %arg21[%swap3A_405], %swap3A_408 {strides = array<i32>} : memref<8224xf32, #tpu.memory_space<vmem>>, vector<16xf32>,
      %add3A_409 = arith.constant 80 : i32
      %add3A_410 = arith.addi %add3A_319, %add3A_409 : i32
      %get3A_411 = arith.index_cast %add3A_410 : i32 to index
      %get3A_412 = tpu.vector_load %arg21[%get3A_411] {strides = array<i32>} : memref<8224xf32, #tpu.memory_space<vmem>>, vector<16xf32>,
      %get3A_413 = vector.shape_cast %get3A_412 : vector<16xf32> to vector<16xf32>
      %add3A_414 = arith.constant 80 : i32
      %add3A_415 = arith.addi %mul3A_315, %add3A_414 : i32
      %get3A_416 = arith.index_cast %add3A_415 : i32 to index
      %get3A_417 = tpu.vector_load %arg19[%get3A_416] {strides = array<i32>} : memref<8192xf32, #tpu.memory_space<vmem>>, vector<16xf32>,
      %get3A_418 = vector.shape_cast %get3A_417 : vector<16xf32> to vector<16xf32>
      %add3A_419 = arith.addf %get3A_413, %get3A_418 : vector<16xf32>
      %add3A_420 = arith.addf %add3A_419, %gather3A_313 : vector<16xf32>
      %add3A_421 = arith.constant 80 : i32
      %add3A_422 = arith.addi %add3A_319, %add3A_421 : i32
      %swap3A_423 = arith.index_cast %add3A_422 : i32 to index
      %swap3A_424 = tpu.vector_load %arg21[%swap3A_423] {strides = array<i32>} : memref<8224xf32, #tpu.memory_space<vmem>>, vector<16xf32>,
      %swap3A_425 = vector.shape_cast %swap3A_424 : vector<16xf32> to vector<16xf32>
      %swap3A_426 = vector.shape_cast %add3A_420 : vector<16xf32> to vector<16xf32>
      tpu.vector_store %arg21[%swap3A_423], %swap3A_426 {strides = array<i32>} : memref<8224xf32, #tpu.memory_space<vmem>>, vector<16xf32>,
      %add3A_427 = arith.constant 96 : i32
      %add3A_428 = arith.addi %add3A_319, %add3A_427 : i32
      %get3A_429 = arith.index_cast %add3A_428 : i32 to index
      %get3A_430 = tpu.vector_load %arg21[%get3A_429] {strides = array<i32>} : memref<8224xf32, #tpu.memory_space<vmem>>, vector<16xf32>,
      %get3A_431 = vector.shape_cast %get3A_430 : vector<16xf32> to vector<16xf32>
      %add3A_432 = arith.constant 96 : i32
      %add3A_433 = arith.addi %mul3A_315, %add3A_432 : i32
      %get3A_434 = arith.index_cast %add3A_433 : i32 to index
      %get3A_435 = tpu.vector_load %arg19[%get3A_434] {strides = array<i32>} : memref<8192xf32, #tpu.memory_space<vmem>>, vector<16xf32>,
      %get3A_436 = vector.shape_cast %get3A_435 : vector<16xf32> to vector<16xf32>
      %add3A_437 = arith.addf %get3A_431, %get3A_436 : vector<16xf32>
      %add3A_438 = arith.addf %add3A_437, %gather3A_313 : vector<16xf32>
      %add3A_439 = arith.constant 96 : i32
      %add3A_440 = arith.addi %add3A_319, %add3A_439 : i32
      %swap3A_441 = arith.index_cast %add3A_440 : i32 to index
      %swap3A_442 = tpu.vector_load %arg21[%swap3A_441] {strides = array<i32>} : memref<8224xf32, #tpu.memory_space<vmem>>, vector<16xf32>,
      %swap3A_443 = vector.shape_cast %swap3A_442 : vector<16xf32> to vector<16xf32>
      %swap3A_444 = vector.shape_cast %add3A_438 : vector<16xf32> to vector<16xf32>
      tpu.vector_store %arg21[%swap3A_441], %swap3A_444 {strides = array<i32>} : memref<8224xf32, #tpu.memory_space<vmem>>, vector<16xf32>,
      %add3A_445 = arith.constant 112 : i32
      %add3A_446 = arith.addi %add3A_319, %add3A_445 : i32
      %get3A_447 = arith.index_cast %add3A_446 : i32 to index
      %get3A_448 = tpu.vector_load %arg21[%get3A_447] {strides = array<i32>} : memref<8224xf32, #tpu.memory_space<vmem>>, vector<16xf32>,
      %get3A_449 = vector.shape_cast %get3A_448 : vector<16xf32> to vector<16xf32>
      %add3A_450 = arith.constant 112 : i32
      %add3A_451 = arith.addi %mul3A_315, %add3A_450 : i32
      %get3A_452 = arith.index_cast %add3A_451 : i32 to index
      %get3A_453 = tpu.vector_load %arg19[%get3A_452] {strides = array<i32>} : memref<8192xf32, #tpu.memory_space<vmem>>, vector<16xf32>,
      %get3A_454 = vector.shape_cast %get3A_453 : vector<16xf32> to vector<16xf32>
      %add3A_455 = arith.addf %get3A_449, %get3A_454 : vector<16xf32>
      %add3A_456 = arith.addf %add3A_455, %gather3A_313 : vector<16xf32>
      %add3A_457 = arith.constant 112 : i32
      %add3A_458 = arith.addi %add3A_319, %add3A_457 : i32
      %swap3A_459 = arith.index_cast %add3A_458 : i32 to index
      %swap3A_460 = tpu.vector_load %arg21[%swap3A_459] {strides = array<i32>} : memref<8224xf32, #tpu.memory_space<vmem>>, vector<16xf32>,
      %swap3A_461 = vector.shape_cast %swap3A_460 : vector<16xf32> to vector<16xf32>
      %swap3A_462 = vector.shape_cast %add3A_456 : vector<16xf32> to vector<16xf32>
      tpu.vector_store %arg21[%swap3A_459], %swap3A_462 {strides = array<i32>} : memref<8224xf32, #tpu.memory_space<vmem>>, vector<16xf32>,
      %add3A_463 = arith.constant 128 : i32
      %add3A_464 = arith.addi %add3A_319, %add3A_463 : i32
      %get3A_465 = arith.index_cast %add3A_464 : i32 to index
      %get3A_466 = tpu.vector_load %arg21[%get3A_465] {strides = array<i32>} : memref<8224xf32, #tpu.memory_space<vmem>>, vector<16xf32>,
      %get3A_467 = vector.shape_cast %get3A_466 : vector<16xf32> to vector<16xf32>
      %add3A_468 = arith.constant 128 : i32
      %add3A_469 = arith.addi %mul3A_315, %add3A_468 : i32
      %get3A_470 = arith.index_cast %add3A_469 : i32 to index
      %get3A_471 = tpu.vector_load %arg19[%get3A_470] {strides = array<i32>} : memref<8192xf32, #tpu.memory_space<vmem>>, vector<16xf32>,
      %get3A_472 = vector.shape_cast %get3A_471 : vector<16xf32> to vector<16xf32>
      %add3A_473 = arith.addf %get3A_467, %get3A_472 : vector<16xf32>
      %add3A_474 = arith.addf %add3A_473, %gather3A_313 : vector<16xf32>
      %add3A_475 = arith.constant 128 : i32
      %add3A_476 = arith.addi %add3A_319, %add3A_475 : i32
      %swap3A_477 = arith.index_cast %add3A_476 : i32 to index
      %swap3A_478 = tpu.vector_load %arg21[%swap3A_477] {strides = array<i32>} : memref<8224xf32, #tpu.memory_space<vmem>>, vector<16xf32>,
      %swap3A_479 = vector.shape_cast %swap3A_478 : vector<16xf32> to vector<16xf32>
      %swap3A_480 = vector.shape_cast %add3A_474 : vector<16xf32> to vector<16xf32>
      tpu.vector_store %arg21[%swap3A_477], %swap3A_480 {strides = array<i32>} : memref<8224xf32, #tpu.memory_space<vmem>>, vector<16xf32>,
      %add3A_481 = arith.constant 144 : i32
      %add3A_482 = arith.addi %add3A_319, %add3A_481 : i32
      %get3A_483 = arith.index_cast %add3A_482 : i32 to index
      %get3A_484 = tpu.vector_load %arg21[%get3A_483] {strides = array<i32>} : memref<8224xf32, #tpu.memory_space<vmem>>, vector<16xf32>,
      %get3A_485 = vector.shape_cast %get3A_484 : vector<16xf32> to vector<16xf32>
      %add3A_486 = arith.constant 144 : i32
      %add3A_487 = arith.addi %mul3A_315, %add3A_486 : i32
      %get3A_488 = arith.index_cast %add3A_487 : i32 to index
      %get3A_489 = tpu.vector_load %arg19[%get3A_488] {strides = array<i32>} : memref<8192xf32, #tpu.memory_space<vmem>>, vector<16xf32>,
      %get3A_490 = vector.shape_cast %get3A_489 : vector<16xf32> to vector<16xf32>
      %add3A_491 = arith.addf %get3A_485, %get3A_490 : vector<16xf32>
      %add3A_492 = arith.addf %add3A_491, %gather3A_313 : vector<16xf32>
      %add3A_493 = arith.constant 144 : i32
      %add3A_494 = arith.addi %add3A_319, %add3A_493 : i32
      %swap3A_495 = arith.index_cast %add3A_494 : i32 to index
      %swap3A_496 = tpu.vector_load %arg21[%swap3A_495] {strides = array<i32>} : memref<8224xf32, #tpu.memory_space<vmem>>, vector<16xf32>,
      %swap3A_497 = vector.shape_cast %swap3A_496 : vector<16xf32> to vector<16xf32>
      %swap3A_498 = vector.shape_cast %add3A_492 : vector<16xf32> to vector<16xf32>
      tpu.vector_store %arg21[%swap3A_495], %swap3A_498 {strides = array<i32>} : memref<8224xf32, #tpu.memory_space<vmem>>, vector<16xf32>,
      %add3A_499 = arith.constant 160 : i32
      %add3A_500 = arith.addi %add3A_319, %add3A_499 : i32
      %get3A_501 = arith.index_cast %add3A_500 : i32 to index
      %get3A_502 = tpu.vector_load %arg21[%get3A_501] {strides = array<i32>} : memref<8224xf32, #tpu.memory_space<vmem>>, vector<16xf32>,
      %get3A_503 = vector.shape_cast %get3A_502 : vector<16xf32> to vector<16xf32>
      %add3A_504 = arith.constant 160 : i32
      %add3A_505 = arith.addi %mul3A_315, %add3A_504 : i32
      %get3A_506 = arith.index_cast %add3A_505 : i32 to index
      %get3A_507 = tpu.vector_load %arg19[%get3A_506] {strides = array<i32>} : memref<8192xf32, #tpu.memory_space<vmem>>, vector<16xf32>,
      %get3A_508 = vector.shape_cast %get3A_507 : vector<16xf32> to vector<16xf32>
      %add3A_509 = arith.addf %get3A_503, %get3A_508 : vector<16xf32>
      %add3A_510 = arith.addf %add3A_509, %gather3A_313 : vector<16xf32>
      %add3A_511 = arith.constant 160 : i32
      %add3A_512 = arith.addi %add3A_319, %add3A_511 : i32
      %swap3A_513 = arith.index_cast %add3A_512 : i32 to index
      %swap3A_514 = tpu.vector_load %arg21[%swap3A_513] {strides = array<i32>} : memref<8224xf32, #tpu.memory_space<vmem>>, vector<16xf32>,
      %swap3A_515 = vector.shape_cast %swap3A_514 : vector<16xf32> to vector<16xf32>
      %swap3A_516 = vector.shape_cast %add3A_510 : vector<16xf32> to vector<16xf32>
      tpu.vector_store %arg21[%swap3A_513], %swap3A_516 {strides = array<i32>} : memref<8224xf32, #tpu.memory_space<vmem>>, vector<16xf32>,
      %add3A_517 = arith.constant 176 : i32
      %add3A_518 = arith.addi %add3A_319, %add3A_517 : i32
      %get3A_519 = arith.index_cast %add3A_518 : i32 to index
      %get3A_520 = tpu.vector_load %arg21[%get3A_519] {strides = array<i32>} : memref<8224xf32, #tpu.memory_space<vmem>>, vector<16xf32>,
      %get3A_521 = vector.shape_cast %get3A_520 : vector<16xf32> to vector<16xf32>
      %add3A_522 = arith.constant 176 : i32
      %add3A_523 = arith.addi %mul3A_315, %add3A_522 : i32
      %get3A_524 = arith.index_cast %add3A_523 : i32 to index
      %get3A_525 = tpu.vector_load %arg19[%get3A_524] {strides = array<i32>} : memref<8192xf32, #tpu.memory_space<vmem>>, vector<16xf32>,
      %get3A_526 = vector.shape_cast %get3A_525 : vector<16xf32> to vector<16xf32>
      %add3A_527 = arith.addf %get3A_521, %get3A_526 : vector<16xf32>
      %add3A_528 = arith.addf %add3A_527, %gather3A_313 : vector<16xf32>
      %add3A_529 = arith.constant 176 : i32
      %add3A_530 = arith.addi %add3A_319, %add3A_529 : i32
      %swap3A_531 = arith.index_cast %add3A_530 : i32 to index
      %swap3A_532 = tpu.vector_load %arg21[%swap3A_531] {strides = array<i32>} : memref<8224xf32, #tpu.memory_space<vmem>>, vector<16xf32>,
      %swap3A_533 = vector.shape_cast %swap3A_532 : vector<16xf32> to vector<16xf32>
      %swap3A_534 = vector.shape_cast %add3A_528 : vector<16xf32> to vector<16xf32>
      tpu.vector_store %arg21[%swap3A_531], %swap3A_534 {strides = array<i32>} : memref<8224xf32, #tpu.memory_space<vmem>>, vector<16xf32>,
      %add3A_535 = arith.constant 192 : i32
      %add3A_536 = arith.addi %add3A_319, %add3A_535 : i32
      %get3A_537 = arith.index_cast %add3A_536 : i32 to index
      %get3A_538 = tpu.vector_load %arg21[%get3A_537] {strides = array<i32>} : memref<8224xf32, #tpu.memory_space<vmem>>, vector<16xf32>,
      %get3A_539 = vector.shape_cast %get3A_538 : vector<16xf32> to vector<16xf32>
      %add3A_540 = arith.constant 192 : i32
      %add3A_541 = arith.addi %mul3A_315, %add3A_540 : i32
      %get3A_542 = arith.index_cast %add3A_541 : i32 to index
      %get3A_543 = tpu.vector_load %arg19[%get3A_542] {strides = array<i32>} : memref<8192xf32, #tpu.memory_space<vmem>>, vector<16xf32>,
      %get3A_544 = vector.shape_cast %get3A_543 : vector<16xf32> to vector<16xf32>
      %add3A_545 = arith.addf %get3A_539, %get3A_544 : vector<16xf32>
      %add3A_546 = arith.addf %add3A_545, %gather3A_313 : vector<16xf32>
      %add3A_547 = arith.constant 192 : i32
      %add3A_548 = arith.addi %add3A_319, %add3A_547 : i32
      %swap3A_549 = arith.index_cast %add3A_548 : i32 to index
      %swap3A_550 = tpu.vector_load %arg21[%swap3A_549] {strides = array<i32>} : memref<8224xf32, #tpu.memory_space<vmem>>, vector<16xf32>,
      %swap3A_551 = vector.shape_cast %swap3A_550 : vector<16xf32> to vector<16xf32>
      %swap3A_552 = vector.shape_cast %add3A_546 : vector<16xf32> to vector<16xf32>
      tpu.vector_store %arg21[%swap3A_549], %swap3A_552 {strides = array<i32>} : memref<8224xf32, #tpu.memory_space<vmem>>, vector<16xf32>,
      %add3A_553 = arith.constant 208 : i32
      %add3A_554 = arith.addi %add3A_319, %add3A_553 : i32
      %get3A_555 = arith.index_cast %add3A_554 : i32 to index
      %get3A_556 = tpu.vector_load %arg21[%get3A_555] {strides = array<i32>} : memref<8224xf32, #tpu.memory_space<vmem>>, vector<16xf32>,
      %get3A_557 = vector.shape_cast %get3A_556 : vector<16xf32> to vector<16xf32>
      %add3A_558 = arith.constant 208 : i32
      %add3A_559 = arith.addi %mul3A_315, %add3A_558 : i32
      %get3A_560 = arith.index_cast %add3A_559 : i32 to index
      %get3A_561 = tpu.vector_load %arg19[%get3A_560] {strides = array<i32>} : memref<8192xf32, #tpu.memory_space<vmem>>, vector<16xf32>,
      %get3A_562 = vector.shape_cast %get3A_561 : vector<16xf32> to vector<16xf32>
      %add3A_563 = arith.addf %get3A_557, %get3A_562 : vector<16xf32>
      %add3A_564 = arith.addf %add3A_563, %gather3A_313 : vector<16xf32>
      %add3A_565 = arith.constant 208 : i32
      %add3A_566 = arith.addi %add3A_319, %add3A_565 : i32
      %swap3A_567 = arith.index_cast %add3A_566 : i32 to index
      %swap3A_568 = tpu.vector_load %arg21[%swap3A_567] {strides = array<i32>} : memref<8224xf32, #tpu.memory_space<vmem>>, vector<16xf32>,
      %swap3A_569 = vector.shape_cast %swap3A_568 : vector<16xf32> to vector<16xf32>
      %swap3A_570 = vector.shape_cast %add3A_564 : vector<16xf32> to vector<16xf32>
      tpu.vector_store %arg21[%swap3A_567], %swap3A_570 {strides = array<i32>} : memref<8224xf32, #tpu.memory_space<vmem>>, vector<16xf32>,
      %add3A_571 = arith.constant 224 : i32
      %add3A_572 = arith.addi %add3A_319, %add3A_571 : i32
      %get3A_573 = arith.index_cast %add3A_572 : i32 to index
      %get3A_574 = tpu.vector_load %arg21[%get3A_573] {strides = array<i32>} : memref<8224xf32, #tpu.memory_space<vmem>>, vector<16xf32>,
      %get3A_575 = vector.shape_cast %get3A_574 : vector<16xf32> to vector<16xf32>
      %add3A_576 = arith.constant 224 : i32
      %add3A_577 = arith.addi %mul3A_315, %add3A_576 : i32
      %get3A_578 = arith.index_cast %add3A_577 : i32 to index
      %get3A_579 = tpu.vector_load %arg19[%get3A_578] {strides = array<i32>} : memref<8192xf32, #tpu.memory_space<vmem>>, vector<16xf32>,
      %get3A_580 = vector.shape_cast %get3A_579 : vector<16xf32> to vector<16xf32>
      %add3A_581 = arith.addf %get3A_575, %get3A_580 : vector<16xf32>
      %add3A_582 = arith.addf %add3A_581, %gather3A_313 : vector<16xf32>
      %add3A_583 = arith.constant 224 : i32
      %add3A_584 = arith.addi %add3A_319, %add3A_583 : i32
      %swap3A_585 = arith.index_cast %add3A_584 : i32 to index
      %swap3A_586 = tpu.vector_load %arg21[%swap3A_585] {strides = array<i32>} : memref<8224xf32, #tpu.memory_space<vmem>>, vector<16xf32>,
      %swap3A_587 = vector.shape_cast %swap3A_586 : vector<16xf32> to vector<16xf32>
      %swap3A_588 = vector.shape_cast %add3A_582 : vector<16xf32> to vector<16xf32>
      tpu.vector_store %arg21[%swap3A_585], %swap3A_588 {strides = array<i32>} : memref<8224xf32, #tpu.memory_space<vmem>>, vector<16xf32>,
      %add3A_589 = arith.constant 240 : i32
      %add3A_590 = arith.addi %add3A_319, %add3A_589 : i32
      %get3A_591 = arith.index_cast %add3A_590 : i32 to index
      %get3A_592 = tpu.vector_load %arg21[%get3A_591] {strides = array<i32>} : memref<8224xf32, #tpu.memory_space<vmem>>, vector<16xf32>,
      %get3A_593 = vector.shape_cast %get3A_592 : vector<16xf32> to vector<16xf32>
      %add3A_594 = arith.constant 240 : i32
      %add3A_595 = arith.addi %mul3A_315, %add3A_594 : i32
      %get3A_596 = arith.index_cast %add3A_595 : i32 to index
      %get3A_597 = tpu.vector_load %arg19[%get3A_596] {strides = array<i32>} : memref<8192xf32, #tpu.memory_space<vmem>>, vector<16xf32>,
      %get3A_598 = vector.shape_cast %get3A_597 : vector<16xf32> to vector<16xf32>
      %add3A_599 = arith.addf %get3A_593, %get3A_598 : vector<16xf32>
      %add3A_600 = arith.addf %add3A_599, %gather3A_313 : vector<16xf32>
      %add3A_601 = arith.constant 240 : i32
      %add3A_602 = arith.addi %add3A_319, %add3A_601 : i32
      %swap3A_603 = arith.index_cast %add3A_602 : i32 to index
      %swap3A_604 = tpu.vector_load %arg21[%swap3A_603] {strides = array<i32>} : memref<8224xf32, #tpu.memory_space<vmem>>, vector<16xf32>,
      %swap3A_605 = vector.shape_cast %swap3A_604 : vector<16xf32> to vector<16xf32>
      %swap3A_606 = vector.shape_cast %add3A_600 : vector<16xf32> to vector<16xf32>
      tpu.vector_store %arg21[%swap3A_603], %swap3A_606 {strides = array<i32>} : memref<8224xf32, #tpu.memory_space<vmem>>, vector<16xf32>,
    }
    %scan3A_249 = arith.constant 32 : i32
    %dma_start3A_250 = tpu.memref_slice %arg8[%mul3A_235] : memref<1052672xf32, #tpu.memory_space<hbm>> -> memref<8224xf32, #tpu.memory_space<hbm>>
    %dma_start3A_251 = tpu.memref_slice %arg8[%mul3A_235] : memref<1052672xf32, #tpu.memory_space<hbm>> -> memref<8224xf32, #tpu.memory_space<hbm>>
    tpu.enqueue_dma source(%arg21 : memref<8224xf32, #tpu.memory_space<vmem>>) target(%dma_start3A_251 : memref<8224xf32, #tpu.memory_space<hbm>>) target_semaphore(%arg26 : memref<!tpu.dma_semaphore, #tpu.memory_space<semaphore_mem>>)
    %add3A_252 = arith.constant 64 : i32
    %add3A_253 = arith.addi %mul3A_2, %add3A_252 : i32
    %mul3A_254 = arith.constant 257 : i32
    %mul3A_255 = arith.muli %add3A_253, %mul3A_254 : i32
    %dma_wait3A_256 = tpu.memref_slice %arg8[%mul3A_255] : memref<1052672xf32, #tpu.memory_space<hbm>> -> memref<8224xf32, #tpu.memory_space<hbm>>
    %dma_wait3A_257 = tpu.memref_slice %arg8[%mul3A_255] : memref<1052672xf32, #tpu.memory_space<hbm>> -> memref<8224xf32, #tpu.memory_space<hbm>>
    tpu.wait_dma2 semaphore(%arg25 : memref<!tpu.dma_semaphore, #tpu.memory_space<semaphore_mem>>) src(%arg20 : memref<8224xf32, #tpu.memory_space<vmem>>) dst(%dma_wait3A_257 : memref<8224xf32, #tpu.memory_space<hbm>>)
    %add3A_258 = arith.constant 96 : i32
    %add3A_259 = arith.addi %mul3A_2, %add3A_258 : i32
    %mul3A_260 = arith.constant 257 : i32
    %mul3A_261 = arith.muli %add3A_259, %mul3A_260 : i32
    %dma_wait3A_262 = tpu.memref_slice %arg8[%mul3A_261] : memref<1052672xf32, #tpu.memory_space<hbm>> -> memref<8224xf32, #tpu.memory_space<hbm>>
    %dma_wait3A_263 = tpu.memref_slice %arg8[%mul3A_261] : memref<1052672xf32, #tpu.memory_space<hbm>> -> memref<8224xf32, #tpu.memory_space<hbm>>
    tpu.wait_dma2 semaphore(%arg26 : memref<!tpu.dma_semaphore, #tpu.memory_space<semaphore_mem>>) src(%arg21 : memref<8224xf32, #tpu.memory_space<vmem>>) dst(%dma_wait3A_263 : memref<8224xf32, #tpu.memory_space<hbm>>)
    %dma_wait3A_264 = arith.constant 0 : i32
    %dma_wait3A_265 = tpu.memref_slice %arg9[%dma_wait3A_264] : memref<1000448xf32, #tpu.memory_space<vmem_shared>> -> memref<1000448xf32, #tpu.memory_space<vmem_shared>>
    tpu.wait_indirect_dma semaphore(%arg24 : memref<!tpu.dma_semaphore, #tpu.memory_space<semaphore_mem>>) src(%dma_wait3A_265 : memref<1000448xf32, #tpu.memory_space<vmem_shared>>) dst(%arg13 : memref<128xf32, #tpu.memory_space<vmem>>)
    %scan3A_266 = arith.constant 0 : i32
    %scan3A_267 = arith.constant 0 : i32
    %scan3A_268 = arith.constant 8 : i32
    %scan3A_269 = arith.addi %scan3A_267, %scan3A_268 : i32
    %scan3A_270 = arith.constant 1 : i32
    scf.for %scan3A_276 = %scan3A_267 to %scan3A_269 step %scan3A_270  : i32 {
      %mul3A_277 = arith.constant 16 : i32
      %mul3A_278 = arith.muli %scan3A_276, %mul3A_277 : i32
      %get3A = arith.index_cast %mul3A_278 : i32 to index
      %get3A_279 = tpu.vector_load %arg15[%get3A] {strides = array<i32>} : memref<128xf32, #tpu.memory_space<vmem>>, vector<16xf32>,
      %get3A_280 = vector.shape_cast %get3A_279 : vector<16xf32> to vector<16xf32>
      %get3A_281 = arith.index_cast %mul3A_278 : i32 to index
      %get3A_282 = tpu.vector_load %arg11[%get3A_281] {strides = array<i32>} : memref<128xf32, #tpu.memory_space<vmem>>, vector<16xf32>,
      %get3A_283 = vector.shape_cast %get3A_282 : vector<16xf32> to vector<16xf32>
      %add3A_284 = arith.addf %get3A_280, %get3A_283 : vector<16xf32>
      %get3A_285 = arith.index_cast %mul3A_278 : i32 to index
      %get3A_286 = tpu.vector_load %arg13[%get3A_285] {strides = array<i32>} : memref<128xf32, #tpu.memory_space<vmem>>, vector<16xf32>,
      %get3A_287 = vector.shape_cast %get3A_286 : vector<16xf32> to vector<16xf32>
      %add3A_288 = arith.addf %add3A_284, %get3A_287 : vector<16xf32>
      %swap3A = arith.index_cast %mul3A_278 : i32 to index
      %swap3A_289 = tpu.vector_load %arg15[%swap3A] {strides = array<i32>} : memref<128xf32, #tpu.memory_space<vmem>>, vector<16xf32>,
      %swap3A_290 = vector.shape_cast %swap3A_289 : vector<16xf32> to vector<16xf32>
      %swap3A_291 = vector.shape_cast %add3A_288 : vector<16xf32> to vector<16xf32>
      tpu.vector_store %arg15[%swap3A], %swap3A_291 {strides = array<i32>} : memref<128xf32, #tpu.memory_space<vmem>>, vector<16xf32>,
    }
    %scan3A_271 = arith.constant 8 : i32
    %dma_start3A_272 = arith.constant 0 : i32
    %dma_start3A_273 = tpu.memref_slice %arg8[%dma_start3A_272] : memref<1052672xf32, #tpu.memory_space<hbm>> -> memref<1052672xf32, #tpu.memory_space<hbm>>
    tpu.enqueue_indirect_dma source(%arg15 : memref<128xf32, #tpu.memory_space<vmem>>) target(%dma_start3A_273 : memref<1052672xf32, #tpu.memory_space<hbm>>) offsets(%arg14 : memref<128xi32, #tpu.memory_space<vmem>>) semaphore(%arg24 : memref<!tpu.dma_semaphore, #tpu.memory_space<semaphore_mem>>)
    %dma_wait3A_274 = arith.constant 0 : i32
    %dma_wait3A_275 = tpu.memref_slice %arg8[%dma_wait3A_274] : memref<1052672xf32, #tpu.memory_space<hbm>> -> memref<1052672xf32, #tpu.memory_space<hbm>>
    tpu.wait_indirect_dma semaphore(%arg24 : memref<!tpu.dma_semaphore, #tpu.memory_space<semaphore_mem>>) src(%arg15 : memref<128xf32, #tpu.memory_space<vmem>>) dst(%dma_wait3A_275 : memref<1052672xf32, #tpu.memory_space<hbm>>)
    return
  }
}

</mosaic_0001>

<sc_bundles>
// kernel: kernel.3.cloned.1.call-start
scs
__scs_entry_jumppad:
0x0: {  	(pc) =	sbr.rel $0x88, $3  }
0x1: {  	(tag) =	ssettag $0x0;
	lr =	simm.s32 $0x1  }
0x2: {  	[smem:$0x3F9C] =	sst lr;
	_ =	strace $0xD0000000  }
0x3: {  	_ = 	snop  }
0x4: {  	_ = 	snop  }
0x5: {  	_ = 	snop  }
0x6: {  	_ = 	snop  }
0x7: {  	_ = 	snop  }
__scs_overlays_trampoline_lowered:
0x8: {  	[smem:$0x3FAB] =	sst s0  }
0x9: {  	[smem:$0x3FAC] =	sst s1  }
0xa: {  	[smem:$0x3FAD] =	sst s2  }
0xb: {  	[smem:$0x3FAE] =	sst s3  }
0xc: {  	[smem:$0x3FAF] =	sst s4  }
0xd: {  	[smem:$0x3FB0] =	sst s5  }
0xe: {  	[smem:$0x3FB1] =	sst s6  }
0xf: {  	[smem:$0x3FB2] =	sst s7  }
0x10: {  	[smem:$0x3FB3] =	sst s8  }
0x11: {  	[smem:$0x3FB4] =	sst s9;
	s0 =	simm.s32 @!p0 $0x0  }
0x12: {  	s1 =	sld [smem:$0x3F9A];
	s0 =	simm.s32 @p0 $0x1  }
0x13: {  	[smem:$0x3FB5] =	sst s0;
	s0 =	simm.s32 @!p1 $0x0  }
0x14: {  	s2 =	sld [smem:$0x3F99];
	s0 =	simm.s32 @p1 $0x1  }
0x15: {  	[smem:$0x3FB6] =	sst s0;
	s0 =	simm.s32 @!p2 $0x0  }
0x16: {  	s3 =	sld [smem:$0x3FDB];
	s0 =	simm.s32 @p2 $0x1  }
0x17: {  	s4 =	simm.s32 $0x1BF5;
	[smem:$0x3FB8] =	sst s0  }
0x18: {  	s0 =	sld [smem:$0x3F9B];
	_ =	swait.ge [sflag:s4], $0x0  }
0x19: {  	s7 =	sld [smem:$0x3F9C]  }
0x1a: {  	s8 =	sadd.s32 $0xFFFFE003, lr  }
0x1b: {  	s9 =	sadd.s32 $0xFFFFFEF7, lr;
	s5 =	simm.s32 $0xFFFFFFFF;
	p2 =	slt.u32 s8, $0xFFFFF086  }
0x1c: {  	p1 =	slt.u32 s9, $0xF7A;
	s5 =	simm.s32 @!p2 $0x0  }
0x1d: {  	s5 =	simm.s32 @p1 $0x1;
	p0 =	seq.s32 s7, s2  }
0x1e: {  	s7 =	smul.u32 @!p0 $0xF7A, s2;
	p2 =	seq.s32 @!p0 s5, $0x0  }
0x1f: {  	s9 =	smul.u32 $0xF7A, s1;
	s8 =	simm.s32 @!p0 $0x1BF5;
	p2 =	por !p2, p0  }
0x20: {  	[sflag:s8] =	ssyncset.s32 @!p0 $0xFFFFF086;
	s6 =	sadd.s32 @!p0 s3, s7;
	s7 =	simm.s32 @!p0 $0x108  }
0x21: {  	s3 =	sadd.s32 s3, s9;
	s6 =	sadd.s32 @!p0 $0x88, s6;
	s7 =	simm.s32 @p2 $0x1082  }
0x22: {  	[simem:s7], [sflag:s8] =	dma.local @!p0 [hbm:s6], $0xF7A  }
0x23: {  	s9 =	sor.u32 $0xD0000000, s2;
	s6 =	simm.s32 $0x108;
	_ =	swait.ge @!p0 [sflag:s8], $0x0  }
0x24: {  	s3 =	sadd.s32 $0x88, s3;
	s6 =	simm.s32 @!p1 $0x1082;
	[sflag:s4] =	ssyncset.s32 $0xFFFFF086  }
0x25: {  	[simem:s6], [sflag:s4] =	dma.local [hbm:s3], $0xF7A  }
0x26: {  	[smem:$0x3F9C] =	sst s1;
	(tag) =	ssettag s2;
	_ =	strace s9  }
0x27: {  	s1 =	sld [smem:$0x3FAC]  }
0x28: {  	s2 =	sld [smem:$0x3FAD]  }
0x29: {  	s4 =	sld [smem:$0x3FAF]  }
0x2a: {  	p0 =	seq.s32 s5, $0x0;
	s5 =	sld [smem:$0x3FB0]  }
0x2b: {  	s6 =	sld [smem:$0x3FB1]  }
0x2c: {  	s7 =	sld [smem:$0x3FB2]  }
0x2d: {  	s3 =	simm.s32 $0x108;
	s8 =	sld [smem:$0x3FB3]  }
0x2e: {  	s3 =	simm.s32 @!p0 $0x1082;
	s9 =	sld [smem:$0x3FB4]  }
0x2f: {  	lr =	sadd.s32 s0, s3;
	s0 =	sld [smem:$0x3FAB]  }
0x30: {  	s3 =	sld [smem:$0x3FAE]  }
0x31: {  	[smem:$0x3FB7] =	sst s10  }
0x32: {  	s10 =	sld [smem:$0x3FB5];
	_ =	sdelay $0x3  }
0x33: {  	p0 =	seq.s32 s10, $0x1;
	s10 =	sld [smem:$0x3FB7];
	_ =	sdelay $0x3  }
0x34: {  	[smem:$0x3FB7] =	sst s10  }
0x35: {  	s10 =	sld [smem:$0x3FB6];
	_ =	sdelay $0x3  }
0x36: {  	p1 =	seq.s32 s10, $0x1;
	s10 =	sld [smem:$0x3FB7];
	_ =	sdelay $0x3  }
0x37: {  	[smem:$0x3FB7] =	sst s10  }
0x38: {  	s10 =	sld [smem:$0x3FB8]  }
0x39: {  	_ = 	snop;
	(pc) =	sbr.ind lr, $3  }
0x3a: {  	_ = 	snop  }
0x3b: {  	_ = 	snop  }
0x3c: {  	p2 =	seq.s32 s10, $0x1;
	s10 =	sld [smem:$0x3FB7]  }
0x3d: {  	_ =	shalt  }
0x3e: {  	_ =	shalt  }
0x3f: {  	_ =	shalt  }
0x40: {  	_ =	shalt  }
0x41: {  	_ =	shalt  }
0x42: {  	_ =	shalt  }
0x43: {  	_ =	shalt  }
0x44: {  	_ =	shalt  }
0x45: {  	_ =	shalt  }
0x46: {  	_ =	shalt  }
0x47: {  	_ =	shalt  }
0x48: {  	_ =	shalt  }
0x49: {  	_ =	shalt  }
0x4a: {  	_ =	shalt  }
0x4b: {  	_ =	shalt  }
0x4c: {  	_ =	shalt  }
0x4d: {  	_ =	shalt  }
0x4e: {  	_ =	shalt  }
0x4f: {  	_ =	shalt  }
0x50: {  	_ =	shalt  }
0x51: {  	_ =	shalt  }
0x52: {  	_ =	shalt  }
0x53: {  	_ =	shalt  }
0x54: {  	_ =	shalt  }
0x55: {  	_ =	shalt  }
0x56: {  	_ =	shalt  }
0x57: {  	_ =	shalt  }
0x58: {  	_ =	shalt  }
0x59: {  	_ =	shalt  }
0x5a: {  	_ =	shalt  }
0x5b: {  	_ =	shalt  }
0x5c: {  	_ =	shalt  }
0x5d: {  	_ =	shalt  }
0x5e: {  	_ =	shalt  }
0x5f: {  	_ =	shalt  }
0x60: {  	_ =	shalt  }
0x61: {  	_ =	shalt  }
0x62: {  	_ =	shalt  }
0x63: {  	_ =	shalt  }
0x64: {  	_ =	shalt  }
0x65: {  	_ =	shalt  }
0x66: {  	_ =	shalt  }
0x67: {  	_ =	shalt  }
0x68: {  	_ =	shalt  }
0x69: {  	_ =	shalt  }
0x6a: {  	_ =	shalt  }
0x6b: {  	_ =	shalt  }
0x6c: {  	_ =	shalt  }
0x6d: {  	_ =	shalt  }
0x6e: {  	_ =	shalt  }
0x6f: {  	_ =	shalt  }
0x70: {  	_ =	shalt  }
0x71: {  	_ =	shalt  }
0x72: {  	_ =	shalt  }
0x73: {  	_ =	shalt  }
0x74: {  	_ =	shalt  }
0x75: {  	_ =	shalt  }
0x76: {  	_ =	shalt  }
0x77: {  	_ =	shalt  }
0x78: {  	_ =	shalt  }
0x79: {  	_ =	shalt  }
0x7a: {  	_ =	shalt  }
0x7b: {  	_ =	shalt  }
0x7c: {  	_ =	shalt  }
0x7d: {  	_ =	shalt  }
0x7e: {  	_ =	shalt  }
0x7f: {  	_ =	shalt  }
0x80: {  	_ =	shalt  }
0x81: {  	_ =	shalt  }
0x82: {  	_ =	shalt  }
0x83: {  	_ =	shalt  }
0x84: {  	_ =	shalt  }
0x85: {  	_ =	shalt  }
0x86: {  	_ =	shalt  }
0x87: {  	_ =	shalt  }
.Lfunc_end0:
.L_simem_size_0:
called_computation_lowered:
.L_overlay_start_0:
0x88: {  	s2 =	sld [smem:$0x3FD9]  }
0x89: {  	s3 =	sld [smem:$0x3FFE];
	_ =	sdelay $0x1  }
0x8a: {  	s1 =	srdreg.scid  }
0x8b: {  	s0 =	sand.u32 $0x1, s1  }
0x8c: {  	s17 =	sshll.u32 s0, $0xA;
	s2 =	sadd.s32 s3, s2  }
0x8d: {  	s2 =	sadd.s32 s2, s17  }
0x8e: {  	[smem:$0x3FC3] =	sst s2  }
0x8f: {  	_ = 	snop  }
0x90: {  	s2 =	sld [smem:$0x3FC6]  }
0x91: {  	s18 =	sld [smem:$0x3FC5]  }
0x92: {  	s4 =	sld [smem:$0x3FD0];
	(tm) =	ssettm $0x1  }
0x93: {  	s5 =	sld [smem:$0x3FFB];
	_ =	sdelay $0x3  }
0x94: {  	_ =	strace s5  }
0x95: {  	s5 =	sld [smem:$0x3FFC];
	_ =	sdelay $0x3  }
0x96: {  	_ =	strace s5  }
0x97: {  	s5 =	sld [smem:$0x3FFD];
	_ =	sdelay $0x3  }
0x98: {  	_ =	strace s5  }
0x99: {  	_ =	strace $0x8FFFFFFF  }
0x9a: {  	s19 =	sld [smem:$0x3FDB];
	_ =	sdelay $0x1  }
0x9b: {  	s6 =	simm.s32 $_scs_section_size  }
0x9c: {  	s7 =	simm.s32 $_size__tile_overlayer_lowered;
	s8 =	simm.s32 $_tile_overlayer_lowered  }
0x9d: {  	s22 =	simm.s32 $0x1BFF;
	s21 =	sshll.u32 s8, $0x1;
	s5 =	sadd.s32 s6, s19  }
0x9e: {  	s9 =	simm.s32 $0x0;
	s20 =	sshll.u32 s7, $0x1;
	s7 =	sadd.s32 s21, s5  }
0x9f: {  	[timem:s9], [sflag:s22] =	dma.local [hbm:s7], s20  }
0xa0: {  	_ =	swait.ge [sflag:s22], s20  }
0xa1: {  	s6 =	ssub.s32 $0x0, s20;
	[sflag:s22] =	ssyncset.done $0x0  }
0xa2: {  	[sflag:s22] =	ssyncadd.s32 s6;
	_ =	sdelay $0x1  }
0xa3: {  	s23 =	simm.s32 $0x1B8B  }
0xa4: {  	_ =	swait.ge [sflag:s23], $0x1  }
0xa5: {  	[sflag:s23] =	ssyncset.done $0x0  }
0xa6: {  	s25 =	simm.s32 $0x1B8E;
	s24 =	sld [smem:$0x3FFE];
	[sflag:s23] =	ssyncadd.s32 $0xFFFFFFFF  }
0xa7: {  	s26 =	simm.s32 $execute0_lowered;
	[smem:$0x3FD2] =	sst s25  }
0xa8: {  	s7 =	sshll.u32 s26, $0x1;
	_ =	strace $0x80000046;
	[dreg:$0x1] =	wrdreg $0xFFFFFFFF  }
0xa9: {  	s28 =	simm.s32 $_size_execute0_lowered;
	s5 =	sadd.s32 s5, s7;
	[dreg:$0x0] =	wrdreg $0x0  }
0xaa: {  	s7 =	sshll.u32 s28, $0x1;
	[dreg:$0x2] =	wrdreg s5  }
0xab: {  	[dreg:$0x3] =	wrdreg s7  }
0xac: {  	[dreg:$0x4] =	wrdreg $0xC0  }
0xad: {  	_ =	task [dreg:s9], $0x5FFFF  }
0xae: {  	[dreg:$0x1] =	wrdreg $0xFFFFFFFF  }
0xaf: {  	[dreg:$0x0] =	wrdreg $0x60  }
0xb0: {  	[dreg:$0x2] =	wrdreg s24  }
0xb1: {  	[dreg:$0x3] =	wrdreg s4  }
0xb2: {  	[dreg:$0x4] =	wrdreg s2  }
0xb3: {  	[dreg:$0x5] =	wrdreg s18  }
0xb4: {  	[dreg:$0x6] =	wrdreg $0x0  }
0xb5: {  	[dreg:$0x7] =	wrdreg $0x9  }
0xb6: {  	_ =	task.clear_ibuf [dreg:s9], $0x8FFFF;
	_ =	strace $0x90000046  }
0xb7: {  	s29 =	simm.s32 $0x9;
	_ =	strace $0x80000048  }
0xb8: {  	_ =	swait.ge [sflag:s29], $0x1  }
0xb9: {  	[sflag:s29] =	ssyncadd.s32 $0xFFFFFFFF  }
0xba: {  	_ =	strace $0x90000048  }
0xbb: {  	_ =	sfence  }
0xbc: {  	s30 =	sld [smem:$0x0];
	_ =	sdelay $0x2  }
0xbd: {  	s31 =	sshll.u32 s1, $0xD;
	s1 =	sshrl.u32 s1, $0x2  }
0xbe: {  	s3 =	sand.u32 $0x4000, s31;
	s1 =	sadd.s32 s1, s30  }
0xbf: {  	s0 =	sor.u32 s3, s0;
	s1 =	sshll.u32 s1, $0x11  }
0xc0: {  	s0 =	sor.u32 s1, s0  }
0xc1: {  	s0 =	sadd.s32 $0x8F2B, s0  }
0xc2: {  	[sflag:s0] =	ssyncadd.remote.s32 $0x1  }
0xc3: {  	_ =	sfence.sel $0xFFFF  }
0xc4: {  	[dreg:$0x0] =	wrdreg $0xFFFFFFFF;
	(pc) =	sbr.abs _section_cstart, $3  }
0xc5: {  	[dreg:$0x1] =	wrdreg $0xFFFFFFFF  }
0xc6: {  	_ =	task.clear_ibuf [dreg:s9], $0x2FFFF;
	_ =	strace $0x9FFFFFFF  }
0xc7: {  	(tm) =	ssettm $0x7FFFFFFF  }
tec
execute0_lowered:
.L_overlay_start_1:
0x0: {  	(tag) =	ssettag $0x1  }
0x1: {  	s3 =	rddreg [dreg:$0x0]  }
0x2: {  	s4 =	rddreg [dreg:$0x3]  }
0x3: {  	s0 =	srdreg.scid;
	s1 =	simm.s32 $0x0;
	s7 =	stileid.u32  }
0x4: {  	s28 =	simm.s32 $0x5;
	s29 =	simm.s32 $0x0;
	s0 =	sand.u32 $0x1, s0  }
0x5: {  	[smem:$0x7FF] =	sst s1;
	s5 =	smul.u32 $0xF440, s7;
	s7 =	sshll.u32 s7, $0x1  }
0x6: {  	s6 =	sadd.s32 $0xC00, s3;
	s2 =	ssub.s32 $0x2, s0;
	s7 =	sor.u32 s0, s7  }
0x7: {  	s8 =	sshrl.u32 s2, $0x1;
	s30 =	sshrl.u32 s5, $0x3;
	s31 =	sadd.s32 $0x1E88, s5  }
0x8: {  	s10 =	sadd.s32 $0x3D10, s5;
	s11 =	sadd.s32 $0x5B98, s5;
	s13 =	sadd.s32 $0x98A8, s5  }
0x9: {  	s24 =	sshll.u32 s7, $0x4;
	s0 =	ssub.s32 s2, s8;
	s9 =	sshrl.u32 s31, $0x3  }
0xa: {  	s8 =	sadd.s32 s4, s30;
	s12 =	sshrl.u32 s11, $0x3;
	s9 =	sadd.s32 s4, s9  }
0xb: {  	s14 =	sshrl.u32 s10, $0x3;
	s15 =	sadd.s32 s4, s12;
	[dreg:$0x7] =	wrdreg s9  }
0xc: {  	s9 =	sadd.s32 s4, s14;
	[dreg:$0x9] =	wrdreg s15;
	s14 =	sadd.s32 $0xB730, s5  }
0xd: {  	[dreg:$0x8] =	wrdreg s9;
	s9 =	sadd.s32 $0x7A20, s5;
	s15 =	sshrl.u32 s14, $0x3  }
0xe: {  	[dreg:$0x6] =	wrdreg s8;
	s16 =	sshrl.u32 s9, $0x3;
	s18 =	sadd.s32 s4, s15  }
0xf: {  	s2 =	sshll.u32 s7, $0x7;
	s12 =	sadd.s32 s4, s16;
	[dreg:$0xc] =	wrdreg s18  }
0x10: {  	s17 =	sshrl.u32 s13, $0x3;
	s16 =	sshll.u32 s7, $0xC;
	[dreg:$0xa] =	wrdreg s12  }
0x11: {  	s12 =	sadd.s32 s4, s17;
	s20 =	sadd.s32 s6, s16;
	s16 =	rddreg [dreg:$0x4]  }
0x12: {  	s18 =	sadd.s32 $0x20C00, s3;
	[dreg:$0xb] =	wrdreg s12;
	s12 =	sadd.s32 $0xD5B8, s5  }
0x13: {  	s17 =	sor.u32 $0x20, s2;
	[dreg:$0xe] =	wrdreg s20;
	s19 =	sshrl.u32 s12, $0x3  }
0x14: {  	s21 =	sshll.u32 s17, $0x5;
	s20 =	rddreg [dreg:$0x1];
	s4 =	sadd.s32 s4, s19  }
0x15: {  	s30 =	sadd.s32 s5, s16;
	[dreg:$0xd] =	wrdreg s4;
	s4 =	sadd.s32 s6, s21  }
0x16: {  	s31 =	sadd.s32 s31, s16;
	[dreg:$0xf] =	wrdreg s4;
	s4 =	sor.u32 $0x40, s2  }
0x17: {  	s5 =	sadd.s32 s10, s16;
	s19 =	sor.u32 $0x60, s2;
	s22 =	sshll.u32 s4, $0x5  }
0x18: {  	s8 =	sadd.s32 s9, s16;
	s23 =	sshll.u32 s19, $0x5;
	s15 =	sadd.s32 s6, s22  }
0x19: {  	s10 =	smul.u32 $0x1010, s7;
	s6 =	sadd.s32 s6, s23;
	[dreg:$0x10] =	wrdreg s15  }
0x1a: {  	s9 =	sadd.s32 s13, s16;
	s13 =	smul.u32 $0x101, s17;
	[dreg:$0x11] =	wrdreg s6  }
0x1b: {  	v1 =	vmov s17;
	s17 =	simm.s32 $0x2;
	_ =	strace $0x80000047;
	[dreg:$0x14] =	wrdreg s30  }
0x1c: {  	s12 =	sadd.s32 s12, s16;
	s21 =	sshrl.u32 s13, $0x3;
	[dreg:$0x15] =	wrdreg s31  }
0x1d: {  	s22 =	smul.u32 $0x101, s4;
	s23 =	sor.u32 $0x30, s2;
	[dreg:$0x16] =	wrdreg s5  }
0x1e: {  	v4 =	vmov s4;
	s4 =	smax.u32 s0, $0x1;
	s6 =	sadd.s32 s24, s3;
	[dreg:$0x18] =	wrdreg s8  }
0x1f: {  	s3 =	sadd.s32 s18, s10;
	s15 =	sor.u32 $0x10, s2;
	[dreg:$0x19] =	wrdreg s9  }
0x20: {  	v2 =	vmov s23;
	s24 =	sadd.s32 s20, s21;
	s23 =	simm.s32 $0x11740;
	[dreg:$0x1b] =	wrdreg s12  }
0x21: {  	s25 =	sadd.s32 $0xA00, s6;
	s26 =	sadd.s32 $0x800, s6;
	[dreg:$0x1d] =	wrdreg s3  }
0x22: {  	v6 =	vmov s19;
	s6 =	sadd.s32 s11, s16;
	s11 =	sadd.s32 s14, s16;
	[dreg:$0x1e] =	wrdreg s24  }
0x23: {  	v8 =	vlaneseq.u32;
	v6 =	vmul.u32 $0x101, v6;
	s14 =	sadd.s32 s20, s10;
	v0 =	vmov s15;
	s3 =	sadd.s32 s18, s21;
	[dreg:$0x12] =	wrdreg s25  }
0x24: {  	v8 =	vmul.u32 $0x101, v8;
	v3 =	vmov s2;
	s30 =	sshrl.u32 s22, $0x3;
	s8 =	simm.s32 $0x80;
	[dreg:$0x13] =	wrdreg s26;
	v0 =	vmul.u32 $0x101, v0  }
0x25: {  	v3 =	vmul.u32 $0x101, v3;
	v1 =	vmul.u32 $0x101, v1;
	v6 =	vbroadcast v6, $0x0;
	[dreg:$0x17] =	wrdreg s6;
	s26 =	sor.u32 $0x50, s2;
	s2 =	sor.u32 $0x70, s2  }
0x26: {  	s10 =	simm.s32 $0xF6C0;
	s15 =	simm.s32 $0x15740;
	[dreg:$0x1a] =	wrdreg s11;
	v5 =	vmov s26;
	v7 =	vmov s2;
	v9 =	vbroadcast v0, $0x0  }
0x27: {  	s21 =	simm.s32 $0xF740;
	s22 =	simm.s32 $0x2000;
	[dreg:$0x1c] =	wrdreg s14;
	v0 =	vmul.u32 $0x101, v2;
	v2 =	vbroadcast v1, $0x0;
	v1 =	vmul.u32 $0x101, v4  }
0x28: {  	v3 =	vbroadcast v3, $0x0;
	s24 =	simm.s32 $0x17740;
	s25 =	smul.u32 $0x101, s19;
	[dreg:$0x1f] =	wrdreg s3;
	v4 =	vmul.u32 $0x101, v5;
	v7 =	vmul.u32 $0x101, v7  }
0x29: {  	v6 =	vadd.s32 v8, v6;
	s13 =	sadd.s32 s20, s30;
	s12 =	sadd.s32 s18, s30;
	s6 =	simm.s32 $0x6;
	v5 =	vbroadcast v0, $0x0;
	v10 =	vbroadcast v1, $0x0  }
0x2a: {  	s14 =	simm.s32 $0xF640;
	s11 =	simm.s32 $0x13740;
	s19 =	simm.s32 $0x1;
	v0 =	vadd.s32 v8, v3;
	v11 =	vbroadcast v4, $0x0;
	v7 =	vbroadcast v7, $0x0  }
0x2b: {  	s26 =	simm.s32 $0x4;
	s31 =	sshrl.u32 s25, $0x3;
	s25 =	simm.s32 $0x197C0;
	v1 =	vadd.s32 v8, v9;
	v2 =	vadd.s32 v8, v2;
	v3 =	vadd.s32 v8, v5  }
0x2c: {  	s2 =	sadd.s32 s20, s31;
	s3 =	sadd.s32 s18, s31;
	s20 =	simm.s32 $0x3;
	v4 =	vadd.s32 v8, v10;
	v5 =	vadd.s32 v8, v11;
	v7 =	vadd.s32 v8, v7  }
.LBB2_1:
0x2d: {  	[tilespmem:$0xF640] =	vst v0  }
0x2e: {  	[tilespmem:$0xF650] =	vst v1  }
0x2f: {  	[tilespmem:$0xF660] =	vst v2  }
0x30: {  	[tilespmem:$0xF670] =	vst v3  }
0x31: {  	[tilespmem:$0xF680] =	vst v4  }
0x32: {  	[tilespmem:$0xF690] =	vst v5  }
0x33: {  	[tilespmem:$0xF6A0] =	vst v6  }
0x34: {  	[tilespmem:$0xF6B0] =	vst v7;
	s0 =	rddreg [dreg:$0x12];
	s5 =	simm.s32 $0xF440  }
0x35: {  	[tilespmem:s5], [sflag:$0x6] =	stream.linear.gather [hbm4b:s0+s1], $0x80, $0x38;
	[tilespmem:$0x1B840] =	vst v63  }
0x36: {  	_ =	swait.ge [sflag:s6], $0x80  }
0x37: {  	[sflag:s6] =	ssyncset.done $0x0  }
0x38: {  	s7 =	simm.s32 $0xF540;
	s9 =	rddreg [dreg:$0x13];
	[sflag:s6] =	ssyncadd.s32 $0xFFFFFF80  }
0x39: {  	[tilespmem:s7], [sflag:$0x6] =	stream.linear.gather [hbm4b:s9+s1], $0x80, $0x38;
	[tilespmem:$0x1B840] =	vst v63  }
0x3a: {  	_ =	swait.ge [sflag:s6], $0x80  }
0x3b: {  	[sflag:s6] =	ssyncset.done $0x0  }
0x3c: {  	[sflag:s6] =	ssyncadd.s32 $0xFFFFFF80  }
0x3d: {  	s9 =	simm.s32 $0xF4C0;
	s0 =	rddreg [dreg:$0x2]  }
0x3e: {  	[tilespmem:s9], [sflag:$0x3] =	stream.indirect.gather [hbm4b:s0+s8], $0x1, s5, s8, $0xb8;
	[tilespmem:$0x1B840] =	vst v63  }
0x3f: {  	s9 =	rddreg [dreg:$0x1]  }
0x40: {  	[tilespmem:s10], [sflag:$0x3] =	stream.indirect.gather [hbm4b:s9+s8], $0x1, s14, s8, $0xb8;
	[tilespmem:$0x1B840] =	vst v63  }
0x41: {  	s14 =	rddreg [dreg:$0x6]  }
0x42: {  	[tilespmem:s11], [sflag:$0x6] =	stream.linear.gather [hbm4b:s14+s1], $0x1E88, $0x38;
	[tilespmem:$0x1B840] =	vst v63  }
0x43: {  	_ =	swait.ge [sflag:s6], $0x1E88  }
0x44: {  	[sflag:s6] =	ssyncset.done $0x0  }
0x45: {  	s5 =	rddreg [dreg:$0x7];
	[sflag:s6] =	ssyncadd.s32 $0xFFFFE178  }
0x46: {  	[tilespmem:s15], [sflag:$0x2] =	stream.linear.gather [hbm4b:s5+s1], $0x1E88, $0x38;
	[tilespmem:$0x1B840] =	vst v63  }
0x47: {  	s9 =	rddreg [dreg:$0x14]  }
0x48: {  	[spmem:s9] =	stream.linear.scatter [tilespmem:s11], [sflag:$0x6], $0x1E88, $0x38;
	[tilespmem:$0x1B840] =	vst v63  }
0x49: {  	_ =	swait.ge [sflag:s6], $0x1E88  }
0x4a: {  	[sflag:s6] =	ssyncset.done $0x0  }
0x4b: {  	[sflag:s6] =	ssyncadd.s32 $0xFFFFE178  }
0x4c: {  	_ =	swait.ge [sflag:s17], $0x1E88  }
0x4d: {  	[sflag:s17] =	ssyncset.done $0x0  }
0x4e: {  	s14 =	rddreg [dreg:$0x8];
	[sflag:s17] =	ssyncadd.s32 $0xFFFFE178  }
0x4f: {  	[tilespmem:s11], [sflag:$0x1] =	stream.linear.gather [hbm4b:s14+s1], $0x1E88, $0x38;
	[tilespmem:$0x1B840] =	vst v63  }
0x50: {  	s5 =	rddreg [dreg:$0x15]  }
0x51: {  	[spmem:s5] =	stream.linear.scatter [tilespmem:s15], [sflag:$0x6], $0x1E88, $0x38;
	[tilespmem:$0x1B840] =	vst v63  }
0x52: {  	_ =	swait.ge [sflag:s6], $0x1E88  }
0x53: {  	[sflag:s6] =	ssyncset.done $0x0  }
0x54: {  	[sflag:s6] =	ssyncadd.s32 $0xFFFFE178  }
0x55: {  	_ =	swait.ge [sflag:s19], $0x1E88  }
0x56: {  	[sflag:s19] =	ssyncset.done $0x0  }
0x57: {  	s9 =	rddreg [dreg:$0x9];
	[sflag:s19] =	ssyncadd.s32 $0xFFFFE178  }
0x58: {  	[tilespmem:s15], [sflag:$0x2] =	stream.linear.gather [hbm4b:s9+s1], $0x1E88, $0x38;
	[tilespmem:$0x1B840] =	vst v63  }
0x59: {  	s14 =	rddreg [dreg:$0x16]  }
0x5a: {  	[spmem:s14] =	stream.linear.scatter [tilespmem:s11], [sflag:$0x6], $0x1E88, $0x38;
	[tilespmem:$0x1B840] =	vst v63  }
0x5b: {  	_ =	swait.ge [sflag:s6], $0x1E88  }
0x5c: {  	[sflag:s6] =	ssyncset.done $0x0  }
0x5d: {  	[sflag:s6] =	ssyncadd.s32 $0xFFFFE178  }
0x5e: {  	_ =	swait.ge [sflag:s17], $0x1E88  }
0x5f: {  	[sflag:s17] =	ssyncset.done $0x0  }
0x60: {  	s5 =	rddreg [dreg:$0xa];
	[sflag:s17] =	ssyncadd.s32 $0xFFFFE178  }
0x61: {  	[tilespmem:s11], [sflag:$0x1] =	stream.linear.gather [hbm4b:s5+s1], $0x1E88, $0x38;
	[tilespmem:$0x1B840] =	vst v63  }
0x62: {  	s9 =	rddreg [dreg:$0x17]  }
0x63: {  	[spmem:s9] =	stream.linear.scatter [tilespmem:s15], [sflag:$0x6], $0x1E88, $0x38;
	[tilespmem:$0x1B840] =	vst v63  }
0x64: {  	_ =	swait.ge [sflag:s6], $0x1E88  }
0x65: {  	[sflag:s6] =	ssyncset.done $0x0  }
0x66: {  	[sflag:s6] =	ssyncadd.s32 $0xFFFFE178  }
0x67: {  	_ =	swait.ge [sflag:s19], $0x1E88  }
0x68: {  	[sflag:s19] =	ssyncset.done $0x0  }
0x69: {  	s14 =	rddreg [dreg:$0xb];
	[sflag:s19] =	ssyncadd.s32 $0xFFFFE178  }
0x6a: {  	[tilespmem:s15], [sflag:$0x2] =	stream.linear.gather [hbm4b:s14+s1], $0x1E88, $0x38;
	[tilespmem:$0x1B840] =	vst v63  }
0x6b: {  	s5 =	rddreg [dreg:$0x18]  }
0x6c: {  	[spmem:s5] =	stream.linear.scatter [tilespmem:s11], [sflag:$0x6], $0x1E88, $0x38;
	[tilespmem:$0x1B840] =	vst v63  }
0x6d: {  	_ =	swait.ge [sflag:s6], $0x1E88  }
0x6e: {  	[sflag:s6] =	ssyncset.done $0x0  }
0x6f: {  	[sflag:s6] =	ssyncadd.s32 $0xFFFFE178  }
0x70: {  	_ =	swait.ge [sflag:s17], $0x1E88  }
0x71: {  	[sflag:s17] =	ssyncset.done $0x0  }
0x72: {  	s9 =	rddreg [dreg:$0xc];
	[sflag:s17] =	ssyncadd.s32 $0xFFFFE178  }
0x73: {  	[tilespmem:s11], [sflag:$0x1] =	stream.linear.gather [hbm4b:s9+s1], $0x1E88, $0x38;
	[tilespmem:$0x1B840] =	vst v63  }
0x74: {  	s14 =	rddreg [dreg:$0x19]  }
0x75: {  	[spmem:s14] =	stream.linear.scatter [tilespmem:s15], [sflag:$0x6], $0x1E88, $0x38;
	[tilespmem:$0x1B840] =	vst v63  }
0x76: {  	_ =	swait.ge [sflag:s6], $0x1E88  }
0x77: {  	[sflag:s6] =	ssyncset.done $0x0  }
0x78: {  	[sflag:s6] =	ssyncadd.s32 $0xFFFFE178  }
0x79: {  	_ =	swait.ge [sflag:s19], $0x1E88  }
0x7a: {  	[sflag:s19] =	ssyncset.done $0x0  }
0x7b: {  	s5 =	rddreg [dreg:$0xd];
	[sflag:s19] =	ssyncadd.s32 $0xFFFFE178  }
0x7c: {  	[tilespmem:s15], [sflag:$0x2] =	stream.linear.gather [hbm4b:s5+s1], $0x1E88, $0x38;
	[tilespmem:$0x1B840] =	vst v63  }
0x7d: {  	s9 =	rddreg [dreg:$0x1a]  }
0x7e: {  	[spmem:s9] =	stream.linear.scatter [tilespmem:s11], [sflag:$0x6], $0x1E88, $0x38;
	[tilespmem:$0x1B840] =	vst v63  }
0x7f: {  	_ =	swait.ge [sflag:s6], $0x1E88  }
0x80: {  	[sflag:s6] =	ssyncset.done $0x0  }
0x81: {  	[sflag:s6] =	ssyncadd.s32 $0xFFFFE178  }
0x82: {  	_ =	swait.ge [sflag:s17], $0x1E88  }
0x83: {  	[sflag:s17] =	ssyncset.done $0x0  }
0x84: {  	s14 =	rddreg [dreg:$0x1b];
	[sflag:s17] =	ssyncadd.s32 $0xFFFFE178  }
0x85: {  	[spmem:s14] =	stream.linear.scatter [tilespmem:s15], [sflag:$0x6], $0x1E88, $0x38;
	[tilespmem:$0x1B840] =	vst v63  }
0x86: {  	_ =	swait.ge [sflag:s6], $0x1E88  }
0x87: {  	[sflag:s6] =	ssyncset.done $0x0  }
0x88: {  	[sflag:s6] =	ssyncadd.s32 $0xFFFFE178  }
0x89: {  	[bflag:$0x0] =	sbarrier.arrive $0xFFFF  }
0x8a: {  	_ =	swait.ge [sflag:s20], $0x80  }
0x8b: {  	[sflag:s20] =	ssyncset.done $0x0  }
0x8c: {  	[sflag:s20] =	ssyncadd.s32 $0xFFFFFF80  }
0x8d: {  	_ =	swait.ge [sflag:s20], $0x80  }
0x8e: {  	[sflag:s20] =	ssyncset.done $0x0  }
0x8f: {  	s5 =	simm.s32 $0xF5C0;
	[sflag:s20] =	ssyncadd.s32 $0xFFFFFF80  }
0x90: {  	[tilespmem:s5], [sflag:$0x3] =	stream.indirect.gather [spmem:s16], $0x1, s7, s8, $0xb8;
	[tilespmem:$0x1B840] =	vst v63  }
0x91: {  	s7 =	rddreg [dreg:$0xe]  }
0x92: {  	[tilespmem:s21], [sflag:$0x6] =	stream.linear.gather [hbm4b:s7+s1], $0x2000, $0x38;
	[tilespmem:$0x1B840] =	vst v63  }
0x93: {  	_ =	swait.ge [sflag:s6], $0x2000  }
0x94: {  	[sflag:s6] =	ssyncset.done $0x0  }
0x95: {  	[sflag:s6] =	ssyncadd.s32 $0xFFFFE000  }
0x96: {  	[tilespmem:s11], [sflag:$0x1] =	stream.indirect.gather [spmem:s16], $0x1, s21, s22, $0xb8;
	[tilespmem:$0x1B840] =	vst v63  }
0x97: {  	s9 =	rddreg [dreg:$0xf]  }
0x98: {  	[tilespmem:s23], [sflag:$0x6] =	stream.linear.gather [hbm4b:s9+s1], $0x2000, $0x38;
	[tilespmem:$0x1B840] =	vst v63  }
0x99: {  	_ =	swait.ge [sflag:s6], $0x2000  }
0x9a: {  	[sflag:s6] =	ssyncset.done $0x0  }
0x9b: {  	[sflag:s6] =	ssyncadd.s32 $0xFFFFE000  }
0x9c: {  	[tilespmem:s15], [sflag:$0x2] =	stream.indirect.gather [spmem:s16], $0x1, s23, s22, $0xb8;
	[tilespmem:$0x1B840] =	vst v63  }
0x9d: {  	s14 =	rddreg [dreg:$0x1c]  }
0x9e: {  	[tilespmem:s24], [sflag:$0x6] =	stream.linear.gather [hbm4b:s14+s1], $0x2020, $0x38;
	[tilespmem:$0x1B840] =	vst v63  }
0x9f: {  	_ =	swait.ge [sflag:s6], $0x2020  }
0xa0: {  	[sflag:s6] =	ssyncset.done $0x0  }
0xa1: {  	[sflag:s6] =	ssyncadd.s32 $0xFFFFDFE0  }
0xa2: {  	_ =	swait.ge [sflag:s19], $0x2000  }
0xa3: {  	s31 =	simm.s32 $0x137C0;
	[sflag:s19] =	ssyncset.done $0x0  }
0xa4: {  	s30 =	simm.s32 $0x177C1;
	s5 =	simm.s32 $0x0;
	[sflag:s19] =	ssyncadd.s32 $0xFFFFE000  }
0xa5: {  	s7 =	simm.s32 $0x0;
	s9 =	sand.u32 $0x40, s1;
	s14 =	simm.s32 $0x1;
	v9 =	vld [tilespmem:s30+$0xFFFFFF80]  }
.LBB2_2:
0xa6: {  	p0 =	sne.s32 s14, $0x1F;
	s9 =	sshrl.u32 s9, $0x2;
	v10 =	vld [tilespmem:s31+$0xFFFFFF80];
	s0 =	smov.u32 s30  }
0xa7: {  	v8 =	vld [tilespmem:s9+$0xF4C0];
	_ =	sdelay $0x3  }
0xa8: {  	v11 =	vmov s5;
	s5 =	smov.u32 s14  }
0xa9: {  	v9 =	vadd.f32 v10, v9;
	v8 =	vperm.xlane v8, v11;
	_ =	sdelay $0x1  }
0xaa: {  	v9 =	vadd.f32 v9, v8;
	_ =	sdelay $0x1  }
0xab: {  	[tilespmem:s30+$0xFFFFFF80] =	vst v9;
	v9 =	vld [tilespmem:s30+$0xFFFFFF90]  }
0xac: {  	v10 =	vld [tilespmem:s31+$0xFFFFFF90];
	_ =	sdelay $0x4  }
0xad: {  	v9 =	vadd.f32 v10, v9;
	_ =	sdelay $0x1  }
0xae: {  	v9 =	vadd.f32 v9, v8;
	_ =	sdelay $0x1  }
0xaf: {  	[tilespmem:s30+$0xFFFFFF90] =	vst v9;
	v9 =	vld [tilespmem:s30+$0xFFFFFFA0]  }
0xb0: {  	v10 =	vld [tilespmem:s31+$0xFFFFFFA0];
	_ =	sdelay $0x4  }
0xb1: {  	v9 =	vadd.f32 v10, v9;
	_ =	sdelay $0x1  }
0xb2: {  	v9 =	vadd.f32 v9, v8;
	_ =	sdelay $0x1  }
0xb3: {  	[tilespmem:s30+$0xFFFFFFA0] =	vst v9;
	v9 =	vld [tilespmem:s30+$0xFFFFFFB0]  }
0xb4: {  	v10 =	vld [tilespmem:s31+$0xFFFFFFB0];
	_ =	sdelay $0x4  }
0xb5: {  	v9 =	vadd.f32 v10, v9;
	_ =	sdelay $0x1  }
0xb6: {  	v9 =	vadd.f32 v9, v8;
	_ =	sdelay $0x1  }
0xb7: {  	[tilespmem:s30+$0xFFFFFFB0] =	vst v9;
	v9 =	vld [tilespmem:s30+$0xFFFFFFC0]  }
0xb8: {  	v10 =	vld [tilespmem:s31+$0xFFFFFFC0];
	_ =	sdelay $0x4  }
0xb9: {  	v9 =	vadd.f32 v10, v9;
	_ =	sdelay $0x1  }
0xba: {  	v9 =	vadd.f32 v9, v8;
	_ =	sdelay $0x1  }
0xbb: {  	[tilespmem:s30+$0xFFFFFFC0] =	vst v9;
	v9 =	vld [tilespmem:s30+$0xFFFFFFD0]  }
0xbc: {  	v10 =	vld [tilespmem:s31+$0xFFFFFFD0];
	_ =	sdelay $0x4  }
0xbd: {  	v9 =	vadd.f32 v10, v9;
	_ =	sdelay $0x1  }
0xbe: {  	v9 =	vadd.f32 v9, v8;
	_ =	sdelay $0x1  }
0xbf: {  	[tilespmem:s30+$0xFFFFFFD0] =	vst v9;
	v9 =	vld [tilespmem:s30+$0xFFFFFFE0]  }
0xc0: {  	v10 =	vld [tilespmem:s31+$0xFFFFFFE0];
	_ =	sdelay $0x4  }
0xc1: {  	v9 =	vadd.f32 v10, v9;
	_ =	sdelay $0x1  }
0xc2: {  	v9 =	vadd.f32 v9, v8;
	_ =	sdelay $0x1  }
0xc3: {  	[tilespmem:s30+$0xFFFFFFE0] =	vst v9;
	v9 =	vld [tilespmem:s30+$0xFFFFFFF0]  }
0xc4: {  	v10 =	vld [tilespmem:s31+$0xFFFFFFF0];
	_ =	sdelay $0x4  }
0xc5: {  	v9 =	vadd.f32 v10, v9;
	_ =	sdelay $0x1  }
0xc6: {  	v9 =	vadd.f32 v9, v8;
	_ =	sdelay $0x1  }
0xc7: {  	[tilespmem:s30+$0xFFFFFFF0] =	vst v9;
	v9 =	vld [tilespmem:s30+$0x0]  }
0xc8: {  	v10 =	vld [tilespmem:s31+$0x0];
	_ =	sdelay $0x4  }
0xc9: {  	v9 =	vadd.f32 v10, v9;
	_ =	sdelay $0x1  }
0xca: {  	v9 =	vadd.f32 v9, v8;
	_ =	sdelay $0x1  }
0xcb: {  	[tilespmem:s30+$0x0] =	vst v9;
	v9 =	vld [tilespmem:s30+$0x10]  }
0xcc: {  	v10 =	vld [tilespmem:s31+$0x10];
	_ =	sdelay $0x4  }
0xcd: {  	v9 =	vadd.f32 v10, v9;
	_ =	sdelay $0x1  }
0xce: {  	v9 =	vadd.f32 v9, v8;
	_ =	sdelay $0x1  }
0xcf: {  	[tilespmem:s30+$0x10] =	vst v9;
	v9 =	vld [tilespmem:s30+$0x20]  }
0xd0: {  	v10 =	vld [tilespmem:s31+$0x20];
	_ =	sdelay $0x4  }
0xd1: {  	v9 =	vadd.f32 v10, v9;
	_ =	sdelay $0x1  }
0xd2: {  	v9 =	vadd.f32 v9, v8;
	_ =	sdelay $0x1  }
0xd3: {  	[tilespmem:s30+$0x20] =	vst v9;
	v9 =	vld [tilespmem:s30+$0x30]  }
0xd4: {  	v10 =	vld [tilespmem:s31+$0x30];
	_ =	sdelay $0x4  }
0xd5: {  	v9 =	vadd.f32 v10, v9;
	_ =	sdelay $0x1  }
0xd6: {  	v9 =	vadd.f32 v9, v8;
	_ =	sdelay $0x1  }
0xd7: {  	[tilespmem:s30+$0x30] =	vst v9;
	v9 =	vld [tilespmem:s30+$0x40]  }
0xd8: {  	v10 =	vld [tilespmem:s31+$0x40];
	_ =	sdelay $0x4  }
0xd9: {  	v9 =	vadd.f32 v10, v9;
	_ =	sdelay $0x1  }
0xda: {  	v9 =	vadd.f32 v9, v8;
	_ =	sdelay $0x1  }
0xdb: {  	[tilespmem:s30+$0x40] =	vst v9;
	v9 =	vld [tilespmem:s30+$0x50]  }
0xdc: {  	v10 =	vld [tilespmem:s31+$0x50];
	_ =	sdelay $0x4  }
0xdd: {  	v9 =	vadd.f32 v10, v9;
	_ =	sdelay $0x1  }
0xde: {  	v9 =	vadd.f32 v9, v8;
	_ =	sdelay $0x1  }
0xdf: {  	[tilespmem:s30+$0x50] =	vst v9;
	v9 =	vld [tilespmem:s30+$0x60]  }
0xe0: {  	v10 =	vld [tilespmem:s31+$0x60];
	_ =	sdelay $0x4  }
0xe1: {  	v9 =	vadd.f32 v10, v9;
	_ =	sdelay $0x1  }
0xe2: {  	v9 =	vadd.f32 v9, v8;
	_ =	sdelay $0x1  }
0xe3: {  	[tilespmem:s30+$0x60] =	vst v9;
	v9 =	vld [tilespmem:s30+$0x70]  }
0xe4: {  	v10 =	vld [tilespmem:s31+$0x70];
	_ =	sdelay $0x4  }
.Ltmp0:
0xe5: {  	v9 =	vadd.f32 v10, v9;
	(pc) =	sbr.rel @p0 .LBB2_2-.Ltmp0, $4  }
0xe6: {  	_ = 	snop  }
0xe7: {  	v8 =	vadd.f32 v9, v8  }
0xe8: {  	s7 =	sadd.s32 $0x4, s7;
	s30 =	sadd.s32 $0x101, s30  }
0xe9: {  	s14 =	sadd.s32 $0x1, s14;
	s9 =	sand.u32 $0x40, s7;
	s31 =	sadd.s32 $0x100, s31;
	v9 =	vld [tilespmem:s30+$0xFFFFFF80];
	[tilespmem:s0+$0x70] =	vst v8  }
0xea: {  	s0 =	sshrl.u32 s9, $0x2;
	v8 =	vld [tilespmem:s31+$0xFFFFFF80]  }
0xeb: {  	v10 =	vld [tilespmem:s0+$0xF4C0];
	_ =	sdelay $0x3  }
0xec: {  	v11 =	vmov s5  }
0xed: {  	v8 =	vadd.f32 v8, v9;
	v10 =	vperm.xlane v10, v11;
	_ =	sdelay $0x1  }
0xee: {  	v8 =	vadd.f32 v8, v10;
	_ =	sdelay $0x1  }
0xef: {  	[tilespmem:s30+$0xFFFFFF80] =	vst v8;
	v8 =	vld [tilespmem:s30+$0xFFFFFF90]  }
0xf0: {  	v9 =	vld [tilespmem:s31+$0xFFFFFF90];
	_ =	sdelay $0x4  }
0xf1: {  	v8 =	vadd.f32 v9, v8;
	_ =	sdelay $0x1  }
0xf2: {  	v8 =	vadd.f32 v8, v10;
	_ =	sdelay $0x1  }
0xf3: {  	[tilespmem:s30+$0xFFFFFF90] =	vst v8;
	v8 =	vld [tilespmem:s30+$0xFFFFFFA0]  }
0xf4: {  	v9 =	vld [tilespmem:s31+$0xFFFFFFA0];
	_ =	sdelay $0x4  }
0xf5: {  	v8 =	vadd.f32 v9, v8;
	_ =	sdelay $0x1  }
0xf6: {  	v8 =	vadd.f32 v8, v10;
	_ =	sdelay $0x1  }
0xf7: {  	[tilespmem:s30+$0xFFFFFFA0] =	vst v8;
	v8 =	vld [tilespmem:s30+$0xFFFFFFB0]  }
0xf8: {  	v9 =	vld [tilespmem:s31+$0xFFFFFFB0];
	_ =	sdelay $0x4  }
0xf9: {  	v8 =	vadd.f32 v9, v8;
	_ =	sdelay $0x1  }
0xfa: {  	v8 =	vadd.f32 v8, v10;
	_ =	sdelay $0x1  }
0xfb: {  	[tilespmem:s30+$0xFFFFFFB0] =	vst v8;
	v8 =	vld [tilespmem:s30+$0xFFFFFFC0]  }
0xfc: {  	v9 =	vld [tilespmem:s31+$0xFFFFFFC0];
	_ =	sdelay $0x4  }
0xfd: {  	v8 =	vadd.f32 v9, v8;
	_ =	sdelay $0x1  }
0xfe: {  	v8 =	vadd.f32 v8, v10;
	_ =	sdelay $0x1  }
0xff: {  	[tilespmem:s30+$0xFFFFFFC0] =	vst v8;
	v8 =	vld [tilespmem:s30+$0xFFFFFFD0]  }
0x100: {  	v9 =	vld [tilespmem:s31+$0xFFFFFFD0];
	_ =	sdelay $0x4  }
0x101: {  	v8 =	vadd.f32 v9, v8;
	_ =	sdelay $0x1  }
0x102: {  	v8 =	vadd.f32 v8, v10;
	_ =	sdelay $0x1  }
0x103: {  	[tilespmem:s30+$0xFFFFFFD0] =	vst v8;
	v8 =	vld [tilespmem:s30+$0xFFFFFFE0]  }
0x104: {  	v9 =	vld [tilespmem:s31+$0xFFFFFFE0];
	_ =	sdelay $0x4  }
0x105: {  	v8 =	vadd.f32 v9, v8;
	_ =	sdelay $0x1  }
0x106: {  	v8 =	vadd.f32 v8, v10;
	_ =	sdelay $0x1  }
0x107: {  	[tilespmem:s30+$0xFFFFFFE0] =	vst v8;
	v8 =	vld [tilespmem:s30+$0xFFFFFFF0]  }
0x108: {  	v9 =	vld [tilespmem:s31+$0xFFFFFFF0];
	_ =	sdelay $0x4  }
0x109: {  	v8 =	vadd.f32 v9, v8;
	_ =	sdelay $0x1  }
0x10a: {  	v8 =	vadd.f32 v8, v10;
	_ =	sdelay $0x1  }
0x10b: {  	[tilespmem:s30+$0xFFFFFFF0] =	vst v8;
	v8 =	vld [tilespmem:s30+$0x0]  }
0x10c: {  	v9 =	vld [tilespmem:s31+$0x0];
	_ =	sdelay $0x4  }
0x10d: {  	v8 =	vadd.f32 v9, v8;
	_ =	sdelay $0x1  }
0x10e: {  	v8 =	vadd.f32 v8, v10;
	_ =	sdelay $0x1  }
0x10f: {  	[tilespmem:s30+$0x0] =	vst v8;
	v8 =	vld [tilespmem:s30+$0x10]  }
0x110: {  	v9 =	vld [tilespmem:s31+$0x10];
	_ =	sdelay $0x4  }
0x111: {  	v8 =	vadd.f32 v9, v8;
	_ =	sdelay $0x1  }
0x112: {  	v8 =	vadd.f32 v8, v10;
	_ =	sdelay $0x1  }
0x113: {  	[tilespmem:s30+$0x10] =	vst v8;
	v8 =	vld [tilespmem:s30+$0x20]  }
0x114: {  	v9 =	vld [tilespmem:s31+$0x20];
	_ =	sdelay $0x4  }
0x115: {  	v8 =	vadd.f32 v9, v8;
	_ =	sdelay $0x1  }
0x116: {  	v8 =	vadd.f32 v8, v10;
	_ =	sdelay $0x1  }
0x117: {  	[tilespmem:s30+$0x20] =	vst v8;
	v8 =	vld [tilespmem:s30+$0x30]  }
0x118: {  	v9 =	vld [tilespmem:s31+$0x30];
	_ =	sdelay $0x4  }
0x119: {  	v8 =	vadd.f32 v9, v8;
	_ =	sdelay $0x1  }
0x11a: {  	v8 =	vadd.f32 v8, v10;
	_ =	sdelay $0x1  }
0x11b: {  	[tilespmem:s30+$0x30] =	vst v8;
	v8 =	vld [tilespmem:s30+$0x40]  }
0x11c: {  	v9 =	vld [tilespmem:s31+$0x40];
	_ =	sdelay $0x4  }
0x11d: {  	v8 =	vadd.f32 v9, v8;
	_ =	sdelay $0x1  }
0x11e: {  	v8 =	vadd.f32 v8, v10;
	_ =	sdelay $0x1  }
0x11f: {  	[tilespmem:s30+$0x40] =	vst v8;
	v8 =	vld [tilespmem:s30+$0x50]  }
0x120: {  	v9 =	vld [tilespmem:s31+$0x50];
	_ =	sdelay $0x4  }
0x121: {  	v8 =	vadd.f32 v9, v8;
	_ =	sdelay $0x1  }
0x122: {  	v8 =	vadd.f32 v8, v10;
	_ =	sdelay $0x1  }
0x123: {  	[tilespmem:s30+$0x50] =	vst v8;
	v8 =	vld [tilespmem:s30+$0x60]  }
0x124: {  	v9 =	vld [tilespmem:s31+$0x60];
	_ =	sdelay $0x4  }
0x125: {  	v8 =	vadd.f32 v9, v8;
	_ =	sdelay $0x1  }
0x126: {  	v8 =	vadd.f32 v8, v10;
	_ =	sdelay $0x1  }
0x127: {  	[tilespmem:s30+$0x60] =	vst v8;
	v8 =	vld [tilespmem:s30+$0x70]  }
0x128: {  	v9 =	vld [tilespmem:s31+$0x70];
	_ =	sdelay $0x4  }
0x129: {  	v8 =	vadd.f32 v9, v8;
	_ =	sdelay $0x1  }
0x12a: {  	v8 =	vadd.f32 v8, v10;
	_ =	sdelay $0x1  }
0x12b: {  	s5 =	simm.s32 $0x0;
	s7 =	rddreg [dreg:$0x1d];
	[tilespmem:s30+$0x70] =	vst v8  }
0x12c: {  	[hbm4b:s7+s5] =	stream.linear.scatter [tilespmem:s24], [sflag:$0x4], $0x2020, $0x38;
	[tilespmem:$0x1B840] =	vst v63  }
0x12d: {  	s9 =	rddreg [dreg:$0x10]  }
0x12e: {  	[tilespmem:s21], [sflag:$0x6] =	stream.linear.gather [hbm4b:s9+s5], $0x2000, $0x38;
	[tilespmem:$0x1B840] =	vst v63  }
0x12f: {  	_ =	swait.ge [sflag:s6], $0x2000  }
0x130: {  	[sflag:s6] =	ssyncset.done $0x0  }
0x131: {  	[sflag:s6] =	ssyncadd.s32 $0xFFFFE000  }
0x132: {  	[tilespmem:s11], [sflag:$0x1] =	stream.indirect.gather [spmem:s16], $0x1, s21, s22, $0xb8;
	[tilespmem:$0x1B840] =	vst v63  }
0x133: {  	s14 =	rddreg [dreg:$0x1e]  }
0x134: {  	[tilespmem:s25], [sflag:$0x6] =	stream.linear.gather [hbm4b:s14+s5], $0x2020, $0x38;
	[tilespmem:$0x1B840] =	vst v63  }
0x135: {  	_ =	swait.ge [sflag:s6], $0x2020  }
0x136: {  	[sflag:s6] =	ssyncset.done $0x0  }
0x137: {  	[sflag:s6] =	ssyncadd.s32 $0xFFFFDFE0  }
0x138: {  	_ =	swait.ge [sflag:s17], $0x2000  }
0x139: {  	[sflag:s17] =	ssyncset.done $0x0  }
0x13a: {  	s31 =	simm.s32 $0x157C0;
	s30 =	simm.s32 $0x19841;
	[sflag:s17] =	ssyncadd.s32 $0xFFFFE000  }
0x13b: {  	s7 =	simm.s32 $0x0;
	s9 =	sand.u32 $0x40, s5;
	s14 =	simm.s32 $0x1;
	v9 =	vld [tilespmem:s30+$0xFFFFFF80]  }
.LBB2_4:
0x13c: {  	p0 =	sne.s32 s14, $0x1F;
	s9 =	sshrl.u32 s9, $0x2;
	v10 =	vld [tilespmem:s31+$0xFFFFFF80];
	s0 =	smov.u32 s30  }
0x13d: {  	v8 =	vld [tilespmem:s9+$0xF4E0];
	_ =	sdelay $0x3  }
0x13e: {  	v11 =	vmov s5;
	s5 =	smov.u32 s14  }
0x13f: {  	v9 =	vadd.f32 v10, v9;
	v8 =	vperm.xlane v8, v11;
	_ =	sdelay $0x1  }
0x140: {  	v9 =	vadd.f32 v9, v8;
	_ =	sdelay $0x1  }
0x141: {  	[tilespmem:s30+$0xFFFFFF80] =	vst v9;
	v9 =	vld [tilespmem:s30+$0xFFFFFF90]  }
0x142: {  	v10 =	vld [tilespmem:s31+$0xFFFFFF90];
	_ =	sdelay $0x4  }
0x143: {  	v9 =	vadd.f32 v10, v9;
	_ =	sdelay $0x1  }
0x144: {  	v9 =	vadd.f32 v9, v8;
	_ =	sdelay $0x1  }
0x145: {  	[tilespmem:s30+$0xFFFFFF90] =	vst v9;
	v9 =	vld [tilespmem:s30+$0xFFFFFFA0]  }
0x146: {  	v10 =	vld [tilespmem:s31+$0xFFFFFFA0];
	_ =	sdelay $0x4  }
0x147: {  	v9 =	vadd.f32 v10, v9;
	_ =	sdelay $0x1  }
0x148: {  	v9 =	vadd.f32 v9, v8;
	_ =	sdelay $0x1  }
0x149: {  	[tilespmem:s30+$0xFFFFFFA0] =	vst v9;
	v9 =	vld [tilespmem:s30+$0xFFFFFFB0]  }
0x14a: {  	v10 =	vld [tilespmem:s31+$0xFFFFFFB0];
	_ =	sdelay $0x4  }
0x14b: {  	v9 =	vadd.f32 v10, v9;
	_ =	sdelay $0x1  }
0x14c: {  	v9 =	vadd.f32 v9, v8;
	_ =	sdelay $0x1  }
0x14d: {  	[tilespmem:s30+$0xFFFFFFB0] =	vst v9;
	v9 =	vld [tilespmem:s30+$0xFFFFFFC0]  }
0x14e: {  	v10 =	vld [tilespmem:s31+$0xFFFFFFC0];
	_ =	sdelay $0x4  }
0x14f: {  	v9 =	vadd.f32 v10, v9;
	_ =	sdelay $0x1  }
0x150: {  	v9 =	vadd.f32 v9, v8;
	_ =	sdelay $0x1  }
0x151: {  	[tilespmem:s30+$0xFFFFFFC0] =	vst v9;
	v9 =	vld [tilespmem:s30+$0xFFFFFFD0]  }
0x152: {  	v10 =	vld [tilespmem:s31+$0xFFFFFFD0];
	_ =	sdelay $0x4  }
0x153: {  	v9 =	vadd.f32 v10, v9;
	_ =	sdelay $0x1  }
0x154: {  	v9 =	vadd.f32 v9, v8;
	_ =	sdelay $0x1  }
0x155: {  	[tilespmem:s30+$0xFFFFFFD0] =	vst v9;
	v9 =	vld [tilespmem:s30+$0xFFFFFFE0]  }
0x156: {  	v10 =	vld [tilespmem:s31+$0xFFFFFFE0];
	_ =	sdelay $0x4  }
0x157: {  	v9 =	vadd.f32 v10, v9;
	_ =	sdelay $0x1  }
0x158: {  	v9 =	vadd.f32 v9, v8;
	_ =	sdelay $0x1  }
0x159: {  	[tilespmem:s30+$0xFFFFFFE0] =	vst v9;
	v9 =	vld [tilespmem:s30+$0xFFFFFFF0]  }
0x15a: {  	v10 =	vld [tilespmem:s31+$0xFFFFFFF0];
	_ =	sdelay $0x4  }
0x15b: {  	v9 =	vadd.f32 v10, v9;
	_ =	sdelay $0x1  }
0x15c: {  	v9 =	vadd.f32 v9, v8;
	_ =	sdelay $0x1  }
0x15d: {  	[tilespmem:s30+$0xFFFFFFF0] =	vst v9;
	v9 =	vld [tilespmem:s30+$0x0]  }
0x15e: {  	v10 =	vld [tilespmem:s31+$0x0];
	_ =	sdelay $0x4  }
0x15f: {  	v9 =	vadd.f32 v10, v9;
	_ =	sdelay $0x1  }
0x160: {  	v9 =	vadd.f32 v9, v8;
	_ =	sdelay $0x1  }
0x161: {  	[tilespmem:s30+$0x0] =	vst v9;
	v9 =	vld [tilespmem:s30+$0x10]  }
0x162: {  	v10 =	vld [tilespmem:s31+$0x10];
	_ =	sdelay $0x4  }
0x163: {  	v9 =	vadd.f32 v10, v9;
	_ =	sdelay $0x1  }
0x164: {  	v9 =	vadd.f32 v9, v8;
	_ =	sdelay $0x1  }
0x165: {  	[tilespmem:s30+$0x10] =	vst v9;
	v9 =	vld [tilespmem:s30+$0x20]  }
0x166: {  	v10 =	vld [tilespmem:s31+$0x20];
	_ =	sdelay $0x4  }
0x167: {  	v9 =	vadd.f32 v10, v9;
	_ =	sdelay $0x1  }
0x168: {  	v9 =	vadd.f32 v9, v8;
	_ =	sdelay $0x1  }
0x169: {  	[tilespmem:s30+$0x20] =	vst v9;
	v9 =	vld [tilespmem:s30+$0x30]  }
0x16a: {  	v10 =	vld [tilespmem:s31+$0x30];
	_ =	sdelay $0x4  }
0x16b: {  	v9 =	vadd.f32 v10, v9;
	_ =	sdelay $0x1  }
0x16c: {  	v9 =	vadd.f32 v9, v8;
	_ =	sdelay $0x1  }
0x16d: {  	[tilespmem:s30+$0x30] =	vst v9;
	v9 =	vld [tilespmem:s30+$0x40]  }
0x16e: {  	v10 =	vld [tilespmem:s31+$0x40];
	_ =	sdelay $0x4  }
0x16f: {  	v9 =	vadd.f32 v10, v9;
	_ =	sdelay $0x1  }
0x170: {  	v9 =	vadd.f32 v9, v8;
	_ =	sdelay $0x1  }
0x171: {  	[tilespmem:s30+$0x40] =	vst v9;
	v9 =	vld [tilespmem:s30+$0x50]  }
0x172: {  	v10 =	vld [tilespmem:s31+$0x50];
	_ =	sdelay $0x4  }
0x173: {  	v9 =	vadd.f32 v10, v9;
	_ =	sdelay $0x1  }
0x174: {  	v9 =	vadd.f32 v9, v8;
	_ =	sdelay $0x1  }
0x175: {  	[tilespmem:s30+$0x50] =	vst v9;
	v9 =	vld [tilespmem:s30+$0x60]  }
0x176: {  	v10 =	vld [tilespmem:s31+$0x60];
	_ =	sdelay $0x4  }
0x177: {  	v9 =	vadd.f32 v10, v9;
	_ =	sdelay $0x1  }
0x178: {  	v9 =	vadd.f32 v9, v8;
	_ =	sdelay $0x1  }
0x179: {  	[tilespmem:s30+$0x60] =	vst v9;
	v9 =	vld [tilespmem:s30+$0x70]  }
0x17a: {  	v10 =	vld [tilespmem:s31+$0x70];
	_ =	sdelay $0x4  }
.Ltmp1:
0x17b: {  	v9 =	vadd.f32 v10, v9;
	(pc) =	sbr.rel @p0 .LBB2_4-.Ltmp1, $4  }
0x17c: {  	_ = 	snop  }
0x17d: {  	v8 =	vadd.f32 v9, v8  }
0x17e: {  	s7 =	sadd.s32 $0x4, s7;
	s30 =	sadd.s32 $0x101, s30  }
0x17f: {  	s14 =	sadd.s32 $0x1, s14;
	s9 =	sand.u32 $0x40, s7;
	s31 =	sadd.s32 $0x100, s31;
	v9 =	vld [tilespmem:s30+$0xFFFFFF80];
	[tilespmem:s0+$0x70] =	vst v8  }
0x180: {  	s0 =	sshrl.u32 s9, $0x2;
	v8 =	vld [tilespmem:s31+$0xFFFFFF80]  }
0x181: {  	v10 =	vld [tilespmem:s0+$0xF4E0];
	_ =	sdelay $0x3  }
0x182: {  	v11 =	vmov s5  }
0x183: {  	v8 =	vadd.f32 v8, v9;
	v10 =	vperm.xlane v10, v11;
	_ =	sdelay $0x1  }
0x184: {  	v8 =	vadd.f32 v8, v10;
	_ =	sdelay $0x1  }
0x185: {  	[tilespmem:s30+$0xFFFFFF80] =	vst v8;
	v8 =	vld [tilespmem:s30+$0xFFFFFF90]  }
0x186: {  	v9 =	vld [tilespmem:s31+$0xFFFFFF90];
	_ =	sdelay $0x4  }
0x187: {  	v8 =	vadd.f32 v9, v8;
	_ =	sdelay $0x1  }
0x188: {  	v8 =	vadd.f32 v8, v10;
	_ =	sdelay $0x1  }
0x189: {  	[tilespmem:s30+$0xFFFFFF90] =	vst v8;
	v8 =	vld [tilespmem:s30+$0xFFFFFFA0]  }
0x18a: {  	v9 =	vld [tilespmem:s31+$0xFFFFFFA0];
	_ =	sdelay $0x4  }
0x18b: {  	v8 =	vadd.f32 v9, v8;
	_ =	sdelay $0x1  }
0x18c: {  	v8 =	vadd.f32 v8, v10;
	_ =	sdelay $0x1  }
0x18d: {  	[tilespmem:s30+$0xFFFFFFA0] =	vst v8;
	v8 =	vld [tilespmem:s30+$0xFFFFFFB0]  }
0x18e: {  	v9 =	vld [tilespmem:s31+$0xFFFFFFB0];
	_ =	sdelay $0x4  }
0x18f: {  	v8 =	vadd.f32 v9, v8;
	_ =	sdelay $0x1  }
0x190: {  	v8 =	vadd.f32 v8, v10;
	_ =	sdelay $0x1  }
0x191: {  	[tilespmem:s30+$0xFFFFFFB0] =	vst v8;
	v8 =	vld [tilespmem:s30+$0xFFFFFFC0]  }
0x192: {  	v9 =	vld [tilespmem:s31+$0xFFFFFFC0];
	_ =	sdelay $0x4  }
0x193: {  	v8 =	vadd.f32 v9, v8;
	_ =	sdelay $0x1  }
0x194: {  	v8 =	vadd.f32 v8, v10;
	_ =	sdelay $0x1  }
0x195: {  	[tilespmem:s30+$0xFFFFFFC0] =	vst v8;
	v8 =	vld [tilespmem:s30+$0xFFFFFFD0]  }
0x196: {  	v9 =	vld [tilespmem:s31+$0xFFFFFFD0];
	_ =	sdelay $0x4  }
0x197: {  	v8 =	vadd.f32 v9, v8;
	_ =	sdelay $0x1  }
0x198: {  	v8 =	vadd.f32 v8, v10;
	_ =	sdelay $0x1  }
0x199: {  	[tilespmem:s30+$0xFFFFFFD0] =	vst v8;
	v8 =	vld [tilespmem:s30+$0xFFFFFFE0]  }
0x19a: {  	v9 =	vld [tilespmem:s31+$0xFFFFFFE0];
	_ =	sdelay $0x4  }
0x19b: {  	v8 =	vadd.f32 v9, v8;
	_ =	sdelay $0x1  }
0x19c: {  	v8 =	vadd.f32 v8, v10;
	_ =	sdelay $0x1  }
0x19d: {  	[tilespmem:s30+$0xFFFFFFE0] =	vst v8;
	v8 =	vld [tilespmem:s30+$0xFFFFFFF0]  }
0x19e: {  	v9 =	vld [tilespmem:s31+$0xFFFFFFF0];
	_ =	sdelay $0x4  }
0x19f: {  	v8 =	vadd.f32 v9, v8;
	_ =	sdelay $0x1  }
0x1a0: {  	v8 =	vadd.f32 v8, v10;
	_ =	sdelay $0x1  }
0x1a1: {  	[tilespmem:s30+$0xFFFFFFF0] =	vst v8;
	v8 =	vld [tilespmem:s30+$0x0]  }
0x1a2: {  	v9 =	vld [tilespmem:s31+$0x0];
	_ =	sdelay $0x4  }
0x1a3: {  	v8 =	vadd.f32 v9, v8;
	_ =	sdelay $0x1  }
0x1a4: {  	v8 =	vadd.f32 v8, v10;
	_ =	sdelay $0x1  }
0x1a5: {  	[tilespmem:s30+$0x0] =	vst v8;
	v8 =	vld [tilespmem:s30+$0x10]  }
0x1a6: {  	v9 =	vld [tilespmem:s31+$0x10];
	_ =	sdelay $0x4  }
0x1a7: {  	v8 =	vadd.f32 v9, v8;
	_ =	sdelay $0x1  }
0x1a8: {  	v8 =	vadd.f32 v8, v10;
	_ =	sdelay $0x1  }
0x1a9: {  	[tilespmem:s30+$0x10] =	vst v8;
	v8 =	vld [tilespmem:s30+$0x20]  }
0x1aa: {  	v9 =	vld [tilespmem:s31+$0x20];
	_ =	sdelay $0x4  }
0x1ab: {  	v8 =	vadd.f32 v9, v8;
	_ =	sdelay $0x1  }
0x1ac: {  	v8 =	vadd.f32 v8, v10;
	_ =	sdelay $0x1  }
0x1ad: {  	[tilespmem:s30+$0x20] =	vst v8;
	v8 =	vld [tilespmem:s30+$0x30]  }
0x1ae: {  	v9 =	vld [tilespmem:s31+$0x30];
	_ =	sdelay $0x4  }
0x1af: {  	v8 =	vadd.f32 v9, v8;
	_ =	sdelay $0x1  }
0x1b0: {  	v8 =	vadd.f32 v8, v10;
	_ =	sdelay $0x1  }
0x1b1: {  	[tilespmem:s30+$0x30] =	vst v8;
	v8 =	vld [tilespmem:s30+$0x40]  }
0x1b2: {  	v9 =	vld [tilespmem:s31+$0x40];
	_ =	sdelay $0x4  }
0x1b3: {  	v8 =	vadd.f32 v9, v8;
	_ =	sdelay $0x1  }
0x1b4: {  	v8 =	vadd.f32 v8, v10;
	_ =	sdelay $0x1  }
0x1b5: {  	[tilespmem:s30+$0x40] =	vst v8;
	v8 =	vld [tilespmem:s30+$0x50]  }
0x1b6: {  	v9 =	vld [tilespmem:s31+$0x50];
	_ =	sdelay $0x4  }
0x1b7: {  	v8 =	vadd.f32 v9, v8;
	_ =	sdelay $0x1  }
0x1b8: {  	v8 =	vadd.f32 v8, v10;
	_ =	sdelay $0x1  }
0x1b9: {  	[tilespmem:s30+$0x50] =	vst v8;
	v8 =	vld [tilespmem:s30+$0x60]  }
0x1ba: {  	v9 =	vld [tilespmem:s31+$0x60];
	_ =	sdelay $0x4  }
0x1bb: {  	v8 =	vadd.f32 v9, v8;
	_ =	sdelay $0x1  }
0x1bc: {  	v8 =	vadd.f32 v8, v10;
	_ =	sdelay $0x1  }
0x1bd: {  	[tilespmem:s30+$0x60] =	vst v8;
	v8 =	vld [tilespmem:s30+$0x70]  }
0x1be: {  	v9 =	vld [tilespmem:s31+$0x70];
	_ =	sdelay $0x4  }
0x1bf: {  	v8 =	vadd.f32 v9, v8;
	_ =	sdelay $0x1  }
0x1c0: {  	v8 =	vadd.f32 v8, v10;
	_ =	sdelay $0x1  }
0x1c1: {  	s5 =	simm.s32 $0x0;
	s9 =	rddreg [dreg:$0x1f];
	[tilespmem:s30+$0x70] =	vst v8  }
0x1c2: {  	[hbm4b:s9+s5] =	stream.linear.scatter [tilespmem:s25], [sflag:$0x5], $0x2020, $0x38;
	[tilespmem:$0x1B840] =	vst v63  }
0x1c3: {  	s14 =	rddreg [dreg:$0x11]  }
0x1c4: {  	[tilespmem:s23], [sflag:$0x6] =	stream.linear.gather [hbm4b:s14+s5], $0x2000, $0x38;
	[tilespmem:$0x1B840] =	vst v63  }
0x1c5: {  	_ =	swait.ge [sflag:s6], $0x2000  }
0x1c6: {  	[sflag:s6] =	ssyncset.done $0x0  }
0x1c7: {  	[sflag:s6] =	ssyncadd.s32 $0xFFFFE000  }
0x1c8: {  	[tilespmem:s15], [sflag:$0x2] =	stream.indirect.gather [spmem:s16], $0x1, s23, s22, $0xb8;
	[tilespmem:$0x1B840] =	vst v63  }
0x1c9: {  	_ =	swait.ge [sflag:s26], $0x2020  }
0x1ca: {  	[sflag:s26] =	ssyncset.done $0x0  }
0x1cb: {  	[sflag:s26] =	ssyncadd.s32 $0xFFFFDFE0  }
0x1cc: {  	[tilespmem:s24], [sflag:$0x6] =	stream.linear.gather [hbm4b:s13+s5], $0x2020, $0x38;
	[tilespmem:$0x1B840] =	vst v63  }
0x1cd: {  	_ =	swait.ge [sflag:s6], $0x2020  }
0x1ce: {  	[sflag:s6] =	ssyncset.done $0x0  }
0x1cf: {  	[sflag:s6] =	ssyncadd.s32 $0xFFFFDFE0  }
0x1d0: {  	_ =	swait.ge [sflag:s19], $0x2000  }
0x1d1: {  	[sflag:s19] =	ssyncset.done $0x0  }
0x1d2: {  	s7 =	simm.s32 $0x0;
	s30 =	simm.s32 $0x177C1;
	[sflag:s19] =	ssyncadd.s32 $0xFFFFE000  }
0x1d3: {  	s31 =	simm.s32 $0x137C0;
	s9 =	sand.u32 $0x40, s5;
	s14 =	simm.s32 $0x1;
	v9 =	vld [tilespmem:s30+$0xFFFFFF80]  }
.LBB2_6:
0x1d4: {  	p0 =	sne.s32 s14, $0x1F;
	s9 =	sshrl.u32 s9, $0x2;
	v10 =	vld [tilespmem:s31+$0xFFFFFF80];
	s0 =	smov.u32 s30  }
0x1d5: {  	v8 =	vld [tilespmem:s9+$0xF500];
	_ =	sdelay $0x3  }
0x1d6: {  	v11 =	vmov s5;
	s5 =	smov.u32 s14  }
0x1d7: {  	v9 =	vadd.f32 v10, v9;
	v8 =	vperm.xlane v8, v11;
	_ =	sdelay $0x1  }
0x1d8: {  	v9 =	vadd.f32 v9, v8;
	_ =	sdelay $0x1  }
0x1d9: {  	[tilespmem:s30+$0xFFFFFF80] =	vst v9;
	v9 =	vld [tilespmem:s30+$0xFFFFFF90]  }
0x1da: {  	v10 =	vld [tilespmem:s31+$0xFFFFFF90];
	_ =	sdelay $0x4  }
0x1db: {  	v9 =	vadd.f32 v10, v9;
	_ =	sdelay $0x1  }
0x1dc: {  	v9 =	vadd.f32 v9, v8;
	_ =	sdelay $0x1  }
0x1dd: {  	[tilespmem:s30+$0xFFFFFF90] =	vst v9;
	v9 =	vld [tilespmem:s30+$0xFFFFFFA0]  }
0x1de: {  	v10 =	vld [tilespmem:s31+$0xFFFFFFA0];
	_ =	sdelay $0x4  }
0x1df: {  	v9 =	vadd.f32 v10, v9;
	_ =	sdelay $0x1  }
0x1e0: {  	v9 =	vadd.f32 v9, v8;
	_ =	sdelay $0x1  }
0x1e1: {  	[tilespmem:s30+$0xFFFFFFA0] =	vst v9;
	v9 =	vld [tilespmem:s30+$0xFFFFFFB0]  }
0x1e2: {  	v10 =	vld [tilespmem:s31+$0xFFFFFFB0];
	_ =	sdelay $0x4  }
0x1e3: {  	v9 =	vadd.f32 v10, v9;
	_ =	sdelay $0x1  }
0x1e4: {  	v9 =	vadd.f32 v9, v8;
	_ =	sdelay $0x1  }
0x1e5: {  	[tilespmem:s30+$0xFFFFFFB0] =	vst v9;
	v9 =	vld [tilespmem:s30+$0xFFFFFFC0]  }
0x1e6: {  	v10 =	vld [tilespmem:s31+$0xFFFFFFC0];
	_ =	sdelay $0x4  }
0x1e7: {  	v9 =	vadd.f32 v10, v9;
	_ =	sdelay $0x1  }
0x1e8: {  	v9 =	vadd.f32 v9, v8;
	_ =	sdelay $0x1  }
0x1e9: {  	[tilespmem:s30+$0xFFFFFFC0] =	vst v9;
	v9 =	vld [tilespmem:s30+$0xFFFFFFD0]  }
0x1ea: {  	v10 =	vld [tilespmem:s31+$0xFFFFFFD0];
	_ =	sdelay $0x4  }
0x1eb: {  	v9 =	vadd.f32 v10, v9;
	_ =	sdelay $0x1  }
0x1ec: {  	v9 =	vadd.f32 v9, v8;
	_ =	sdelay $0x1  }
0x1ed: {  	[tilespmem:s30+$0xFFFFFFD0] =	vst v9;
	v9 =	vld [tilespmem:s30+$0xFFFFFFE0]  }
0x1ee: {  	v10 =	vld [tilespmem:s31+$0xFFFFFFE0];
	_ =	sdelay $0x4  }
0x1ef: {  	v9 =	vadd.f32 v10, v9;
	_ =	sdelay $0x1  }
0x1f0: {  	v9 =	vadd.f32 v9, v8;
	_ =	sdelay $0x1  }
0x1f1: {  	[tilespmem:s30+$0xFFFFFFE0] =	vst v9;
	v9 =	vld [tilespmem:s30+$0xFFFFFFF0]  }
0x1f2: {  	v10 =	vld [tilespmem:s31+$0xFFFFFFF0];
	_ =	sdelay $0x4  }
0x1f3: {  	v9 =	vadd.f32 v10, v9;
	_ =	sdelay $0x1  }
0x1f4: {  	v9 =	vadd.f32 v9, v8;
	_ =	sdelay $0x1  }
0x1f5: {  	[tilespmem:s30+$0xFFFFFFF0] =	vst v9;
	v9 =	vld [tilespmem:s30+$0x0]  }
0x1f6: {  	v10 =	vld [tilespmem:s31+$0x0];
	_ =	sdelay $0x4  }
0x1f7: {  	v9 =	vadd.f32 v10, v9;
	_ =	sdelay $0x1  }
0x1f8: {  	v9 =	vadd.f32 v9, v8;
	_ =	sdelay $0x1  }
0x1f9: {  	[tilespmem:s30+$0x0] =	vst v9;
	v9 =	vld [tilespmem:s30+$0x10]  }
0x1fa: {  	v10 =	vld [tilespmem:s31+$0x10];
	_ =	sdelay $0x4  }
0x1fb: {  	v9 =	vadd.f32 v10, v9;
	_ =	sdelay $0x1  }
0x1fc: {  	v9 =	vadd.f32 v9, v8;
	_ =	sdelay $0x1  }
0x1fd: {  	[tilespmem:s30+$0x10] =	vst v9;
	v9 =	vld [tilespmem:s30+$0x20]  }
0x1fe: {  	v10 =	vld [tilespmem:s31+$0x20];
	_ =	sdelay $0x4  }
0x1ff: {  	v9 =	vadd.f32 v10, v9;
	_ =	sdelay $0x1  }
0x200: {  	v9 =	vadd.f32 v9, v8;
	_ =	sdelay $0x1  }
0x201: {  	[tilespmem:s30+$0x20] =	vst v9;
	v9 =	vld [tilespmem:s30+$0x30]  }
0x202: {  	v10 =	vld [tilespmem:s31+$0x30];
	_ =	sdelay $0x4  }
0x203: {  	v9 =	vadd.f32 v10, v9;
	_ =	sdelay $0x1  }
0x204: {  	v9 =	vadd.f32 v9, v8;
	_ =	sdelay $0x1  }
0x205: {  	[tilespmem:s30+$0x30] =	vst v9;
	v9 =	vld [tilespmem:s30+$0x40]  }
0x206: {  	v10 =	vld [tilespmem:s31+$0x40];
	_ =	sdelay $0x4  }
0x207: {  	v9 =	vadd.f32 v10, v9;
	_ =	sdelay $0x1  }
0x208: {  	v9 =	vadd.f32 v9, v8;
	_ =	sdelay $0x1  }
0x209: {  	[tilespmem:s30+$0x40] =	vst v9;
	v9 =	vld [tilespmem:s30+$0x50]  }
0x20a: {  	v10 =	vld [tilespmem:s31+$0x50];
	_ =	sdelay $0x4  }
0x20b: {  	v9 =	vadd.f32 v10, v9;
	_ =	sdelay $0x1  }
0x20c: {  	v9 =	vadd.f32 v9, v8;
	_ =	sdelay $0x1  }
0x20d: {  	[tilespmem:s30+$0x50] =	vst v9;
	v9 =	vld [tilespmem:s30+$0x60]  }
0x20e: {  	v10 =	vld [tilespmem:s31+$0x60];
	_ =	sdelay $0x4  }
0x20f: {  	v9 =	vadd.f32 v10, v9;
	_ =	sdelay $0x1  }
0x210: {  	v9 =	vadd.f32 v9, v8;
	_ =	sdelay $0x1  }
0x211: {  	[tilespmem:s30+$0x60] =	vst v9;
	v9 =	vld [tilespmem:s30+$0x70]  }
0x212: {  	v10 =	vld [tilespmem:s31+$0x70];
	_ =	sdelay $0x4  }
.Ltmp2:
0x213: {  	v9 =	vadd.f32 v10, v9;
	(pc) =	sbr.rel @p0 .LBB2_6-.Ltmp2, $4  }
0x214: {  	_ = 	snop  }
0x215: {  	v8 =	vadd.f32 v9, v8  }
0x216: {  	s7 =	sadd.s32 $0x4, s7;
	s30 =	sadd.s32 $0x101, s30  }
0x217: {  	s14 =	sadd.s32 $0x1, s14;
	s9 =	sand.u32 $0x40, s7;
	s31 =	sadd.s32 $0x100, s31;
	v9 =	vld [tilespmem:s30+$0xFFFFFF80];
	[tilespmem:s0+$0x70] =	vst v8  }
0x218: {  	s0 =	sshrl.u32 s9, $0x2;
	v8 =	vld [tilespmem:s31+$0xFFFFFF80]  }
0x219: {  	v10 =	vld [tilespmem:s0+$0xF500];
	_ =	sdelay $0x3  }
0x21a: {  	v11 =	vmov s5  }
0x21b: {  	v8 =	vadd.f32 v8, v9;
	v10 =	vperm.xlane v10, v11;
	_ =	sdelay $0x1  }
0x21c: {  	v8 =	vadd.f32 v8, v10;
	_ =	sdelay $0x1  }
0x21d: {  	[tilespmem:s30+$0xFFFFFF80] =	vst v8;
	v8 =	vld [tilespmem:s30+$0xFFFFFF90]  }
0x21e: {  	v9 =	vld [tilespmem:s31+$0xFFFFFF90];
	_ =	sdelay $0x4  }
0x21f: {  	v8 =	vadd.f32 v9, v8;
	_ =	sdelay $0x1  }
0x220: {  	v8 =	vadd.f32 v8, v10;
	_ =	sdelay $0x1  }
0x221: {  	[tilespmem:s30+$0xFFFFFF90] =	vst v8;
	v8 =	vld [tilespmem:s30+$0xFFFFFFA0]  }
0x222: {  	v9 =	vld [tilespmem:s31+$0xFFFFFFA0];
	_ =	sdelay $0x4  }
0x223: {  	v8 =	vadd.f32 v9, v8;
	_ =	sdelay $0x1  }
0x224: {  	v8 =	vadd.f32 v8, v10;
	_ =	sdelay $0x1  }
0x225: {  	[tilespmem:s30+$0xFFFFFFA0] =	vst v8;
	v8 =	vld [tilespmem:s30+$0xFFFFFFB0]  }
0x226: {  	v9 =	vld [tilespmem:s31+$0xFFFFFFB0];
	_ =	sdelay $0x4  }
0x227: {  	v8 =	vadd.f32 v9, v8;
	_ =	sdelay $0x1  }
0x228: {  	v8 =	vadd.f32 v8, v10;
	_ =	sdelay $0x1  }
0x229: {  	[tilespmem:s30+$0xFFFFFFB0] =	vst v8;
	v8 =	vld [tilespmem:s30+$0xFFFFFFC0]  }
0x22a: {  	v9 =	vld [tilespmem:s31+$0xFFFFFFC0];
	_ =	sdelay $0x4  }
0x22b: {  	v8 =	vadd.f32 v9, v8;
	_ =	sdelay $0x1  }
0x22c: {  	v8 =	vadd.f32 v8, v10;
	_ =	sdelay $0x1  }
0x22d: {  	[tilespmem:s30+$0xFFFFFFC0] =	vst v8;
	v8 =	vld [tilespmem:s30+$0xFFFFFFD0]  }
0x22e: {  	v9 =	vld [tilespmem:s31+$0xFFFFFFD0];
	_ =	sdelay $0x4  }
0x22f: {  	v8 =	vadd.f32 v9, v8;
	_ =	sdelay $0x1  }
0x230: {  	v8 =	vadd.f32 v8, v10;
	_ =	sdelay $0x1  }
0x231: {  	[tilespmem:s30+$0xFFFFFFD0] =	vst v8;
	v8 =	vld [tilespmem:s30+$0xFFFFFFE0]  }
0x232: {  	v9 =	vld [tilespmem:s31+$0xFFFFFFE0];
	_ =	sdelay $0x4  }
0x233: {  	v8 =	vadd.f32 v9, v8;
	_ =	sdelay $0x1  }
0x234: {  	v8 =	vadd.f32 v8, v10;
	_ =	sdelay $0x1  }
0x235: {  	[tilespmem:s30+$0xFFFFFFE0] =	vst v8;
	v8 =	vld [tilespmem:s30+$0xFFFFFFF0]  }
0x236: {  	v9 =	vld [tilespmem:s31+$0xFFFFFFF0];
	_ =	sdelay $0x4  }
0x237: {  	v8 =	vadd.f32 v9, v8;
	_ =	sdelay $0x1  }
0x238: {  	v8 =	vadd.f32 v8, v10;
	_ =	sdelay $0x1  }
0x239: {  	[tilespmem:s30+$0xFFFFFFF0] =	vst v8;
	v8 =	vld [tilespmem:s30+$0x0]  }
0x23a: {  	v9 =	vld [tilespmem:s31+$0x0];
	_ =	sdelay $0x4  }
0x23b: {  	v8 =	vadd.f32 v9, v8;
	_ =	sdelay $0x1  }
0x23c: {  	v8 =	vadd.f32 v8, v10;
	_ =	sdelay $0x1  }
0x23d: {  	[tilespmem:s30+$0x0] =	vst v8;
	v8 =	vld [tilespmem:s30+$0x10]  }
0x23e: {  	v9 =	vld [tilespmem:s31+$0x10];
	_ =	sdelay $0x4  }
0x23f: {  	v8 =	vadd.f32 v9, v8;
	_ =	sdelay $0x1  }
0x240: {  	v8 =	vadd.f32 v8, v10;
	_ =	sdelay $0x1  }
0x241: {  	[tilespmem:s30+$0x10] =	vst v8;
	v8 =	vld [tilespmem:s30+$0x20]  }
0x242: {  	v9 =	vld [tilespmem:s31+$0x20];
	_ =	sdelay $0x4  }
0x243: {  	v8 =	vadd.f32 v9, v8;
	_ =	sdelay $0x1  }
0x244: {  	v8 =	vadd.f32 v8, v10;
	_ =	sdelay $0x1  }
0x245: {  	[tilespmem:s30+$0x20] =	vst v8;
	v8 =	vld [tilespmem:s30+$0x30]  }
0x246: {  	v9 =	vld [tilespmem:s31+$0x30];
	_ =	sdelay $0x4  }
0x247: {  	v8 =	vadd.f32 v9, v8;
	_ =	sdelay $0x1  }
0x248: {  	v8 =	vadd.f32 v8, v10;
	_ =	sdelay $0x1  }
0x249: {  	[tilespmem:s30+$0x30] =	vst v8;
	v8 =	vld [tilespmem:s30+$0x40]  }
0x24a: {  	v9 =	vld [tilespmem:s31+$0x40];
	_ =	sdelay $0x4  }
0x24b: {  	v8 =	vadd.f32 v9, v8;
	_ =	sdelay $0x1  }
0x24c: {  	v8 =	vadd.f32 v8, v10;
	_ =	sdelay $0x1  }
0x24d: {  	[tilespmem:s30+$0x40] =	vst v8;
	v8 =	vld [tilespmem:s30+$0x50]  }
0x24e: {  	v9 =	vld [tilespmem:s31+$0x50];
	_ =	sdelay $0x4  }
0x24f: {  	v8 =	vadd.f32 v9, v8;
	_ =	sdelay $0x1  }
0x250: {  	v8 =	vadd.f32 v8, v10;
	_ =	sdelay $0x1  }
0x251: {  	[tilespmem:s30+$0x50] =	vst v8;
	v8 =	vld [tilespmem:s30+$0x60]  }
0x252: {  	v9 =	vld [tilespmem:s31+$0x60];
	_ =	sdelay $0x4  }
0x253: {  	v8 =	vadd.f32 v9, v8;
	_ =	sdelay $0x1  }
0x254: {  	v8 =	vadd.f32 v8, v10;
	_ =	sdelay $0x1  }
0x255: {  	[tilespmem:s30+$0x60] =	vst v8;
	v8 =	vld [tilespmem:s30+$0x70]  }
0x256: {  	v9 =	vld [tilespmem:s31+$0x70];
	_ =	sdelay $0x4  }
0x257: {  	v8 =	vadd.f32 v9, v8;
	_ =	sdelay $0x1  }
0x258: {  	v8 =	vadd.f32 v8, v10;
	_ =	sdelay $0x1  }
0x259: {  	s5 =	simm.s32 $0x0;
	[tilespmem:s30+$0x70] =	vst v8  }
0x25a: {  	[hbm4b:s12+s5] =	stream.linear.scatter [tilespmem:s24], [sflag:$0x4], $0x2020, $0x38;
	[tilespmem:$0x1B840] =	vst v63  }
0x25b: {  	_ =	swait.ge [sflag:s28], $0x2020  }
0x25c: {  	[sflag:s28] =	ssyncset.done $0x0  }
0x25d: {  	[sflag:s28] =	ssyncadd.s32 $0xFFFFDFE0  }
0x25e: {  	[tilespmem:s25], [sflag:$0x6] =	stream.linear.gather [hbm4b:s2+s5], $0x2020, $0x38;
	[tilespmem:$0x1B840] =	vst v63  }
0x25f: {  	_ =	swait.ge [sflag:s6], $0x2020  }
0x260: {  	[sflag:s6] =	ssyncset.done $0x0  }
0x261: {  	[sflag:s6] =	ssyncadd.s32 $0xFFFFDFE0  }
0x262: {  	_ =	swait.ge [sflag:s17], $0x2000  }
0x263: {  	[sflag:s17] =	ssyncset.done $0x0  }
0x264: {  	s14 =	simm.s32 $0x1;
	s30 =	simm.s32 $0x19841;
	[sflag:s17] =	ssyncadd.s32 $0xFFFFE000  }
0x265: {  	s7 =	simm.s32 $0x0;
	s9 =	sand.u32 $0x40, s5;
	s31 =	simm.s32 $0x157C0;
	v9 =	vld [tilespmem:s30+$0xFFFFFF80]  }
.LBB2_8:
0x266: {  	p0 =	sne.s32 s14, $0x1F;
	s9 =	sshrl.u32 s9, $0x2;
	v10 =	vld [tilespmem:s31+$0xFFFFFF80];
	s0 =	smov.u32 s30  }
0x267: {  	v8 =	vld [tilespmem:s9+$0xF520];
	_ =	sdelay $0x3  }
0x268: {  	v11 =	vmov s5;
	s5 =	smov.u32 s14  }
0x269: {  	v9 =	vadd.f32 v10, v9;
	v8 =	vperm.xlane v8, v11;
	_ =	sdelay $0x1  }
0x26a: {  	v9 =	vadd.f32 v9, v8;
	_ =	sdelay $0x1  }
0x26b: {  	[tilespmem:s30+$0xFFFFFF80] =	vst v9;
	v9 =	vld [tilespmem:s30+$0xFFFFFF90]  }
0x26c: {  	v10 =	vld [tilespmem:s31+$0xFFFFFF90];
	_ =	sdelay $0x4  }
0x26d: {  	v9 =	vadd.f32 v10, v9;
	_ =	sdelay $0x1  }
0x26e: {  	v9 =	vadd.f32 v9, v8;
	_ =	sdelay $0x1  }
0x26f: {  	[tilespmem:s30+$0xFFFFFF90] =	vst v9;
	v9 =	vld [tilespmem:s30+$0xFFFFFFA0]  }
0x270: {  	v10 =	vld [tilespmem:s31+$0xFFFFFFA0];
	_ =	sdelay $0x4  }
0x271: {  	v9 =	vadd.f32 v10, v9;
	_ =	sdelay $0x1  }
0x272: {  	v9 =	vadd.f32 v9, v8;
	_ =	sdelay $0x1  }
0x273: {  	[tilespmem:s30+$0xFFFFFFA0] =	vst v9;
	v9 =	vld [tilespmem:s30+$0xFFFFFFB0]  }
0x274: {  	v10 =	vld [tilespmem:s31+$0xFFFFFFB0];
	_ =	sdelay $0x4  }
0x275: {  	v9 =	vadd.f32 v10, v9;
	_ =	sdelay $0x1  }
0x276: {  	v9 =	vadd.f32 v9, v8;
	_ =	sdelay $0x1  }
0x277: {  	[tilespmem:s30+$0xFFFFFFB0] =	vst v9;
	v9 =	vld [tilespmem:s30+$0xFFFFFFC0]  }
0x278: {  	v10 =	vld [tilespmem:s31+$0xFFFFFFC0];
	_ =	sdelay $0x4  }
0x279: {  	v9 =	vadd.f32 v10, v9;
	_ =	sdelay $0x1  }
0x27a: {  	v9 =	vadd.f32 v9, v8;
	_ =	sdelay $0x1  }
0x27b: {  	[tilespmem:s30+$0xFFFFFFC0] =	vst v9;
	v9 =	vld [tilespmem:s30+$0xFFFFFFD0]  }
0x27c: {  	v10 =	vld [tilespmem:s31+$0xFFFFFFD0];
	_ =	sdelay $0x4  }
0x27d: {  	v9 =	vadd.f32 v10, v9;
	_ =	sdelay $0x1  }
0x27e: {  	v9 =	vadd.f32 v9, v8;
	_ =	sdelay $0x1  }
0x27f: {  	[tilespmem:s30+$0xFFFFFFD0] =	vst v9;
	v9 =	vld [tilespmem:s30+$0xFFFFFFE0]  }
0x280: {  	v10 =	vld [tilespmem:s31+$0xFFFFFFE0];
	_ =	sdelay $0x4  }
0x281: {  	v9 =	vadd.f32 v10, v9;
	_ =	sdelay $0x1  }
0x282: {  	v9 =	vadd.f32 v9, v8;
	_ =	sdelay $0x1  }
0x283: {  	[tilespmem:s30+$0xFFFFFFE0] =	vst v9;
	v9 =	vld [tilespmem:s30+$0xFFFFFFF0]  }
0x284: {  	v10 =	vld [tilespmem:s31+$0xFFFFFFF0];
	_ =	sdelay $0x4  }
0x285: {  	v9 =	vadd.f32 v10, v9;
	_ =	sdelay $0x1  }
0x286: {  	v9 =	vadd.f32 v9, v8;
	_ =	sdelay $0x1  }
0x287: {  	[tilespmem:s30+$0xFFFFFFF0] =	vst v9;
	v9 =	vld [tilespmem:s30+$0x0]  }
0x288: {  	v10 =	vld [tilespmem:s31+$0x0];
	_ =	sdelay $0x4  }
0x289: {  	v9 =	vadd.f32 v10, v9;
	_ =	sdelay $0x1  }
0x28a: {  	v9 =	vadd.f32 v9, v8;
	_ =	sdelay $0x1  }
0x28b: {  	[tilespmem:s30+$0x0] =	vst v9;
	v9 =	vld [tilespmem:s30+$0x10]  }
0x28c: {  	v10 =	vld [tilespmem:s31+$0x10];
	_ =	sdelay $0x4  }
0x28d: {  	v9 =	vadd.f32 v10, v9;
	_ =	sdelay $0x1  }
0x28e: {  	v9 =	vadd.f32 v9, v8;
	_ =	sdelay $0x1  }
0x28f: {  	[tilespmem:s30+$0x10] =	vst v9;
	v9 =	vld [tilespmem:s30+$0x20]  }
0x290: {  	v10 =	vld [tilespmem:s31+$0x20];
	_ =	sdelay $0x4  }
0x291: {  	v9 =	vadd.f32 v10, v9;
	_ =	sdelay $0x1  }
0x292: {  	v9 =	vadd.f32 v9, v8;
	_ =	sdelay $0x1  }
0x293: {  	[tilespmem:s30+$0x20] =	vst v9;
	v9 =	vld [tilespmem:s30+$0x30]  }
0x294: {  	v10 =	vld [tilespmem:s31+$0x30];
	_ =	sdelay $0x4  }
0x295: {  	v9 =	vadd.f32 v10, v9;
	_ =	sdelay $0x1  }
0x296: {  	v9 =	vadd.f32 v9, v8;
	_ =	sdelay $0x1  }
0x297: {  	[tilespmem:s30+$0x30] =	vst v9;
	v9 =	vld [tilespmem:s30+$0x40]  }
0x298: {  	v10 =	vld [tilespmem:s31+$0x40];
	_ =	sdelay $0x4  }
0x299: {  	v9 =	vadd.f32 v10, v9;
	_ =	sdelay $0x1  }
0x29a: {  	v9 =	vadd.f32 v9, v8;
	_ =	sdelay $0x1  }
0x29b: {  	[tilespmem:s30+$0x40] =	vst v9;
	v9 =	vld [tilespmem:s30+$0x50]  }
0x29c: {  	v10 =	vld [tilespmem:s31+$0x50];
	_ =	sdelay $0x4  }
0x29d: {  	v9 =	vadd.f32 v10, v9;
	_ =	sdelay $0x1  }
0x29e: {  	v9 =	vadd.f32 v9, v8;
	_ =	sdelay $0x1  }
0x29f: {  	[tilespmem:s30+$0x50] =	vst v9;
	v9 =	vld [tilespmem:s30+$0x60]  }
0x2a0: {  	v10 =	vld [tilespmem:s31+$0x60];
	_ =	sdelay $0x4  }
0x2a1: {  	v9 =	vadd.f32 v10, v9;
	_ =	sdelay $0x1  }
0x2a2: {  	v9 =	vadd.f32 v9, v8;
	_ =	sdelay $0x1  }
0x2a3: {  	[tilespmem:s30+$0x60] =	vst v9;
	v9 =	vld [tilespmem:s30+$0x70]  }
0x2a4: {  	v10 =	vld [tilespmem:s31+$0x70];
	_ =	sdelay $0x4  }
.Ltmp3:
0x2a5: {  	v9 =	vadd.f32 v10, v9;
	(pc) =	sbr.rel @p0 .LBB2_8-.Ltmp3, $4  }
0x2a6: {  	_ = 	snop  }
0x2a7: {  	v8 =	vadd.f32 v9, v8  }
0x2a8: {  	s7 =	sadd.s32 $0x4, s7;
	s30 =	sadd.s32 $0x101, s30  }
0x2a9: {  	s14 =	sadd.s32 $0x1, s14;
	s9 =	sand.u32 $0x40, s7;
	s31 =	sadd.s32 $0x100, s31;
	v9 =	vld [tilespmem:s30+$0xFFFFFF80];
	[tilespmem:s0+$0x70] =	vst v8  }
0x2aa: {  	s0 =	sshrl.u32 s9, $0x2;
	v8 =	vld [tilespmem:s31+$0xFFFFFF80]  }
0x2ab: {  	v10 =	vld [tilespmem:s0+$0xF520];
	_ =	sdelay $0x3  }
0x2ac: {  	v11 =	vmov s5  }
0x2ad: {  	v8 =	vadd.f32 v8, v9;
	v10 =	vperm.xlane v10, v11;
	_ =	sdelay $0x1  }
0x2ae: {  	v8 =	vadd.f32 v8, v10;
	_ =	sdelay $0x1  }
0x2af: {  	[tilespmem:s30+$0xFFFFFF80] =	vst v8;
	v8 =	vld [tilespmem:s30+$0xFFFFFF90]  }
0x2b0: {  	v33 =	vld [tilespmem:s31+$0xFFFFFF90];
	_ =	sdelay $0x4  }
0x2b1: {  	v8 =	vadd.f32 v33, v8;
	_ =	sdelay $0x1  }
0x2b2: {  	v8 =	vadd.f32 v8, v10;
	_ =	sdelay $0x1  }
0x2b3: {  	[tilespmem:s30+$0xFFFFFF90] =	vst v8;
	v8 =	vld [tilespmem:s30+$0xFFFFFFA0]  }
0x2b4: {  	v34 =	vld [tilespmem:s31+$0xFFFFFFA0];
	_ =	sdelay $0x4  }
0x2b5: {  	v8 =	vadd.f32 v34, v8;
	_ =	sdelay $0x1  }
0x2b6: {  	v8 =	vadd.f32 v8, v10;
	_ =	sdelay $0x1  }
0x2b7: {  	[tilespmem:s30+$0xFFFFFFA0] =	vst v8;
	v8 =	vld [tilespmem:s30+$0xFFFFFFB0]  }
0x2b8: {  	v35 =	vld [tilespmem:s31+$0xFFFFFFB0];
	_ =	sdelay $0x4  }
0x2b9: {  	v8 =	vadd.f32 v35, v8;
	_ =	sdelay $0x1  }
0x2ba: {  	v8 =	vadd.f32 v8, v10;
	_ =	sdelay $0x1  }
0x2bb: {  	[tilespmem:s30+$0xFFFFFFB0] =	vst v8;
	v8 =	vld [tilespmem:s30+$0xFFFFFFC0]  }
0x2bc: {  	v36 =	vld [tilespmem:s31+$0xFFFFFFC0];
	_ =	sdelay $0x4  }
0x2bd: {  	v8 =	vadd.f32 v36, v8;
	_ =	sdelay $0x1  }
0x2be: {  	v8 =	vadd.f32 v8, v10;
	_ =	sdelay $0x1  }
0x2bf: {  	[tilespmem:s30+$0xFFFFFFC0] =	vst v8;
	v8 =	vld [tilespmem:s30+$0xFFFFFFD0]  }
0x2c0: {  	v37 =	vld [tilespmem:s31+$0xFFFFFFD0];
	_ =	sdelay $0x4  }
0x2c1: {  	v8 =	vadd.f32 v37, v8;
	_ =	sdelay $0x1  }
0x2c2: {  	v8 =	vadd.f32 v8, v10;
	_ =	sdelay $0x1  }
0x2c3: {  	[tilespmem:s30+$0xFFFFFFD0] =	vst v8;
	v8 =	vld [tilespmem:s30+$0xFFFFFFE0]  }
0x2c4: {  	v38 =	vld [tilespmem:s31+$0xFFFFFFE0];
	_ =	sdelay $0x4  }
0x2c5: {  	v8 =	vadd.f32 v38, v8;
	_ =	sdelay $0x1  }
0x2c6: {  	v8 =	vadd.f32 v8, v10;
	_ =	sdelay $0x1  }
0x2c7: {  	[tilespmem:s30+$0xFFFFFFE0] =	vst v8;
	v8 =	vld [tilespmem:s30+$0xFFFFFFF0]  }
0x2c8: {  	v39 =	vld [tilespmem:s31+$0xFFFFFFF0];
	_ =	sdelay $0x4  }
0x2c9: {  	v8 =	vadd.f32 v39, v8;
	_ =	sdelay $0x1  }
0x2ca: {  	v8 =	vadd.f32 v8, v10;
	_ =	sdelay $0x1  }
0x2cb: {  	[tilespmem:s30+$0xFFFFFFF0] =	vst v8;
	v8 =	vld [tilespmem:s30+$0x0]  }
0x2cc: {  	v40 =	vld [tilespmem:s31+$0x0];
	_ =	sdelay $0x4  }
0x2cd: {  	v8 =	vadd.f32 v40, v8;
	_ =	sdelay $0x1  }
0x2ce: {  	v8 =	vadd.f32 v8, v10;
	_ =	sdelay $0x1  }
0x2cf: {  	[tilespmem:s30+$0x0] =	vst v8;
	v8 =	vld [tilespmem:s30+$0x10]  }
0x2d0: {  	v41 =	vld [tilespmem:s31+$0x10];
	_ =	sdelay $0x4  }
0x2d1: {  	v8 =	vadd.f32 v41, v8;
	_ =	sdelay $0x1  }
0x2d2: {  	v8 =	vadd.f32 v8, v10;
	_ =	sdelay $0x1  }
0x2d3: {  	[tilespmem:s30+$0x10] =	vst v8;
	v8 =	vld [tilespmem:s30+$0x20]  }
0x2d4: {  	v42 =	vld [tilespmem:s31+$0x20];
	_ =	sdelay $0x4  }
0x2d5: {  	v8 =	vadd.f32 v42, v8;
	_ =	sdelay $0x1  }
0x2d6: {  	v8 =	vadd.f32 v8, v10;
	_ =	sdelay $0x1  }
0x2d7: {  	[tilespmem:s30+$0x20] =	vst v8;
	v8 =	vld [tilespmem:s30+$0x30]  }
0x2d8: {  	v43 =	vld [tilespmem:s31+$0x30];
	_ =	sdelay $0x4  }
0x2d9: {  	v8 =	vadd.f32 v43, v8;
	_ =	sdelay $0x1  }
0x2da: {  	v8 =	vadd.f32 v8, v10;
	_ =	sdelay $0x1  }
0x2db: {  	[tilespmem:s30+$0x30] =	vst v8;
	v8 =	vld [tilespmem:s30+$0x40]  }
0x2dc: {  	v44 =	vld [tilespmem:s31+$0x40];
	_ =	sdelay $0x4  }
0x2dd: {  	v8 =	vadd.f32 v44, v8;
	_ =	sdelay $0x1  }
0x2de: {  	v8 =	vadd.f32 v8, v10;
	_ =	sdelay $0x1  }
0x2df: {  	[tilespmem:s30+$0x40] =	vst v8;
	v8 =	vld [tilespmem:s30+$0x50]  }
0x2e0: {  	v45 =	vld [tilespmem:s31+$0x50];
	_ =	sdelay $0x4  }
0x2e1: {  	v8 =	vadd.f32 v45, v8;
	_ =	sdelay $0x1  }
0x2e2: {  	v8 =	vadd.f32 v8, v10;
	_ =	sdelay $0x1  }
0x2e3: {  	[tilespmem:s30+$0x50] =	vst v8;
	v8 =	vld [tilespmem:s30+$0x60]  }
0x2e4: {  	v46 =	vld [tilespmem:s31+$0x60];
	_ =	sdelay $0x4  }
0x2e5: {  	v8 =	vadd.f32 v46, v8;
	_ =	sdelay $0x1  }
0x2e6: {  	v8 =	vadd.f32 v8, v10;
	_ =	sdelay $0x1  }
0x2e7: {  	[tilespmem:s30+$0x60] =	vst v8;
	v8 =	vld [tilespmem:s30+$0x70]  }
0x2e8: {  	v47 =	vld [tilespmem:s31+$0x70];
	_ =	sdelay $0x4  }
0x2e9: {  	v8 =	vadd.f32 v47, v8;
	_ =	sdelay $0x1  }
0x2ea: {  	v8 =	vadd.f32 v8, v10;
	_ =	sdelay $0x1  }
0x2eb: {  	[tilespmem:s30+$0x70] =	vst v8  }
0x2ec: {  	[hbm4b:s3+s1] =	stream.linear.scatter [tilespmem:s25], [sflag:$0x5], $0x2020, $0x38;
	[tilespmem:$0x1B840] =	vst v63  }
0x2ed: {  	_ =	swait.ge [sflag:s26], $0x2020  }
0x2ee: {  	[sflag:s26] =	ssyncset.done $0x0  }
0x2ef: {  	[sflag:s26] =	ssyncadd.s32 $0xFFFFDFE0  }
0x2f0: {  	_ =	swait.ge [sflag:s28], $0x2020  }
0x2f1: {  	[sflag:s28] =	ssyncset.done $0x0  }
0x2f2: {  	[sflag:s28] =	ssyncadd.s32 $0xFFFFDFE0  }
0x2f3: {  	_ =	swait.ge [sflag:s20], $0x80  }
0x2f4: {  	[sflag:s20] =	ssyncset.done $0x0  }
0x2f5: {  	[sflag:s20] =	ssyncadd.s32 $0xFFFFFF80  }
0x2f6: {  	v8 =	vld [tilespmem:$0xF6C0]  }
0x2f7: {  	v48 =	vld [tilespmem:$0xF4C0]  }
0x2f8: {  	v49 =	vld [tilespmem:$0xF5C0]  }
0x2f9: {  	v50 =	vld [tilespmem:$0xF6D0]  }
0x2fa: {  	v12 =	vld [tilespmem:$0xF4D0]  }
0x2fb: {  	v13 =	vld [tilespmem:$0xF5D0]  }
0x2fc: {  	v14 =	vld [tilespmem:$0xF6E0]  }
0x2fd: {  	v15 =	vld [tilespmem:$0xF4E0]  }
0x2fe: {  	v16 =	vld [tilespmem:$0xF5E0]  }
0x2ff: {  	v17 =	vld [tilespmem:$0xF6F0]  }
0x300: {  	v18 =	vld [tilespmem:$0xF4F0]  }
0x301: {  	v19 =	vld [tilespmem:$0xF5F0]  }
0x302: {  	v20 =	vld [tilespmem:$0xF700]  }
0x303: {  	v21 =	vld [tilespmem:$0xF500]  }
0x304: {  	v22 =	vld [tilespmem:$0xF600]  }
0x305: {  	v23 =	vld [tilespmem:$0xF710]  }
0x306: {  	v24 =	vld [tilespmem:$0xF510]  }
0x307: {  	v25 =	vld [tilespmem:$0xF610]  }
0x308: {  	v26 =	vld [tilespmem:$0xF720]  }
0x309: {  	v52 =	vld [tilespmem:$0xF730];
	v8 =	vadd.f32 v48, v8  }
0x30a: {  	v54 =	vld [tilespmem:$0xF530];
	v11 =	vadd.f32 v12, v50  }
0x30b: {  	v51 =	vld [tilespmem:$0xF520];
	v55 =	vadd.f32 v18, v17;
	v8 =	vadd.f32 v49, v8  }
0x30c: {  	v58 =	vld [tilespmem:$0xF630];
	v53 =	vadd.f32 v15, v14;
	v11 =	vadd.f32 v13, v11  }
0x30d: {  	v56 =	vld [tilespmem:$0xF620];
	v60 =	vadd.f32 v24, v23;
	v59 =	vadd.f32 v19, v55;
	[tilespmem:$0xF6C0] =	vst v8  }
0x30e: {  	v57 =	vadd.f32 v21, v20;
	v8 =	vadd.f32 v16, v53;
	[tilespmem:$0xF6D0] =	vst v11  }
0x30f: {  	v62 =	vadd.f32 v54, v52;
	v61 =	vadd.f32 v25, v60;
	[tilespmem:$0xF6F0] =	vst v59  }
0x310: {  	v9 =	vadd.f32 v51, v26;
	[tilespmem:$0xF6E0] =	vst v8;
	v8 =	vadd.f32 v22, v57  }
0x311: {  	v63 =	vadd.f32 v58, v62;
	[tilespmem:$0xF710] =	vst v61  }
0x312: {  	s29 =	sadd.s32 $0x1, s29;
	[tilespmem:$0xF700] =	vst v8;
	v8 =	vadd.f32 v56, v9  }
0x313: {  	p0 =	sne.s32 s29, s4;
	[tilespmem:$0xF730] =	vst v63  }
.Ltmp4:
0x314: {  	s14 =	simm.s32 $0xF640;
	[tilespmem:$0xF720] =	vst v8;
	(pc) =	sbr.rel @p0 .LBB2_1-.Ltmp4, $4  }
0x315: {  	[hbm4b:s18+s8] =	stream.indirect.scatter [tilespmem:s10], [sflag:$0x3], $0x1, s14, s8, $0xb8;
	[tilespmem:$0x1B840] =	vst v63  }
0x316: {  	_ =	swait.ge [sflag:s20], $0x80  }
0x317: {  	[sflag:s20] =	ssyncset.done $0x0  }
0x318: {  	[sflag:s20] =	ssyncadd.s32 $0xFFFFFF80  }
0x319: {  	_ =	sfence.sel $0x180000  }
0x31a: {  	[bflag:$0x0] =	sbarrier.arrive $0xFFFF  }
0x31b: {  	_ =	strace $0x90000047  }
0x31c: {  	s0 =	stileid.u32;
	[bflag:$0x2] =	sbarrier.arrive $0xFFFF  }
0x31d: {  	p0 =	sne.s32 s0, $0x0;
	s0 =	rddreg [dreg:$0x5]  }
0x31e: {  	s0 =	sadd.s32 @!p0 $0x100000, s0  }
0x31f: {  	[sflag:s0] =	ssyncadd.tile.s32 @!p0 $0x1;
	_ =	shalt  }
.Lfunc_end2:
_tile_overlayer_lowered:
.L_overlay_start_2:
0x320: {  	(tag) =	ssettag $0x2  }
0x321: {  	s0 =	rddreg [dreg:$0x0];
	s2 =	stileid.u32  }
0x322: {  	s1 =	rddreg [dreg:$0x1];
	p0 =	sne.s32 s2, $0x0  }
0x323: {  	s3 =	rddreg [dreg:$0x2];
	[bflag:$0x3] =	sbarrier.arrive $0xFFFF;
	s2 =	simm.s32 @!p0 $0x1C06  }
0x324: {  	[timem:s3], [sflag:s2] =	dma.local @!p0 [hbm:s0], s1  }
0x325: {  	s0 =	simm.s32 @!p0 $0x6  }
0x326: {  	_ =	swait.ge @!p0 [sflag:s0], s1  }
0x327: {  	s1 =	ssub.s32 @!p0 $0x0, s1;
	[sflag:s0] =	ssyncset.done @!p0 $0x0  }
0x328: {  	[sflag:s0] =	ssyncadd.s32 @!p0 s1  }
0x329: {  	[bflag:$0x3] =	sbarrier.arrive $0xFFFF  }
0x32a: {  	_ =	shalt  }

</sc_bundles>
